<compile_context>
chip_gen: v7x
topology: tpu7x:2x2x1
jax: 0.10.2.dev20260603
libtpu: 0.0.44.dev20260713+nightly
codegen_flags: <defaults>
</compile_context>

<pallas_src>
import functools

import jax
import jax.numpy as jnp
from jax import lax
from jax.experimental import pallas as pl
from jax.experimental.pallas import tpu as pltpu
from jax.experimental.pallas import tpu_sc as plsc

_NC = 2
_NS = 16
_CH = 128
_BN = 1000


def _sc_mesh():
    return plsc.VectorSubcoreMesh(
        core_axis_name="c", subcore_axis_name="s",
        num_cores=_NC, num_subcores=_NS)


@functools.lru_cache(maxsize=None)
def _make_sc_deg(npad, e):
    ec = e // _CH
    ecc = ec // _NC
    maxch = ecc // _NS
    rpt = npad // _NS

    @functools.partial(
        pl.kernel,
        out_type=jax.ShapeDtypeStruct((_NC, npad, 128), jnp.float32),
        mesh=_sc_mesh(),
        scratch_types=[
            pltpu.VMEM((maxch, 1, _CH), jnp.int32),
            pltpu.VMEM((_CH, 128), jnp.float32),
            pltpu.VMEM_SHARED((npad, 128), jnp.float32),
            pltpu.SemaphoreType.DMA,
        ],
    )
    def sc_deg(col3_hbm, e0src_hbm, zeros_hbm, out_hbm, cidx_v, src_v, acc_sh, sem):
        c = lax.axis_index("c")
        s = lax.axis_index("s")
        r0 = s * rpt
        pltpu.sync_copy(e0src_hbm, src_v)
        pltpu.sync_copy(zeros_hbm.at[pl.ds(r0, rpt)], acc_sh.at[pl.ds(r0, rpt)])
        gstart = c * ecc + s * maxch
        pltpu.sync_copy(col3_hbm.at[pl.ds(gstart, maxch)], cidx_v)
        plsc.subcore_barrier()

        def body(j, carry):
            pltpu.async_copy(src_v, acc_sh.at[cidx_v.at[j, 0]], sem, add=True)
            return carry
        lax.fori_loop(0, maxch, body, 0)

        def drain(j, carry):
            pltpu.make_async_copy(src_v, acc_sh.at[cidx_v.at[0, 0]], sem).wait()
            return carry
        lax.fori_loop(0, maxch, drain, 0)

        plsc.subcore_barrier()
        pltpu.sync_copy(acc_sh.at[pl.ds(r0, rpt)],
                        out_hbm.at[c, pl.ds(r0, rpt)])

    return sc_deg


@functools.lru_cache(maxsize=None)
def _make_sc_spmm(npad, e, d):
    ec = e // _CH
    ecc = ec // _NC
    maxch = ecc // _NS
    rpt = npad // _NS

    @functools.partial(
        pl.kernel,
        out_type=jax.ShapeDtypeStruct((_NC, npad, d), jnp.float32),
        mesh=_sc_mesh(),
        scratch_types=[
            pltpu.VMEM((maxch * _CH,), jnp.int32),
            pltpu.VMEM((2, 1, _CH), jnp.int32),
            pltpu.VMEM((_CH, d), jnp.float32),
            pltpu.VMEM((_CH, d), jnp.float32),
            pltpu.VMEM_SHARED((npad, d), jnp.float32),
            pltpu.SemaphoreType.DMA,
            pltpu.SemaphoreType.DMA,
            pltpu.SemaphoreType.DMA,
            pltpu.SemaphoreType.DMA,
        ],
    )
    def sc_spmm(row_hbm, col3_hbm, table_hbm, zeros_hbm, out_hbm,
                ridx_v, cidx_v, rows0, rows1, acc_sh, sem0, sem1, semc0, semc1):
        c = lax.axis_index("c")
        s = lax.axis_index("s")
        r0 = s * rpt
        pltpu.sync_copy(zeros_hbm.at[pl.ds(r0, rpt)], acc_sh.at[pl.ds(r0, rpt)])
        gstart = c * ecc + s * maxch
        goff = pl.multiple_of(gstart * _CH, _CH)
        pltpu.sync_copy(row_hbm.at[pl.ds(goff, maxch * _CH)], ridx_v)
        plsc.subcore_barrier()

        def gather(j, rows_v, sem):
            off = pl.multiple_of(j * _CH, _CH)
            pltpu.async_copy(
                table_hbm.at[ridx_v.at[pl.ds(off, _CH)]], rows_v, sem)

        def gwait(rows_v, sem):
            pltpu.make_async_copy(zeros_hbm.at[pl.ds(0, _CH)], rows_v, sem).wait()

        def cload(j, q, sem):
            pltpu.async_copy(col3_hbm.at[pl.ds(gstart + j, 1)],
                             cidx_v.at[pl.ds(q, 1)], sem)

        def cwait(q, sem):
            pltpu.make_async_copy(col3_hbm.at[pl.ds(gstart, 1)],
                                  cidx_v.at[pl.ds(q, 1)], sem).wait()

        gather(0, rows0, sem0)
        cload(0, 0, semc0)
        cload(1, 1, semc1)

        def pair(k, carry):
            j0 = 2 * k
            gather(j0 + 1, rows1, sem1)
            gwait(rows0, sem0)
            cwait(0, semc0)
            pltpu.sync_copy(rows0, acc_sh.at[cidx_v.at[0, 0]], add=True)

            @pl.when(k < maxch // 2 - 1)
            def _():
                gather(j0 + 2, rows0, sem0)
                cload(j0 + 2, 0, semc0)
            gwait(rows1, sem1)
            cwait(1, semc1)
            pltpu.sync_copy(rows1, acc_sh.at[cidx_v.at[1, 0]], add=True)

            @pl.when(k < maxch // 2 - 1)
            def _():
                cload(j0 + 3, 1, semc1)
            return carry
        lax.fori_loop(0, maxch // 2, pair, 0)

        plsc.subcore_barrier()
        pltpu.sync_copy(acc_sh.at[pl.ds(r0, rpt)],
                        out_hbm.at[c, pl.ds(r0, rpt)])

    return sc_spmm


def _dinv_body(d0_ref, d1_ref, o_ref, *, pad, bpre):
    grow = pl.program_id(0) * bpre + lax.broadcasted_iota(jnp.int32, (bpre, 1), 0)
    deg = d0_ref[:, :1] + d1_ref[:, :1] + 1.0 - (grow < pad).astype(jnp.float32)
    o_ref[...] = lax.rsqrt(deg)


def _tc_dinv(d0, d1, pad):
    npad = d0.shape[0]
    bpre = npad // 16
    return pl.pallas_call(
        functools.partial(_dinv_body, pad=pad, bpre=bpre),
        grid=(npad // bpre,),
        in_specs=[pl.BlockSpec((bpre, 128), lambda i: (i, 0))] * 2,
        out_specs=pl.BlockSpec((bpre, 1), lambda i: (i, 0)),
        out_shape=jax.ShapeDtypeStruct((npad, 1), jnp.float32),
    )(d0, d1)


def _pre_body(f_ref, w_ref, dinv_ref, cs_ref, css_ref, g_ref, be_ref, o_ref,
              *, inv_n, nreal, bpre):
    mean = cs_ref[...] * inv_n
    var = css_ref[...] * inv_n - mean * mean
    alpha = lax.rsqrt(var + 1e-5) * g_ref[...]
    gamma = be_ref[...] - mean * alpha
    fn = f_ref[...] * alpha + gamma
    u = dinv_ref[...] * jnp.dot(fn, w_ref[...],
                                preferred_element_type=jnp.float32)
    grow = pl.program_id(0) * bpre + lax.broadcasted_iota(
        jnp.int32, (bpre, 1), 0)
    o_ref[...] = jnp.where(grow < nreal, u, 0.0)


def _tc_pre(f, w, dinv, cs, css, g, be, nreal):
    npad, din = f.shape
    h = w.shape[1]
    bpre = npad // 16
    return pl.pallas_call(
        functools.partial(_pre_body, inv_n=1.0 / nreal, nreal=nreal, bpre=bpre),
        grid=(npad // bpre,),
        in_specs=[
            pl.BlockSpec((bpre, din), lambda i: (i, 0)),
            pl.BlockSpec((din, h), lambda i: (0, 0)),
            pl.BlockSpec((bpre, 1), lambda i: (i, 0)),
            pl.BlockSpec((1, din), lambda i: (0, 0)),
            pl.BlockSpec((1, din), lambda i: (0, 0)),
            pl.BlockSpec((1, din), lambda i: (0, 0)),
            pl.BlockSpec((1, din), lambda i: (0, 0)),
        ],
        out_specs=pl.BlockSpec((bpre, h), lambda i: (i, 0)),
        out_shape=jax.ShapeDtypeStruct((npad, h), jnp.float32),
    )(f, w, dinv, cs, css, g, be)


def _post_body(p0_ref, p1_ref, u_ref, dinv_ref, b_ref, z_ref, cs_ref, css_ref,
               *, nreal, bpre):
    z = jnp.maximum(
        dinv_ref[...] * (p0_ref[...] + p1_ref[...] + u_ref[...]) + b_ref[...],
        0.0)
    grow = pl.program_id(0) * bpre + lax.broadcasted_iota(
        jnp.int32, (bpre, 1), 0)
    z = jnp.where(grow < nreal, z, 0.0)
    z_ref[...] = z

    @pl.when(pl.program_id(0) == 0)
    def _():
        cs_ref[...] = jnp.zeros_like(cs_ref)
        css_ref[...] = jnp.zeros_like(css_ref)

    cs_ref[...] += jnp.sum(z, axis=0, keepdims=True)
    css_ref[...] += jnp.sum(z * z, axis=0, keepdims=True)


def _tc_post(p0, p1, u, dinv, b, nreal):
    npad, h = u.shape
    bpre = npad // 16
    return pl.pallas_call(
        functools.partial(_post_body, nreal=nreal, bpre=bpre),
        grid=(npad // bpre,),
        in_specs=[
            pl.BlockSpec((bpre, h), lambda i: (i, 0)),
            pl.BlockSpec((bpre, h), lambda i: (i, 0)),
            pl.BlockSpec((bpre, h), lambda i: (i, 0)),
            pl.BlockSpec((bpre, 1), lambda i: (i, 0)),
            pl.BlockSpec((1, h), lambda i: (0, 0)),
        ],
        out_specs=[
            pl.BlockSpec((bpre, h), lambda i: (i, 0)),
            pl.BlockSpec((1, h), lambda i: (0, 0)),
            pl.BlockSpec((1, h), lambda i: (0, 0)),
        ],
        out_shape=[
            jax.ShapeDtypeStruct((npad, h), jnp.float32),
            jax.ShapeDtypeStruct((1, h), jnp.float32),
            jax.ShapeDtypeStruct((1, h), jnp.float32),
        ],
    )(p0, p1, u, dinv, b)



def _mid_body(p0_ref, p1_ref, u_ref, dinv_ref, b_ref, w_ref, g_ref, be_ref,
              o_ref, z_scr, cs_scr, css_scr, *, inv_n, nreal, bpre):
    ph = pl.program_id(0)
    i = pl.program_id(1)
    grow = i * bpre + lax.broadcasted_iota(jnp.int32, (bpre, 1), 0)

    @pl.when(ph == 0)
    def _():
        z = jnp.maximum(
            dinv_ref[...] * (p0_ref[...] + p1_ref[...] + u_ref[...])
            + b_ref[...], 0.0)
        z = jnp.where(grow < nreal, z, 0.0)
        z_scr[pl.ds(i * bpre, bpre), :] = z

        @pl.when(i == 0)
        def _():
            cs_scr[...] = jnp.zeros_like(cs_scr)
            css_scr[...] = jnp.zeros_like(css_scr)

        cs_scr[...] += jnp.sum(z, axis=0, keepdims=True)
        css_scr[...] += jnp.sum(z * z, axis=0, keepdims=True)

    @pl.when(ph == 1)
    def _():
        mean = cs_scr[...] * inv_n
        var = css_scr[...] * inv_n - mean * mean
        alpha = lax.rsqrt(var + 1e-5) * g_ref[...]
        gamma = be_ref[...] - mean * alpha
        fn = z_scr[pl.ds(i * bpre, bpre), :] * alpha + gamma
        un = dinv_ref[...] * jnp.dot(fn, w_ref[...],
                                     preferred_element_type=jnp.float32)
        o_ref[...] = jnp.where(grow < nreal, un, 0.0)


def _tc_mid(p0, p1, u, dinv, b, w, g, be, nreal):
    npad, h = u.shape
    bpre = npad // 16
    return pl.pallas_call(
        functools.partial(_mid_body, inv_n=1.0 / nreal, nreal=nreal, bpre=bpre),
        grid=(2, npad // bpre),
        in_specs=[
            pl.BlockSpec((bpre, h), lambda ph, i: (i, 0)),
            pl.BlockSpec((bpre, h), lambda ph, i: (i, 0)),
            pl.BlockSpec((bpre, h), lambda ph, i: (i, 0)),
            pl.BlockSpec((bpre, 1), lambda ph, i: (i, 0)),
            pl.BlockSpec((1, h), lambda ph, i: (0, 0)),
            pl.BlockSpec((h, h), lambda ph, i: (0, 0)),
            pl.BlockSpec((1, h), lambda ph, i: (0, 0)),
            pl.BlockSpec((1, h), lambda ph, i: (0, 0)),
        ],
        out_specs=pl.BlockSpec((bpre, h), lambda ph, i: (i, 0)),
        out_shape=jax.ShapeDtypeStruct((npad, h), jnp.float32),
        scratch_shapes=[
            pltpu.VMEM((npad, h), jnp.float32),
            pltpu.VMEM((1, h), jnp.float32),
            pltpu.VMEM((1, h), jnp.float32),
        ],
    )(p0, p1, u, dinv, b, w, g, be)


def _pool_body(p0_ref, p1_ref, u_ref, dinv_ref, b_ref, bat_ref, wf_ref, bf_ref,
               o_ref, acc, cnt, *, ngrid, ngraphs):
    i = pl.program_id(0)
    hloc = dinv_ref[...] * (p0_ref[...] + p1_ref[...] + u_ref[...]) + b_ref[...]
    m = (bat_ref[...] == lax.broadcasted_iota(
        jnp.int32, (bat_ref.shape[0], ngraphs), 1)).astype(jnp.float32)
    dn = (((0,), (0,)), ((), ()))
    pm = lax.dot_general(m, hloc, dn, preferred_element_type=jnp.float32)
    pc = lax.dot_general(m, jnp.ones_like(hloc), dn,
                         preferred_element_type=jnp.float32)

    @pl.when(i == 0)
    def _():
        acc[...] = jnp.zeros_like(acc)
        cnt[...] = jnp.zeros_like(cnt)

    acc[...] += pm
    cnt[...] += pc

    @pl.when(i == ngrid - 1)
    def _():
        pooled = acc[...] / jnp.maximum(cnt[...], 1.0)
        o_ref[...] = jnp.dot(
            pooled, wf_ref[...], preferred_element_type=jnp.float32) + bf_ref[...]


def _tc_pool(p0, p1, u, dinv, b, bat, wf, bf, ngraphs):
    n, h = u.shape
    co = wf.shape[1]
    ngrid = n // _BN
    return pl.pallas_call(
        functools.partial(_pool_body, ngrid=ngrid, ngraphs=ngraphs),
        grid=(ngrid,),
        in_specs=[
            pl.BlockSpec((_BN, h), lambda i: (i, 0)),
            pl.BlockSpec((_BN, h), lambda i: (i, 0)),
            pl.BlockSpec((_BN, h), lambda i: (i, 0)),
            pl.BlockSpec((_BN, 1), lambda i: (i, 0)),
            pl.BlockSpec((1, h), lambda i: (0, 0)),
            pl.BlockSpec((_BN, 1), lambda i: (i, 0)),
            pl.BlockSpec((h, co), lambda i: (0, 0)),
            pl.BlockSpec((1, co), lambda i: (0, 0)),
        ],
        out_specs=pl.BlockSpec((ngraphs, co), lambda i: (0, 0)),
        out_shape=jax.ShapeDtypeStruct((ngraphs, co), jnp.float32),
        scratch_shapes=[
            pltpu.VMEM((ngraphs, h), jnp.float32),
            pltpu.VMEM((ngraphs, h), jnp.float32),
        ],
    )(p0, p1, u, dinv, b, bat, wf, bf)


def kernel(x, edge_index, batch, W0, b0, g0, beta0, W1, b1, g1, beta1,
           W2, b2, Wf, bf):
    n, d = x.shape
    e = edge_index.shape[1]
    h = W0.shape[1]
    ngraphs = 64
    npad = _NS * (-(-n // (_NS * 8)) * 8)

    nch = -(-e // _CH)
    ecpad = -(-nch // (2 * _NC * _NS)) * (2 * _NC * _NS)
    epad = ecpad * _CH
    pad = epad - e
    rowpad = n + jnp.arange(pad, dtype=jnp.int32) % (npad - n)
    row = jnp.concatenate([edge_index[0], rowpad])
    colpad = jnp.arange(pad, dtype=jnp.int32)
    col3 = jnp.concatenate([edge_index[1], colpad]).reshape(ecpad, 1, _CH)
    zeros_nd = jnp.zeros((npad, d), jnp.float32)
    e0src = jnp.zeros((_CH, 128), jnp.float32).at[:, 0].set(1.0)

    xp = jnp.concatenate([x, jnp.zeros((npad - n, d), jnp.float32)])

    deg = _make_sc_deg(npad, epad)(col3, e0src, zeros_nd)
    dinv = _tc_dinv(deg[0], deg[1], pad)

    cs = jnp.zeros((1, d), jnp.float32)
    css = jnp.full((1, d), n * (1.0 - 1e-5), jnp.float32)
    ones_r = jnp.ones((1, d), jnp.float32)
    zeros_r = jnp.zeros((1, d), jnp.float32)

    spmm = _make_sc_spmm(npad, epad, h)

    u0 = _tc_pre(xp, W0, dinv, cs, css, ones_r, zeros_r, n)
    p = spmm(row, col3, u0, zeros_nd)
    u1 = _tc_mid(p[0], p[1], u0, dinv, b0.reshape(1, h), W1,
                 g0.reshape(1, h), beta0.reshape(1, h), n)
    p = spmm(row, col3, u1, zeros_nd)
    u2 = _tc_mid(p[0], p[1], u1, dinv, b1.reshape(1, h), W2,
                 g1.reshape(1, h), beta1.reshape(1, h), n)
    p = spmm(row, col3, u2, zeros_nd)

    return _tc_pool(p[0], p[1], u2, dinv, b2.reshape(1, h),
                    batch.reshape(n, 1), Wf, bf.reshape(1, -1), ngraphs)

# --- scband reference (transcript-rebuilt; emitter-appended) ---
"""Pipeline reference for scband-gcn3-57071525429592 (READ-ONLY COPY).

The authoritative reference and input builder live on the scoring server;
editing this copy changes nothing except your own understanding.
"""

import jax, jax.numpy as jnp
import numpy as np

N = 10000
E = 320000
D = 128
H = 128
C = 10
G = 64


def setup_inputs(seed: int = 0):
    key = jax.random.key(seed)
    ks = jax.random.split(key, 12)
    x = jax.random.normal(ks[0], (N, D), dtype=jnp.float32)
    edge_index = jax.random.randint(ks[1], (2, E), 0, N, dtype=jnp.int32)
    batch = jnp.sort(jax.random.randint(ks[2], (N,), 0, G, dtype=jnp.int32))
    W0 = jax.random.normal(ks[3], (D, H), dtype=jnp.float32) * (1.0 / np.sqrt(D))
    b0 = jnp.zeros((H,), dtype=jnp.float32)
    g0 = jnp.ones((H,), dtype=jnp.float32)
    beta0 = jnp.zeros((H,), dtype=jnp.float32)
    W1 = jax.random.normal(ks[4], (H, H), dtype=jnp.float32) * (1.0 / np.sqrt(H))
    b1 = jnp.zeros((H,), dtype=jnp.float32)
    g1 = jnp.ones((H,), dtype=jnp.float32)
    beta1 = jnp.zeros((H,), dtype=jnp.float32)
    W2 = jax.random.normal(ks[5], (H, H), dtype=jnp.float32) * (1.0 / np.sqrt(H))
    b2 = jnp.zeros((H,), dtype=jnp.float32)
    Wf = jax.random.normal(ks[6], (H, C), dtype=jnp.float32) * (1.0 / np.sqrt(H))
    bf = jnp.zeros((C,), dtype=jnp.float32)
    return {"x": x, "edge_index": edge_index, "batch": batch,
            "W0": W0, "b0": b0, "g0": g0, "beta0": beta0,
            "W1": W1, "b1": b1, "g1": g1, "beta1": beta1,
            "W2": W2, "b2": b2, "Wf": Wf, "bf": bf}


def _gcn_conv(x, row, col, W, b, n):
    # GCNConv: x' = D^{-1/2} (A + I) D^{-1/2} X W + b  (self-loops already in row/col)
    h = x @ W
    deg = jnp.zeros((n,), dtype=x.dtype).at[col].add(1.0)
    dinv = jnp.where(deg > 0, jax.lax.rsqrt(jnp.maximum(deg, 1e-12)), 0.0)
    norm = dinv[row] * dinv[col]
    msg = h[row] * norm[:, None]
    out = jnp.zeros((n, h.shape[1]), dtype=x.dtype).at[col].add(msg)
    return out + b


def _bn(x, g, b):
    mean = jnp.mean(x, axis=0)
    var = jnp.var(x, axis=0)
    return (x - mean) * jax.lax.rsqrt(var + 1e-5) * g + b


def reference(x, edge_index, batch, W0, b0, g0, beta0, W1, b1, g1, beta1, W2, b2, Wf, bf):
    n = x.shape[0]
    sl = jnp.arange(n, dtype=edge_index.dtype)
    row = jnp.concatenate([edge_index[0], sl])
    col = jnp.concatenate([edge_index[1], sl])
    h = _gcn_conv(x, row, col, W0, b0, n)
    h = jax.nn.relu(h)
    h = _bn(h, g0, beta0)
    h = _gcn_conv(h, row, col, W1, b1, n)
    h = jax.nn.relu(h)
    h = _bn(h, g1, beta1)
    h = _gcn_conv(h, row, col, W2, b2, n)
    sums = jax.ops.segment_sum(h, batch, num_segments=G)
    cnt = jax.ops.segment_sum(jnp.ones((n,), dtype=h.dtype), batch, num_segments=G)
    pooled = sums / jnp.clip(cnt, 1.0, None)[:, None]
    # dropout is identity in eval mode
    return pooled @ Wf + bf

if __name__ == "__main__":
    import jax
    _d = setup_inputs()
    print(jax.jit(kernel)(*tuple(_d.values())))

</pallas_src>

<mosaic_0001>
#map = affine_map<(d0, d1) -> (0)>
#map1 = affine_map<(d0, d1) -> (0, 0, 0)>
#map2 = affine_map<(d0, d1) -> (0, 0)>
module attributes {stable_mosaic.version = 14 : i64} {
  func.func @sc_spmm(%arg0: i32, %arg1: i32, %arg2: memref<327680xi32, #tpu.memory_space<hbm>>, %arg3: memref<2560x1x128xi32, #tpu.memory_space<hbm>>, %arg4: memref<10112x128xf32, #tpu.memory_space<hbm>>, %arg5: memref<10112x128xf32, #tpu.memory_space<hbm>>, %arg6: memref<2x10112x128xf32, #tpu.memory_space<hbm>>, %arg7: memref<10240xi32, #tpu.memory_space<vmem>>, %arg8: memref<2x1x128xi32, #tpu.memory_space<vmem>>, %arg9: memref<128x128xf32, #tpu.memory_space<vmem>>, %arg10: memref<128x128xf32, #tpu.memory_space<vmem>>, %arg11: memref<10112x128xf32, #tpu.memory_space<vmem_shared>>, %arg12: memref<!tpu.dma_semaphore, #tpu.memory_space<semaphore_mem>>, %arg13: memref<!tpu.dma_semaphore, #tpu.memory_space<semaphore_mem>>, %arg14: memref<!tpu.dma_semaphore, #tpu.memory_space<semaphore_mem>>, %arg15: memref<!tpu.dma_semaphore, #tpu.memory_space<semaphore_mem>>) attributes {dimension_semantics = [#tpu.dimension_semantics<core_parallel>, #tpu.dimension_semantics<subcore_parallel>], iteration_bounds = array<i64: 2, 16>, scalar_prefetch = 0 : i64, scratch_operands = 9 : i64, tpu.core_type = #tpu.core_type<sc_vector_subcore>, window_params = [{transform_indices = #map}, {transform_indices = #map1}, {transform_indices = #map2}, {transform_indices = #map2}, {transform_indices = #map1}]} {
    %mul3A = arith.constant 632 : i32
    %mul3A_0 = arith.muli %arg1, %mul3A : i32
    "tpu.region"() ({
      %run_scoped3A = tpu.sem_alloc : memref<!tpu.dma_semaphore, #tpu.memory_space<semaphore_mem>>
      %dma_start3A_50 = arith.constant 0 : i32
      %dma_start3A_51 = tpu.memref_slice %arg11[%mul3A_0, %dma_start3A_50] : memref<10112x128xf32, #tpu.memory_space<vmem_shared>> -> memref<632x128xf32, #tpu.memory_space<vmem_shared>>
      %dma_start3A_52 = arith.constant 0 : i32
      %dma_start3A_53 = tpu.memref_slice %arg5[%mul3A_0, %dma_start3A_52] : memref<10112x128xf32, #tpu.memory_space<hbm>> -> memref<632x128xf32, #tpu.memory_space<hbm>>
      tpu.enqueue_dma source(%dma_start3A_53 : memref<632x128xf32, #tpu.memory_space<hbm>>) target(%dma_start3A_51 : memref<632x128xf32, #tpu.memory_space<vmem_shared>>) target_semaphore(%run_scoped3A : memref<!tpu.dma_semaphore, #tpu.memory_space<semaphore_mem>>)
      %dma_wait3A = arith.constant 0 : i32
      %dma_wait3A_54 = tpu.memref_slice %arg11[%mul3A_0, %dma_wait3A] : memref<10112x128xf32, #tpu.memory_space<vmem_shared>> -> memref<632x128xf32, #tpu.memory_space<vmem_shared>>
      %dma_wait3A_55 = arith.constant 0 : i32
      %dma_wait3A_56 = tpu.memref_slice %arg5[%mul3A_0, %dma_wait3A_55] : memref<10112x128xf32, #tpu.memory_space<hbm>> -> memref<632x128xf32, #tpu.memory_space<hbm>>
      tpu.wait_dma2 semaphore(%run_scoped3A : memref<!tpu.dma_semaphore, #tpu.memory_space<semaphore_mem>>) src(%dma_wait3A_56 : memref<632x128xf32, #tpu.memory_space<hbm>>) dst(%dma_wait3A_54 : memref<632x128xf32, #tpu.memory_space<vmem_shared>>)
      tpu.yield
    }) : () -> ()
    %mul3A_1 = arith.constant 1280 : i32
    %mul3A_2 = arith.muli %arg0, %mul3A_1 : i32
    %mul3A_3 = arith.constant 80 : i32
    %mul3A_4 = arith.muli %arg1, %mul3A_3 : i32
    %add3A = arith.addi %mul3A_2, %mul3A_4 : i32
    %mul3A_5 = arith.constant 128 : i32
    %mul3A_6 = arith.muli %add3A, %mul3A_5 : i32
    %multiple_of3A = tpu.assume_multiple %mul3A_6, 128 : i32
    "tpu.region"() ({
      %run_scoped3A = tpu.sem_alloc : memref<!tpu.dma_semaphore, #tpu.memory_space<semaphore_mem>>
      %dma_start3A_50 = tpu.memref_slice %arg2[%multiple_of3A] : memref<327680xi32, #tpu.memory_space<hbm>> -> memref<10240xi32, #tpu.memory_space<hbm>>
      %dma_start3A_51 = tpu.memref_slice %arg2[%multiple_of3A] : memref<327680xi32, #tpu.memory_space<hbm>> -> memref<10240xi32, #tpu.memory_space<hbm>>
      tpu.enqueue_dma source(%dma_start3A_51 : memref<10240xi32, #tpu.memory_space<hbm>>) target(%arg7 : memref<10240xi32, #tpu.memory_space<vmem>>) target_semaphore(%run_scoped3A : memref<!tpu.dma_semaphore, #tpu.memory_space<semaphore_mem>>)
      %dma_wait3A = tpu.memref_slice %arg2[%multiple_of3A] : memref<327680xi32, #tpu.memory_space<hbm>> -> memref<10240xi32, #tpu.memory_space<hbm>>
      %dma_wait3A_52 = tpu.memref_slice %arg2[%multiple_of3A] : memref<327680xi32, #tpu.memory_space<hbm>> -> memref<10240xi32, #tpu.memory_space<hbm>>
      tpu.wait_dma2 semaphore(%run_scoped3A : memref<!tpu.dma_semaphore, #tpu.memory_space<semaphore_mem>>) src(%dma_wait3A_52 : memref<10240xi32, #tpu.memory_space<hbm>>) dst(%arg7 : memref<10240xi32, #tpu.memory_space<vmem>>)
      tpu.yield
    }) : () -> ()
    %barrier3A = arith.constant 0 : index
    tpu.barrier barrier_id(%barrier3A)
    %multiple_of3A_7 = arith.constant 0 : i32
    %multiple_of3A_8 = tpu.assume_multiple %multiple_of3A_7, 128 : i32
    %dma_start3A = tpu.memref_slice %arg7[%multiple_of3A_8] : memref<10240xi32, #tpu.memory_space<vmem>> -> memref<128xi32, #tpu.memory_space<vmem>>
    %dma_start3A_9 = arith.constant 0 : i32
    %dma_start3A_10 = arith.constant 0 : i32
    %dma_start3A_11 = tpu.memref_slice %arg4[%dma_start3A_9, %dma_start3A_10] : memref<10112x128xf32, #tpu.memory_space<hbm>> -> memref<10112x128xf32, #tpu.memory_space<hbm>>
    tpu.enqueue_indirect_dma source(%dma_start3A_11 : memref<10112x128xf32, #tpu.memory_space<hbm>>) target(%arg9 : memref<128x128xf32, #tpu.memory_space<vmem>>) offsets(%dma_start3A : memref<128xi32, #tpu.memory_space<vmem>>) semaphore(%arg12 : memref<!tpu.dma_semaphore, #tpu.memory_space<semaphore_mem>>)
    %add3A_12 = arith.constant 0 : i32
    %add3A_13 = arith.addi %add3A, %add3A_12 : i32
    %dma_start3A_14 = arith.constant 0 : i32
    %dma_start3A_15 = arith.constant 0 : i32
    %dma_start3A_16 = arith.constant 0 : i32
    %dma_start3A_17 = tpu.memref_slice %arg8[%dma_start3A_14, %dma_start3A_15, %dma_start3A_16] : memref<2x1x128xi32, #tpu.memory_space<vmem>> -> memref<1x1x128xi32, #tpu.memory_space<vmem>>
    %dma_start3A_18 = arith.constant 0 : i32
    %dma_start3A_19 = arith.constant 0 : i32
    %dma_start3A_20 = tpu.memref_slice %arg3[%add3A_13, %dma_start3A_18, %dma_start3A_19] : memref<2560x1x128xi32, #tpu.memory_space<hbm>> -> memref<1x1x128xi32, #tpu.memory_space<hbm>>
    %dma_start3A_21 = arith.constant 0 : i32
    %dma_start3A_22 = arith.constant 0 : i32
    %dma_start3A_23 = arith.constant 0 : i32
    %dma_start3A_24 = tpu.memref_slice %arg8[%dma_start3A_21, %dma_start3A_22, %dma_start3A_23] : memref<2x1x128xi32, #tpu.memory_space<vmem>> -> memref<1x1x128xi32, #tpu.memory_space<vmem>>
    %dma_start3A_25 = arith.constant 0 : i32
    %dma_start3A_26 = arith.constant 0 : i32
    %dma_start3A_27 = tpu.memref_slice %arg3[%add3A_13, %dma_start3A_25, %dma_start3A_26] : memref<2560x1x128xi32, #tpu.memory_space<hbm>> -> memref<1x1x128xi32, #tpu.memory_space<hbm>>
    tpu.enqueue_dma source(%dma_start3A_27 : memref<1x1x128xi32, #tpu.memory_space<hbm>>) target(%dma_start3A_24 : memref<1x1x128xi32, #tpu.memory_space<vmem>>) target_semaphore(%arg14 : memref<!tpu.dma_semaphore, #tpu.memory_space<semaphore_mem>>)
    %add3A_28 = arith.constant 1 : i32
    %add3A_29 = arith.addi %add3A, %add3A_28 : i32
    %dma_start3A_30 = arith.constant 1 : i32
    %dma_start3A_31 = arith.constant 0 : i32
    %dma_start3A_32 = arith.constant 0 : i32
    %dma_start3A_33 = tpu.memref_slice %arg8[%dma_start3A_30, %dma_start3A_31, %dma_start3A_32] : memref<2x1x128xi32, #tpu.memory_space<vmem>> -> memref<1x1x128xi32, #tpu.memory_space<vmem>>
    %dma_start3A_34 = arith.constant 0 : i32
    %dma_start3A_35 = arith.constant 0 : i32
    %dma_start3A_36 = tpu.memref_slice %arg3[%add3A_29, %dma_start3A_34, %dma_start3A_35] : memref<2560x1x128xi32, #tpu.memory_space<hbm>> -> memref<1x1x128xi32, #tpu.memory_space<hbm>>
    %dma_start3A_37 = arith.constant 1 : i32
    %dma_start3A_38 = arith.constant 0 : i32
    %dma_start3A_39 = arith.constant 0 : i32
    %dma_start3A_40 = tpu.memref_slice %arg8[%dma_start3A_37, %dma_start3A_38, %dma_start3A_39] : memref<2x1x128xi32, #tpu.memory_space<vmem>> -> memref<1x1x128xi32, #tpu.memory_space<vmem>>
    %dma_start3A_41 = arith.constant 0 : i32
    %dma_start3A_42 = arith.constant 0 : i32
    %dma_start3A_43 = tpu.memref_slice %arg3[%add3A_29, %dma_start3A_41, %dma_start3A_42] : memref<2560x1x128xi32, #tpu.memory_space<hbm>> -> memref<1x1x128xi32, #tpu.memory_space<hbm>>
    tpu.enqueue_dma source(%dma_start3A_43 : memref<1x1x128xi32, #tpu.memory_space<hbm>>) target(%dma_start3A_40 : memref<1x1x128xi32, #tpu.memory_space<vmem>>) target_semaphore(%arg15 : memref<!tpu.dma_semaphore, #tpu.memory_space<semaphore_mem>>)
    %scan3A = arith.constant 0 : i32
    %scan3A_44 = arith.constant 0 : i32
    %scan3A_45 = arith.constant 40 : i32
    %scan3A_46 = arith.addi %scan3A_44, %scan3A_45 : i32
    %scan3A_47 = arith.constant 1 : i32
    scf.for %scan3A_50 = %scan3A_44 to %scan3A_46 step %scan3A_47  : i32 {
      %mul3A_51 = arith.constant 2 : i32
      %mul3A_52 = arith.muli %mul3A_51, %scan3A_50 : i32
      %add3A_53 = arith.constant 1 : i32
      %add3A_54 = arith.addi %mul3A_52, %add3A_53 : i32
      %mul3A_55 = arith.constant 128 : i32
      %mul3A_56 = arith.muli %add3A_54, %mul3A_55 : i32
      %multiple_of3A_57 = tpu.assume_multiple %mul3A_56, 128 : i32
      %dma_start3A_58 = tpu.memref_slice %arg7[%multiple_of3A_57] : memref<10240xi32, #tpu.memory_space<vmem>> -> memref<128xi32, #tpu.memory_space<vmem>>
      %dma_start3A_59 = arith.constant 0 : i32
      %dma_start3A_60 = arith.constant 0 : i32
      %dma_start3A_61 = tpu.memref_slice %arg4[%dma_start3A_59, %dma_start3A_60] : memref<10112x128xf32, #tpu.memory_space<hbm>> -> memref<10112x128xf32, #tpu.memory_space<hbm>>
      tpu.enqueue_indirect_dma source(%dma_start3A_61 : memref<10112x128xf32, #tpu.memory_space<hbm>>) target(%arg10 : memref<128x128xf32, #tpu.memory_space<vmem>>) offsets(%dma_start3A_58 : memref<128xi32, #tpu.memory_space<vmem>>) semaphore(%arg13 : memref<!tpu.dma_semaphore, #tpu.memory_space<semaphore_mem>>)
      %dma_wait3A = arith.constant 0 : i32
      %dma_wait3A_62 = arith.constant 0 : i32
      %dma_wait3A_63 = tpu.memref_slice %arg5[%dma_wait3A, %dma_wait3A_62] : memref<10112x128xf32, #tpu.memory_space<hbm>> -> memref<128x128xf32, #tpu.memory_space<hbm>>
      %dma_wait3A_64 = arith.constant 0 : i32
      %dma_wait3A_65 = arith.constant 0 : i32
      %dma_wait3A_66 = tpu.memref_slice %arg5[%dma_wait3A_64, %dma_wait3A_65] : memref<10112x128xf32, #tpu.memory_space<hbm>> -> memref<128x128xf32, #tpu.memory_space<hbm>>
      tpu.wait_dma2 semaphore(%arg12 : memref<!tpu.dma_semaphore, #tpu.memory_space<semaphore_mem>>) src(%dma_wait3A_66 : memref<128x128xf32, #tpu.memory_space<hbm>>) dst(%arg9 : memref<128x128xf32, #tpu.memory_space<vmem>>)
      %dma_wait3A_67 = arith.constant 0 : i32
      %dma_wait3A_68 = arith.constant 0 : i32
      %dma_wait3A_69 = arith.constant 0 : i32
      %dma_wait3A_70 = tpu.memref_slice %arg8[%dma_wait3A_67, %dma_wait3A_68, %dma_wait3A_69] : memref<2x1x128xi32, #tpu.memory_space<vmem>> -> memref<1x1x128xi32, #tpu.memory_space<vmem>>
      %dma_wait3A_71 = arith.constant 0 : i32
      %dma_wait3A_72 = arith.constant 0 : i32
      %dma_wait3A_73 = tpu.memref_slice %arg3[%add3A, %dma_wait3A_71, %dma_wait3A_72] : memref<2560x1x128xi32, #tpu.memory_space<hbm>> -> memref<1x1x128xi32, #tpu.memory_space<hbm>>
      %dma_wait3A_74 = arith.constant 0 : i32
      %dma_wait3A_75 = arith.constant 0 : i32
      %dma_wait3A_76 = arith.constant 0 : i32
      %dma_wait3A_77 = tpu.memref_slice %arg8[%dma_wait3A_74, %dma_wait3A_75, %dma_wait3A_76] : memref<2x1x128xi32, #tpu.memory_space<vmem>> -> memref<1x1x128xi32, #tpu.memory_space<vmem>>
      %dma_wait3A_78 = arith.constant 0 : i32
      %dma_wait3A_79 = arith.constant 0 : i32
      %dma_wait3A_80 = tpu.memref_slice %arg3[%add3A, %dma_wait3A_78, %dma_wait3A_79] : memref<2560x1x128xi32, #tpu.memory_space<hbm>> -> memref<1x1x128xi32, #tpu.memory_space<hbm>>
      tpu.wait_dma2 semaphore(%arg14 : memref<!tpu.dma_semaphore, #tpu.memory_space<semaphore_mem>>) src(%dma_wait3A_80 : memref<1x1x128xi32, #tpu.memory_space<hbm>>) dst(%dma_wait3A_77 : memref<1x1x128xi32, #tpu.memory_space<vmem>>)
      %run_scoped3A = arith.constant 0 : i32
      %run_scoped3A_81 = arith.constant 0 : i32
      "tpu.region"() ({
        %run_scoped3A_111 = tpu.sem_alloc : memref<!tpu.dma_semaphore, #tpu.memory_space<semaphore_mem>>
        %dma_start3A_112 = arith.constant 0 : i32
        %dma_start3A_113 = tpu.memref_slice %arg8[%run_scoped3A, %run_scoped3A_81, %dma_start3A_112] : memref<2x1x128xi32, #tpu.memory_space<vmem>> -> memref<1x1x128xi32, #tpu.memory_space<vmem>>
        %dma_start3A_114 = tpu.memref_squeeze %dma_start3A_113 : memref<1x1x128xi32, #tpu.memory_space<vmem>> -> memref<128xi32, #tpu.memory_space<vmem>>
        %dma_start3A_115 = arith.constant 0 : i32
        %dma_start3A_116 = arith.constant 0 : i32
        %dma_start3A_117 = tpu.memref_slice %arg11[%dma_start3A_115, %dma_start3A_116] : memref<10112x128xf32, #tpu.memory_space<vmem_shared>> -> memref<10112x128xf32, #tpu.memory_space<vmem_shared>>
        tpu.enqueue_indirect_dma source(%arg9 : memref<128x128xf32, #tpu.memory_space<vmem>>) target(%dma_start3A_117 : memref<10112x128xf32, #tpu.memory_space<vmem_shared>>) offsets(%dma_start3A_114 : memref<128xi32, #tpu.memory_space<vmem>>) semaphore(%run_scoped3A_111 : memref<!tpu.dma_semaphore, #tpu.memory_space<semaphore_mem>>) {add = true}
        %dma_wait3A_118 = arith.constant 0 : i32
        %dma_wait3A_119 = tpu.memref_slice %arg8[%run_scoped3A, %run_scoped3A_81, %dma_wait3A_118] : memref<2x1x128xi32, #tpu.memory_space<vmem>> -> memref<1x1x128xi32, #tpu.memory_space<vmem>>
        %dma_wait3A_120 = tpu.memref_squeeze %dma_wait3A_119 : memref<1x1x128xi32, #tpu.memory_space<vmem>> -> memref<128xi32, #tpu.memory_space<vmem>>
        %dma_wait3A_121 = arith.constant 0 : i32
        %dma_wait3A_122 = arith.constant 0 : i32
        %dma_wait3A_123 = tpu.memref_slice %arg11[%dma_wait3A_121, %dma_wait3A_122] : memref<10112x128xf32, #tpu.memory_space<vmem_shared>> -> memref<10112x128xf32, #tpu.memory_space<vmem_shared>>
        tpu.wait_indirect_dma semaphore(%run_scoped3A_111 : memref<!tpu.dma_semaphore, #tpu.memory_space<semaphore_mem>>) src(%arg9 : memref<128x128xf32, #tpu.memory_space<vmem>>) dst(%dma_wait3A_123 : memref<10112x128xf32, #tpu.memory_space<vmem_shared>>)
        tpu.yield
      }) : () -> ()
      %lt3A = arith.constant 39 : i32
      %lt3A_82 = arith.cmpi slt, %scan3A_50, %lt3A : i32
      %convert_element_type3A = arith.extui %lt3A_82 : i1 to i32
      %cond3A = arith.constant 0 : i32
      %cond3A_83 = arith.cmpi ne, %convert_element_type3A, %cond3A : i32
      scf.if %cond3A_83 {
        %add3A_111 = arith.constant 2 : i32
        %add3A_112 = arith.addi %mul3A_52, %add3A_111 : i32
        %mul3A_113 = arith.constant 128 : i32
        %mul3A_114 = arith.muli %add3A_112, %mul3A_113 : i32
        %multiple_of3A_115 = tpu.assume_multiple %mul3A_114, 128 : i32
        %dma_start3A_116 = tpu.memref_slice %arg7[%multiple_of3A_115] : memref<10240xi32, #tpu.memory_space<vmem>> -> memref<128xi32, #tpu.memory_space<vmem>>
        %dma_start3A_117 = arith.constant 0 : i32
        %dma_start3A_118 = arith.constant 0 : i32
        %dma_start3A_119 = tpu.memref_slice %arg4[%dma_start3A_117, %dma_start3A_118] : memref<10112x128xf32, #tpu.memory_space<hbm>> -> memref<10112x128xf32, #tpu.memory_space<hbm>>
        tpu.enqueue_indirect_dma source(%dma_start3A_119 : memref<10112x128xf32, #tpu.memory_space<hbm>>) target(%arg9 : memref<128x128xf32, #tpu.memory_space<vmem>>) offsets(%dma_start3A_116 : memref<128xi32, #tpu.memory_space<vmem>>) semaphore(%arg12 : memref<!tpu.dma_semaphore, #tpu.memory_space<semaphore_mem>>)
        %add3A_120 = arith.constant 2 : i32
        %add3A_121 = arith.addi %mul3A_52, %add3A_120 : i32
        %add3A_122 = arith.addi %add3A, %add3A_121 : i32
        %dma_start3A_123 = arith.constant 0 : i32
        %dma_start3A_124 = arith.constant 0 : i32
        %dma_start3A_125 = arith.constant 0 : i32
        %dma_start3A_126 = tpu.memref_slice %arg8[%dma_start3A_123, %dma_start3A_124, %dma_start3A_125] : memref<2x1x128xi32, #tpu.memory_space<vmem>> -> memref<1x1x128xi32, #tpu.memory_space<vmem>>
        %dma_start3A_127 = arith.constant 0 : i32
        %dma_start3A_128 = arith.constant 0 : i32
        %dma_start3A_129 = tpu.memref_slice %arg3[%add3A_122, %dma_start3A_127, %dma_start3A_128] : memref<2560x1x128xi32, #tpu.memory_space<hbm>> -> memref<1x1x128xi32, #tpu.memory_space<hbm>>
        %dma_start3A_130 = arith.constant 0 : i32
        %dma_start3A_131 = arith.constant 0 : i32
        %dma_start3A_132 = arith.constant 0 : i32
        %dma_start3A_133 = tpu.memref_slice %arg8[%dma_start3A_130, %dma_start3A_131, %dma_start3A_132] : memref<2x1x128xi32, #tpu.memory_space<vmem>> -> memref<1x1x128xi32, #tpu.memory_space<vmem>>
        %dma_start3A_134 = arith.constant 0 : i32
        %dma_start3A_135 = arith.constant 0 : i32
        %dma_start3A_136 = tpu.memref_slice %arg3[%add3A_122, %dma_start3A_134, %dma_start3A_135] : memref<2560x1x128xi32, #tpu.memory_space<hbm>> -> memref<1x1x128xi32, #tpu.memory_space<hbm>>
        tpu.enqueue_dma source(%dma_start3A_136 : memref<1x1x128xi32, #tpu.memory_space<hbm>>) target(%dma_start3A_133 : memref<1x1x128xi32, #tpu.memory_space<vmem>>) target_semaphore(%arg14 : memref<!tpu.dma_semaphore, #tpu.memory_space<semaphore_mem>>)
      } else {
      }
      %dma_wait3A_84 = arith.constant 0 : i32
      %dma_wait3A_85 = arith.constant 0 : i32
      %dma_wait3A_86 = tpu.memref_slice %arg5[%dma_wait3A_84, %dma_wait3A_85] : memref<10112x128xf32, #tpu.memory_space<hbm>> -> memref<128x128xf32, #tpu.memory_space<hbm>>
      %dma_wait3A_87 = arith.constant 0 : i32
      %dma_wait3A_88 = arith.constant 0 : i32
      %dma_wait3A_89 = tpu.memref_slice %arg5[%dma_wait3A_87, %dma_wait3A_88] : memref<10112x128xf32, #tpu.memory_space<hbm>> -> memref<128x128xf32, #tpu.memory_space<hbm>>
      tpu.wait_dma2 semaphore(%arg13 : memref<!tpu.dma_semaphore, #tpu.memory_space<semaphore_mem>>) src(%dma_wait3A_89 : memref<128x128xf32, #tpu.memory_space<hbm>>) dst(%arg10 : memref<128x128xf32, #tpu.memory_space<vmem>>)
      %dma_wait3A_90 = arith.constant 1 : i32
      %dma_wait3A_91 = arith.constant 0 : i32
      %dma_wait3A_92 = arith.constant 0 : i32
      %dma_wait3A_93 = tpu.memref_slice %arg8[%dma_wait3A_90, %dma_wait3A_91, %dma_wait3A_92] : memref<2x1x128xi32, #tpu.memory_space<vmem>> -> memref<1x1x128xi32, #tpu.memory_space<vmem>>
      %dma_wait3A_94 = arith.constant 0 : i32
      %dma_wait3A_95 = arith.constant 0 : i32
      %dma_wait3A_96 = tpu.memref_slice %arg3[%add3A, %dma_wait3A_94, %dma_wait3A_95] : memref<2560x1x128xi32, #tpu.memory_space<hbm>> -> memref<1x1x128xi32, #tpu.memory_space<hbm>>
      %dma_wait3A_97 = arith.constant 1 : i32
      %dma_wait3A_98 = arith.constant 0 : i32
      %dma_wait3A_99 = arith.constant 0 : i32
      %dma_wait3A_100 = tpu.memref_slice %arg8[%dma_wait3A_97, %dma_wait3A_98, %dma_wait3A_99] : memref<2x1x128xi32, #tpu.memory_space<vmem>> -> memref<1x1x128xi32, #tpu.memory_space<vmem>>
      %dma_wait3A_101 = arith.constant 0 : i32
      %dma_wait3A_102 = arith.constant 0 : i32
      %dma_wait3A_103 = tpu.memref_slice %arg3[%add3A, %dma_wait3A_101, %dma_wait3A_102] : memref<2560x1x128xi32, #tpu.memory_space<hbm>> -> memref<1x1x128xi32, #tpu.memory_space<hbm>>
      tpu.wait_dma2 semaphore(%arg15 : memref<!tpu.dma_semaphore, #tpu.memory_space<semaphore_mem>>) src(%dma_wait3A_103 : memref<1x1x128xi32, #tpu.memory_space<hbm>>) dst(%dma_wait3A_100 : memref<1x1x128xi32, #tpu.memory_space<vmem>>)
      %run_scoped3A_104 = arith.constant 1 : i32
      %run_scoped3A_105 = arith.constant 0 : i32
      "tpu.region"() ({
        %run_scoped3A_111 = tpu.sem_alloc : memref<!tpu.dma_semaphore, #tpu.memory_space<semaphore_mem>>
        %dma_start3A_112 = arith.constant 0 : i32
        %dma_start3A_113 = tpu.memref_slice %arg8[%run_scoped3A_104, %run_scoped3A_105, %dma_start3A_112] : memref<2x1x128xi32, #tpu.memory_space<vmem>> -> memref<1x1x128xi32, #tpu.memory_space<vmem>>
        %dma_start3A_114 = tpu.memref_squeeze %dma_start3A_113 : memref<1x1x128xi32, #tpu.memory_space<vmem>> -> memref<128xi32, #tpu.memory_space<vmem>>
        %dma_start3A_115 = arith.constant 0 : i32
        %dma_start3A_116 = arith.constant 0 : i32
        %dma_start3A_117 = tpu.memref_slice %arg11[%dma_start3A_115, %dma_start3A_116] : memref<10112x128xf32, #tpu.memory_space<vmem_shared>> -> memref<10112x128xf32, #tpu.memory_space<vmem_shared>>
        tpu.enqueue_indirect_dma source(%arg10 : memref<128x128xf32, #tpu.memory_space<vmem>>) target(%dma_start3A_117 : memref<10112x128xf32, #tpu.memory_space<vmem_shared>>) offsets(%dma_start3A_114 : memref<128xi32, #tpu.memory_space<vmem>>) semaphore(%run_scoped3A_111 : memref<!tpu.dma_semaphore, #tpu.memory_space<semaphore_mem>>) {add = true}
        %dma_wait3A_118 = arith.constant 0 : i32
        %dma_wait3A_119 = tpu.memref_slice %arg8[%run_scoped3A_104, %run_scoped3A_105, %dma_wait3A_118] : memref<2x1x128xi32, #tpu.memory_space<vmem>> -> memref<1x1x128xi32, #tpu.memory_space<vmem>>
        %dma_wait3A_120 = tpu.memref_squeeze %dma_wait3A_119 : memref<1x1x128xi32, #tpu.memory_space<vmem>> -> memref<128xi32, #tpu.memory_space<vmem>>
        %dma_wait3A_121 = arith.constant 0 : i32
        %dma_wait3A_122 = arith.constant 0 : i32
        %dma_wait3A_123 = tpu.memref_slice %arg11[%dma_wait3A_121, %dma_wait3A_122] : memref<10112x128xf32, #tpu.memory_space<vmem_shared>> -> memref<10112x128xf32, #tpu.memory_space<vmem_shared>>
        tpu.wait_indirect_dma semaphore(%run_scoped3A_111 : memref<!tpu.dma_semaphore, #tpu.memory_space<semaphore_mem>>) src(%arg10 : memref<128x128xf32, #tpu.memory_space<vmem>>) dst(%dma_wait3A_123 : memref<10112x128xf32, #tpu.memory_space<vmem_shared>>)
        tpu.yield
      }) : () -> ()
      %lt3A_106 = arith.constant 39 : i32
      %lt3A_107 = arith.cmpi slt, %scan3A_50, %lt3A_106 : i32
      %convert_element_type3A_108 = arith.extui %lt3A_107 : i1 to i32
      %cond3A_109 = arith.constant 0 : i32
      %cond3A_110 = arith.cmpi ne, %convert_element_type3A_108, %cond3A_109 : i32
      scf.if %cond3A_110 {
        %add3A_111 = arith.constant 3 : i32
        %add3A_112 = arith.addi %mul3A_52, %add3A_111 : i32
        %add3A_113 = arith.addi %add3A, %add3A_112 : i32
        %dma_start3A_114 = arith.constant 1 : i32
        %dma_start3A_115 = arith.constant 0 : i32
        %dma_start3A_116 = arith.constant 0 : i32
        %dma_start3A_117 = tpu.memref_slice %arg8[%dma_start3A_114, %dma_start3A_115, %dma_start3A_116] : memref<2x1x128xi32, #tpu.memory_space<vmem>> -> memref<1x1x128xi32, #tpu.memory_space<vmem>>
        %dma_start3A_118 = arith.constant 0 : i32
        %dma_start3A_119 = arith.constant 0 : i32
        %dma_start3A_120 = tpu.memref_slice %arg3[%add3A_113, %dma_start3A_118, %dma_start3A_119] : memref<2560x1x128xi32, #tpu.memory_space<hbm>> -> memref<1x1x128xi32, #tpu.memory_space<hbm>>
        %dma_start3A_121 = arith.constant 1 : i32
        %dma_start3A_122 = arith.constant 0 : i32
        %dma_start3A_123 = arith.constant 0 : i32
        %dma_start3A_124 = tpu.memref_slice %arg8[%dma_start3A_121, %dma_start3A_122, %dma_start3A_123] : memref<2x1x128xi32, #tpu.memory_space<vmem>> -> memref<1x1x128xi32, #tpu.memory_space<vmem>>
        %dma_start3A_125 = arith.constant 0 : i32
        %dma_start3A_126 = arith.constant 0 : i32
        %dma_start3A_127 = tpu.memref_slice %arg3[%add3A_113, %dma_start3A_125, %dma_start3A_126] : memref<2560x1x128xi32, #tpu.memory_space<hbm>> -> memref<1x1x128xi32, #tpu.memory_space<hbm>>
        tpu.enqueue_dma source(%dma_start3A_127 : memref<1x1x128xi32, #tpu.memory_space<hbm>>) target(%dma_start3A_124 : memref<1x1x128xi32, #tpu.memory_space<vmem>>) target_semaphore(%arg15 : memref<!tpu.dma_semaphore, #tpu.memory_space<semaphore_mem>>)
      } else {
      }
    }
    %scan3A_48 = arith.constant 40 : i32
    %barrier3A_49 = arith.constant 0 : index
    tpu.barrier barrier_id(%barrier3A_49)
    "tpu.region"() ({
      %run_scoped3A = tpu.sem_alloc : memref<!tpu.dma_semaphore, #tpu.memory_space<semaphore_mem>>
      %dma_start3A_50 = arith.constant 0 : i32
      %dma_start3A_51 = tpu.memref_slice %arg6[%arg0, %mul3A_0, %dma_start3A_50] : memref<2x10112x128xf32, #tpu.memory_space<hbm>> -> memref<1x632x128xf32, #tpu.memory_space<hbm>>
      %dma_start3A_52 = tpu.memref_squeeze %dma_start3A_51 : memref<1x632x128xf32, #tpu.memory_space<hbm>> -> memref<632x128xf32, #tpu.memory_space<hbm>>
      %dma_start3A_53 = arith.constant 0 : i32
      %dma_start3A_54 = tpu.memref_slice %arg11[%mul3A_0, %dma_start3A_53] : memref<10112x128xf32, #tpu.memory_space<vmem_shared>> -> memref<632x128xf32, #tpu.memory_space<vmem_shared>>
      tpu.enqueue_dma source(%dma_start3A_54 : memref<632x128xf32, #tpu.memory_space<vmem_shared>>) target(%dma_start3A_52 : memref<632x128xf32, #tpu.memory_space<hbm>>) target_semaphore(%run_scoped3A : memref<!tpu.dma_semaphore, #tpu.memory_space<semaphore_mem>>)
      %dma_wait3A = arith.constant 0 : i32
      %dma_wait3A_55 = tpu.memref_slice %arg6[%arg0, %mul3A_0, %dma_wait3A] : memref<2x10112x128xf32, #tpu.memory_space<hbm>> -> memref<1x632x128xf32, #tpu.memory_space<hbm>>
      %dma_wait3A_56 = tpu.memref_squeeze %dma_wait3A_55 : memref<1x632x128xf32, #tpu.memory_space<hbm>> -> memref<632x128xf32, #tpu.memory_space<hbm>>
      %dma_wait3A_57 = arith.constant 0 : i32
      %dma_wait3A_58 = tpu.memref_slice %arg11[%mul3A_0, %dma_wait3A_57] : memref<10112x128xf32, #tpu.memory_space<vmem_shared>> -> memref<632x128xf32, #tpu.memory_space<vmem_shared>>
      tpu.wait_dma2 semaphore(%run_scoped3A : memref<!tpu.dma_semaphore, #tpu.memory_space<semaphore_mem>>) src(%dma_wait3A_58 : memref<632x128xf32, #tpu.memory_space<vmem_shared>>) dst(%dma_wait3A_56 : memref<632x128xf32, #tpu.memory_space<hbm>>)
      tpu.yield
    }) : () -> ()
    return
  }
}

#map = affine_map<(d0, d1) -> (0, 0, 0)>
#map1 = affine_map<(d0, d1) -> (0, 0)>
module attributes {stable_mosaic.version = 14 : i64} {
  func.func @sc_deg(%arg0: i32, %arg1: i32, %arg2: memref<2560x1x128xi32, #tpu.memory_space<hbm>>, %arg3: memref<128x128xf32, #tpu.memory_space<hbm>>, %arg4: memref<10112x128xf32, #tpu.memory_space<hbm>>, %arg5: memref<2x10112x128xf32, #tpu.memory_space<hbm>>, %arg6: memref<80x1x128xi32, #tpu.memory_space<vmem>>, %arg7: memref<128x128xf32, #tpu.memory_space<vmem>>, %arg8: memref<10112x128xf32, #tpu.memory_space<vmem_shared>>, %arg9: memref<!tpu.dma_semaphore, #tpu.memory_space<semaphore_mem>>) attributes {dimension_semantics = [#tpu.dimension_semantics<core_parallel>, #tpu.dimension_semantics<subcore_parallel>], iteration_bounds = array<i64: 2, 16>, scalar_prefetch = 0 : i64, scratch_operands = 4 : i64, tpu.core_type = #tpu.core_type<sc_vector_subcore>, window_params = [{transform_indices = #map}, {transform_indices = #map1}, {transform_indices = #map1}, {transform_indices = #map}]} {
    %mul3A = arith.constant 632 : i32
    %mul3A_0 = arith.muli %arg1, %mul3A : i32
    "tpu.region"() ({
      %run_scoped3A = tpu.sem_alloc : memref<!tpu.dma_semaphore, #tpu.memory_space<semaphore_mem>>
      tpu.enqueue_dma source(%arg3 : memref<128x128xf32, #tpu.memory_space<hbm>>) target(%arg7 : memref<128x128xf32, #tpu.memory_space<vmem>>) target_semaphore(%run_scoped3A : memref<!tpu.dma_semaphore, #tpu.memory_space<semaphore_mem>>)
      tpu.wait_dma2 semaphore(%run_scoped3A : memref<!tpu.dma_semaphore, #tpu.memory_space<semaphore_mem>>) src(%arg3 : memref<128x128xf32, #tpu.memory_space<hbm>>) dst(%arg7 : memref<128x128xf32, #tpu.memory_space<vmem>>)
      tpu.yield
    }) : () -> ()
    "tpu.region"() ({
      %run_scoped3A = tpu.sem_alloc : memref<!tpu.dma_semaphore, #tpu.memory_space<semaphore_mem>>
      %dma_start3A = arith.constant 0 : i32
      %dma_start3A_17 = tpu.memref_slice %arg8[%mul3A_0, %dma_start3A] : memref<10112x128xf32, #tpu.memory_space<vmem_shared>> -> memref<632x128xf32, #tpu.memory_space<vmem_shared>>
      %dma_start3A_18 = arith.constant 0 : i32
      %dma_start3A_19 = tpu.memref_slice %arg4[%mul3A_0, %dma_start3A_18] : memref<10112x128xf32, #tpu.memory_space<hbm>> -> memref<632x128xf32, #tpu.memory_space<hbm>>
      tpu.enqueue_dma source(%dma_start3A_19 : memref<632x128xf32, #tpu.memory_space<hbm>>) target(%dma_start3A_17 : memref<632x128xf32, #tpu.memory_space<vmem_shared>>) target_semaphore(%run_scoped3A : memref<!tpu.dma_semaphore, #tpu.memory_space<semaphore_mem>>)
      %dma_wait3A = arith.constant 0 : i32
      %dma_wait3A_20 = tpu.memref_slice %arg8[%mul3A_0, %dma_wait3A] : memref<10112x128xf32, #tpu.memory_space<vmem_shared>> -> memref<632x128xf32, #tpu.memory_space<vmem_shared>>
      %dma_wait3A_21 = arith.constant 0 : i32
      %dma_wait3A_22 = tpu.memref_slice %arg4[%mul3A_0, %dma_wait3A_21] : memref<10112x128xf32, #tpu.memory_space<hbm>> -> memref<632x128xf32, #tpu.memory_space<hbm>>
      tpu.wait_dma2 semaphore(%run_scoped3A : memref<!tpu.dma_semaphore, #tpu.memory_space<semaphore_mem>>) src(%dma_wait3A_22 : memref<632x128xf32, #tpu.memory_space<hbm>>) dst(%dma_wait3A_20 : memref<632x128xf32, #tpu.memory_space<vmem_shared>>)
      tpu.yield
    }) : () -> ()
    %mul3A_1 = arith.constant 1280 : i32
    %mul3A_2 = arith.muli %arg0, %mul3A_1 : i32
    %mul3A_3 = arith.constant 80 : i32
    %mul3A_4 = arith.muli %arg1, %mul3A_3 : i32
    %add3A = arith.addi %mul3A_2, %mul3A_4 : i32
    "tpu.region"() ({
      %run_scoped3A = tpu.sem_alloc : memref<!tpu.dma_semaphore, #tpu.memory_space<semaphore_mem>>
      %dma_start3A = arith.constant 0 : i32
      %dma_start3A_17 = arith.constant 0 : i32
      %dma_start3A_18 = tpu.memref_slice %arg2[%add3A, %dma_start3A, %dma_start3A_17] : memref<2560x1x128xi32, #tpu.memory_space<hbm>> -> memref<80x1x128xi32, #tpu.memory_space<hbm>>
      %dma_start3A_19 = arith.constant 0 : i32
      %dma_start3A_20 = arith.constant 0 : i32
      %dma_start3A_21 = tpu.memref_slice %arg2[%add3A, %dma_start3A_19, %dma_start3A_20] : memref<2560x1x128xi32, #tpu.memory_space<hbm>> -> memref<80x1x128xi32, #tpu.memory_space<hbm>>
      tpu.enqueue_dma source(%dma_start3A_21 : memref<80x1x128xi32, #tpu.memory_space<hbm>>) target(%arg6 : memref<80x1x128xi32, #tpu.memory_space<vmem>>) target_semaphore(%run_scoped3A : memref<!tpu.dma_semaphore, #tpu.memory_space<semaphore_mem>>)
      %dma_wait3A = arith.constant 0 : i32
      %dma_wait3A_22 = arith.constant 0 : i32
      %dma_wait3A_23 = tpu.memref_slice %arg2[%add3A, %dma_wait3A, %dma_wait3A_22] : memref<2560x1x128xi32, #tpu.memory_space<hbm>> -> memref<80x1x128xi32, #tpu.memory_space<hbm>>
      %dma_wait3A_24 = arith.constant 0 : i32
      %dma_wait3A_25 = arith.constant 0 : i32
      %dma_wait3A_26 = tpu.memref_slice %arg2[%add3A, %dma_wait3A_24, %dma_wait3A_25] : memref<2560x1x128xi32, #tpu.memory_space<hbm>> -> memref<80x1x128xi32, #tpu.memory_space<hbm>>
      tpu.wait_dma2 semaphore(%run_scoped3A : memref<!tpu.dma_semaphore, #tpu.memory_space<semaphore_mem>>) src(%dma_wait3A_26 : memref<80x1x128xi32, #tpu.memory_space<hbm>>) dst(%arg6 : memref<80x1x128xi32, #tpu.memory_space<vmem>>)
      tpu.yield
    }) : () -> ()
    %barrier3A = arith.constant 0 : index
    tpu.barrier barrier_id(%barrier3A)
    %scan3A = arith.constant 0 : i32
    %scan3A_5 = arith.constant 0 : i32
    %scan3A_6 = arith.constant 80 : i32
    %scan3A_7 = arith.addi %scan3A_5, %scan3A_6 : i32
    %scan3A_8 = arith.constant 1 : i32
    scf.for %scan3A_17 = %scan3A_5 to %scan3A_7 step %scan3A_8  : i32 {
      %dma_start3A = arith.constant 0 : i32
      %dma_start3A_18 = arith.constant 0 : i32
      %dma_start3A_19 = tpu.memref_slice %arg6[%scan3A_17, %dma_start3A, %dma_start3A_18] : memref<80x1x128xi32, #tpu.memory_space<vmem>> -> memref<1x1x128xi32, #tpu.memory_space<vmem>>
      %dma_start3A_20 = tpu.memref_squeeze %dma_start3A_19 : memref<1x1x128xi32, #tpu.memory_space<vmem>> -> memref<128xi32, #tpu.memory_space<vmem>>
      %dma_start3A_21 = arith.constant 0 : i32
      %dma_start3A_22 = arith.constant 0 : i32
      %dma_start3A_23 = tpu.memref_slice %arg8[%dma_start3A_21, %dma_start3A_22] : memref<10112x128xf32, #tpu.memory_space<vmem_shared>> -> memref<10112x128xf32, #tpu.memory_space<vmem_shared>>
      tpu.enqueue_indirect_dma source(%arg7 : memref<128x128xf32, #tpu.memory_space<vmem>>) target(%dma_start3A_23 : memref<10112x128xf32, #tpu.memory_space<vmem_shared>>) offsets(%dma_start3A_20 : memref<128xi32, #tpu.memory_space<vmem>>) semaphore(%arg9 : memref<!tpu.dma_semaphore, #tpu.memory_space<semaphore_mem>>) {add = true}
    }
    %scan3A_9 = arith.constant 80 : i32
    %scan3A_10 = arith.constant 0 : i32
    %scan3A_11 = arith.constant 0 : i32
    %scan3A_12 = arith.constant 80 : i32
    %scan3A_13 = arith.addi %scan3A_11, %scan3A_12 : i32
    %scan3A_14 = arith.constant 1 : i32
    scf.for %scan3A_17 = %scan3A_11 to %scan3A_13 step %scan3A_14  : i32 {
      %dma_wait3A = arith.constant 0 : i32
      %dma_wait3A_18 = arith.constant 0 : i32
      %dma_wait3A_19 = arith.constant 0 : i32
      %dma_wait3A_20 = tpu.memref_slice %arg6[%dma_wait3A, %dma_wait3A_18, %dma_wait3A_19] : memref<80x1x128xi32, #tpu.memory_space<vmem>> -> memref<1x1x128xi32, #tpu.memory_space<vmem>>
      %dma_wait3A_21 = tpu.memref_squeeze %dma_wait3A_20 : memref<1x1x128xi32, #tpu.memory_space<vmem>> -> memref<128xi32, #tpu.memory_space<vmem>>
      %dma_wait3A_22 = arith.constant 0 : i32
      %dma_wait3A_23 = arith.constant 0 : i32
      %dma_wait3A_24 = tpu.memref_slice %arg8[%dma_wait3A_22, %dma_wait3A_23] : memref<10112x128xf32, #tpu.memory_space<vmem_shared>> -> memref<10112x128xf32, #tpu.memory_space<vmem_shared>>
      tpu.wait_indirect_dma semaphore(%arg9 : memref<!tpu.dma_semaphore, #tpu.memory_space<semaphore_mem>>) src(%arg7 : memref<128x128xf32, #tpu.memory_space<vmem>>) dst(%dma_wait3A_24 : memref<10112x128xf32, #tpu.memory_space<vmem_shared>>)
    }
    %scan3A_15 = arith.constant 80 : i32
    %barrier3A_16 = arith.constant 0 : index
    tpu.barrier barrier_id(%barrier3A_16)
    "tpu.region"() ({
      %run_scoped3A = tpu.sem_alloc : memref<!tpu.dma_semaphore, #tpu.memory_space<semaphore_mem>>
      %dma_start3A = arith.constant 0 : i32
      %dma_start3A_17 = tpu.memref_slice %arg5[%arg0, %mul3A_0, %dma_start3A] : memref<2x10112x128xf32, #tpu.memory_space<hbm>> -> memref<1x632x128xf32, #tpu.memory_space<hbm>>
      %dma_start3A_18 = tpu.memref_squeeze %dma_start3A_17 : memref<1x632x128xf32, #tpu.memory_space<hbm>> -> memref<632x128xf32, #tpu.memory_space<hbm>>
      %dma_start3A_19 = arith.constant 0 : i32
      %dma_start3A_20 = tpu.memref_slice %arg8[%mul3A_0, %dma_start3A_19] : memref<10112x128xf32, #tpu.memory_space<vmem_shared>> -> memref<632x128xf32, #tpu.memory_space<vmem_shared>>
      tpu.enqueue_dma source(%dma_start3A_20 : memref<632x128xf32, #tpu.memory_space<vmem_shared>>) target(%dma_start3A_18 : memref<632x128xf32, #tpu.memory_space<hbm>>) target_semaphore(%run_scoped3A : memref<!tpu.dma_semaphore, #tpu.memory_space<semaphore_mem>>)
      %dma_wait3A = arith.constant 0 : i32
      %dma_wait3A_21 = tpu.memref_slice %arg5[%arg0, %mul3A_0, %dma_wait3A] : memref<2x10112x128xf32, #tpu.memory_space<hbm>> -> memref<1x632x128xf32, #tpu.memory_space<hbm>>
      %dma_wait3A_22 = tpu.memref_squeeze %dma_wait3A_21 : memref<1x632x128xf32, #tpu.memory_space<hbm>> -> memref<632x128xf32, #tpu.memory_space<hbm>>
      %dma_wait3A_23 = arith.constant 0 : i32
      %dma_wait3A_24 = tpu.memref_slice %arg8[%mul3A_0, %dma_wait3A_23] : memref<10112x128xf32, #tpu.memory_space<vmem_shared>> -> memref<632x128xf32, #tpu.memory_space<vmem_shared>>
      tpu.wait_dma2 semaphore(%run_scoped3A : memref<!tpu.dma_semaphore, #tpu.memory_space<semaphore_mem>>) src(%dma_wait3A_24 : memref<632x128xf32, #tpu.memory_space<vmem_shared>>) dst(%dma_wait3A_22 : memref<632x128xf32, #tpu.memory_space<hbm>>)
      tpu.yield
    }) : () -> ()
    return
  }
}

#map = affine_map<(d0, d1) -> (0)>
#map1 = affine_map<(d0, d1) -> (0, 0, 0)>
#map2 = affine_map<(d0, d1) -> (0, 0)>
module attributes {stable_mosaic.version = 14 : i64} {
  func.func @sc_spmm(%arg0: i32, %arg1: i32, %arg2: memref<327680xi32, #tpu.memory_space<hbm>>, %arg3: memref<2560x1x128xi32, #tpu.memory_space<hbm>>, %arg4: memref<10112x128xf32, #tpu.memory_space<hbm>>, %arg5: memref<10112x128xf32, #tpu.memory_space<hbm>>, %arg6: memref<2x10112x128xf32, #tpu.memory_space<hbm>>, %arg7: memref<10240xi32, #tpu.memory_space<vmem>>, %arg8: memref<2x1x128xi32, #tpu.memory_space<vmem>>, %arg9: memref<128x128xf32, #tpu.memory_space<vmem>>, %arg10: memref<128x128xf32, #tpu.memory_space<vmem>>, %arg11: memref<10112x128xf32, #tpu.memory_space<vmem_shared>>, %arg12: memref<!tpu.dma_semaphore, #tpu.memory_space<semaphore_mem>>, %arg13: memref<!tpu.dma_semaphore, #tpu.memory_space<semaphore_mem>>, %arg14: memref<!tpu.dma_semaphore, #tpu.memory_space<semaphore_mem>>, %arg15: memref<!tpu.dma_semaphore, #tpu.memory_space<semaphore_mem>>) attributes {dimension_semantics = [#tpu.dimension_semantics<core_parallel>, #tpu.dimension_semantics<subcore_parallel>], iteration_bounds = array<i64: 2, 16>, scalar_prefetch = 0 : i64, scratch_operands = 9 : i64, tpu.core_type = #tpu.core_type<sc_vector_subcore>, window_params = [{transform_indices = #map}, {transform_indices = #map1}, {transform_indices = #map2}, {transform_indices = #map2}, {transform_indices = #map1}]} {
    %mul3A = arith.constant 632 : i32
    %mul3A_0 = arith.muli %arg1, %mul3A : i32
    "tpu.region"() ({
      %run_scoped3A = tpu.sem_alloc : memref<!tpu.dma_semaphore, #tpu.memory_space<semaphore_mem>>
      %dma_start3A_50 = arith.constant 0 : i32
      %dma_start3A_51 = tpu.memref_slice %arg11[%mul3A_0, %dma_start3A_50] : memref<10112x128xf32, #tpu.memory_space<vmem_shared>> -> memref<632x128xf32, #tpu.memory_space<vmem_shared>>
      %dma_start3A_52 = arith.constant 0 : i32
      %dma_start3A_53 = tpu.memref_slice %arg5[%mul3A_0, %dma_start3A_52] : memref<10112x128xf32, #tpu.memory_space<hbm>> -> memref<632x128xf32, #tpu.memory_space<hbm>>
      tpu.enqueue_dma source(%dma_start3A_53 : memref<632x128xf32, #tpu.memory_space<hbm>>) target(%dma_start3A_51 : memref<632x128xf32, #tpu.memory_space<vmem_shared>>) target_semaphore(%run_scoped3A : memref<!tpu.dma_semaphore, #tpu.memory_space<semaphore_mem>>)
      %dma_wait3A = arith.constant 0 : i32
      %dma_wait3A_54 = tpu.memref_slice %arg11[%mul3A_0, %dma_wait3A] : memref<10112x128xf32, #tpu.memory_space<vmem_shared>> -> memref<632x128xf32, #tpu.memory_space<vmem_shared>>
      %dma_wait3A_55 = arith.constant 0 : i32
      %dma_wait3A_56 = tpu.memref_slice %arg5[%mul3A_0, %dma_wait3A_55] : memref<10112x128xf32, #tpu.memory_space<hbm>> -> memref<632x128xf32, #tpu.memory_space<hbm>>
      tpu.wait_dma2 semaphore(%run_scoped3A : memref<!tpu.dma_semaphore, #tpu.memory_space<semaphore_mem>>) src(%dma_wait3A_56 : memref<632x128xf32, #tpu.memory_space<hbm>>) dst(%dma_wait3A_54 : memref<632x128xf32, #tpu.memory_space<vmem_shared>>)
      tpu.yield
    }) : () -> ()
    %mul3A_1 = arith.constant 1280 : i32
    %mul3A_2 = arith.muli %arg0, %mul3A_1 : i32
    %mul3A_3 = arith.constant 80 : i32
    %mul3A_4 = arith.muli %arg1, %mul3A_3 : i32
    %add3A = arith.addi %mul3A_2, %mul3A_4 : i32
    %mul3A_5 = arith.constant 128 : i32
    %mul3A_6 = arith.muli %add3A, %mul3A_5 : i32
    %multiple_of3A = tpu.assume_multiple %mul3A_6, 128 : i32
    "tpu.region"() ({
      %run_scoped3A = tpu.sem_alloc : memref<!tpu.dma_semaphore, #tpu.memory_space<semaphore_mem>>
      %dma_start3A_50 = tpu.memref_slice %arg2[%multiple_of3A] : memref<327680xi32, #tpu.memory_space<hbm>> -> memref<10240xi32, #tpu.memory_space<hbm>>
      %dma_start3A_51 = tpu.memref_slice %arg2[%multiple_of3A] : memref<327680xi32, #tpu.memory_space<hbm>> -> memref<10240xi32, #tpu.memory_space<hbm>>
      tpu.enqueue_dma source(%dma_start3A_51 : memref<10240xi32, #tpu.memory_space<hbm>>) target(%arg7 : memref<10240xi32, #tpu.memory_space<vmem>>) target_semaphore(%run_scoped3A : memref<!tpu.dma_semaphore, #tpu.memory_space<semaphore_mem>>)
      %dma_wait3A = tpu.memref_slice %arg2[%multiple_of3A] : memref<327680xi32, #tpu.memory_space<hbm>> -> memref<10240xi32, #tpu.memory_space<hbm>>
      %dma_wait3A_52 = tpu.memref_slice %arg2[%multiple_of3A] : memref<327680xi32, #tpu.memory_space<hbm>> -> memref<10240xi32, #tpu.memory_space<hbm>>
      tpu.wait_dma2 semaphore(%run_scoped3A : memref<!tpu.dma_semaphore, #tpu.memory_space<semaphore_mem>>) src(%dma_wait3A_52 : memref<10240xi32, #tpu.memory_space<hbm>>) dst(%arg7 : memref<10240xi32, #tpu.memory_space<vmem>>)
      tpu.yield
    }) : () -> ()
    %barrier3A = arith.constant 0 : index
    tpu.barrier barrier_id(%barrier3A)
    %multiple_of3A_7 = arith.constant 0 : i32
    %multiple_of3A_8 = tpu.assume_multiple %multiple_of3A_7, 128 : i32
    %dma_start3A = tpu.memref_slice %arg7[%multiple_of3A_8] : memref<10240xi32, #tpu.memory_space<vmem>> -> memref<128xi32, #tpu.memory_space<vmem>>
    %dma_start3A_9 = arith.constant 0 : i32
    %dma_start3A_10 = arith.constant 0 : i32
    %dma_start3A_11 = tpu.memref_slice %arg4[%dma_start3A_9, %dma_start3A_10] : memref<10112x128xf32, #tpu.memory_space<hbm>> -> memref<10112x128xf32, #tpu.memory_space<hbm>>
    tpu.enqueue_indirect_dma source(%dma_start3A_11 : memref<10112x128xf32, #tpu.memory_space<hbm>>) target(%arg9 : memref<128x128xf32, #tpu.memory_space<vmem>>) offsets(%dma_start3A : memref<128xi32, #tpu.memory_space<vmem>>) semaphore(%arg12 : memref<!tpu.dma_semaphore, #tpu.memory_space<semaphore_mem>>)
    %add3A_12 = arith.constant 0 : i32
    %add3A_13 = arith.addi %add3A, %add3A_12 : i32
    %dma_start3A_14 = arith.constant 0 : i32
    %dma_start3A_15 = arith.constant 0 : i32
    %dma_start3A_16 = arith.constant 0 : i32
    %dma_start3A_17 = tpu.memref_slice %arg8[%dma_start3A_14, %dma_start3A_15, %dma_start3A_16] : memref<2x1x128xi32, #tpu.memory_space<vmem>> -> memref<1x1x128xi32, #tpu.memory_space<vmem>>
    %dma_start3A_18 = arith.constant 0 : i32
    %dma_start3A_19 = arith.constant 0 : i32
    %dma_start3A_20 = tpu.memref_slice %arg3[%add3A_13, %dma_start3A_18, %dma_start3A_19] : memref<2560x1x128xi32, #tpu.memory_space<hbm>> -> memref<1x1x128xi32, #tpu.memory_space<hbm>>
    %dma_start3A_21 = arith.constant 0 : i32
    %dma_start3A_22 = arith.constant 0 : i32
    %dma_start3A_23 = arith.constant 0 : i32
    %dma_start3A_24 = tpu.memref_slice %arg8[%dma_start3A_21, %dma_start3A_22, %dma_start3A_23] : memref<2x1x128xi32, #tpu.memory_space<vmem>> -> memref<1x1x128xi32, #tpu.memory_space<vmem>>
    %dma_start3A_25 = arith.constant 0 : i32
    %dma_start3A_26 = arith.constant 0 : i32
    %dma_start3A_27 = tpu.memref_slice %arg3[%add3A_13, %dma_start3A_25, %dma_start3A_26] : memref<2560x1x128xi32, #tpu.memory_space<hbm>> -> memref<1x1x128xi32, #tpu.memory_space<hbm>>
    tpu.enqueue_dma source(%dma_start3A_27 : memref<1x1x128xi32, #tpu.memory_space<hbm>>) target(%dma_start3A_24 : memref<1x1x128xi32, #tpu.memory_space<vmem>>) target_semaphore(%arg14 : memref<!tpu.dma_semaphore, #tpu.memory_space<semaphore_mem>>)
    %add3A_28 = arith.constant 1 : i32
    %add3A_29 = arith.addi %add3A, %add3A_28 : i32
    %dma_start3A_30 = arith.constant 1 : i32
    %dma_start3A_31 = arith.constant 0 : i32
    %dma_start3A_32 = arith.constant 0 : i32
    %dma_start3A_33 = tpu.memref_slice %arg8[%dma_start3A_30, %dma_start3A_31, %dma_start3A_32] : memref<2x1x128xi32, #tpu.memory_space<vmem>> -> memref<1x1x128xi32, #tpu.memory_space<vmem>>
    %dma_start3A_34 = arith.constant 0 : i32
    %dma_start3A_35 = arith.constant 0 : i32
    %dma_start3A_36 = tpu.memref_slice %arg3[%add3A_29, %dma_start3A_34, %dma_start3A_35] : memref<2560x1x128xi32, #tpu.memory_space<hbm>> -> memref<1x1x128xi32, #tpu.memory_space<hbm>>
    %dma_start3A_37 = arith.constant 1 : i32
    %dma_start3A_38 = arith.constant 0 : i32
    %dma_start3A_39 = arith.constant 0 : i32
    %dma_start3A_40 = tpu.memref_slice %arg8[%dma_start3A_37, %dma_start3A_38, %dma_start3A_39] : memref<2x1x128xi32, #tpu.memory_space<vmem>> -> memref<1x1x128xi32, #tpu.memory_space<vmem>>
    %dma_start3A_41 = arith.constant 0 : i32
    %dma_start3A_42 = arith.constant 0 : i32
    %dma_start3A_43 = tpu.memref_slice %arg3[%add3A_29, %dma_start3A_41, %dma_start3A_42] : memref<2560x1x128xi32, #tpu.memory_space<hbm>> -> memref<1x1x128xi32, #tpu.memory_space<hbm>>
    tpu.enqueue_dma source(%dma_start3A_43 : memref<1x1x128xi32, #tpu.memory_space<hbm>>) target(%dma_start3A_40 : memref<1x1x128xi32, #tpu.memory_space<vmem>>) target_semaphore(%arg15 : memref<!tpu.dma_semaphore, #tpu.memory_space<semaphore_mem>>)
    %scan3A = arith.constant 0 : i32
    %scan3A_44 = arith.constant 0 : i32
    %scan3A_45 = arith.constant 40 : i32
    %scan3A_46 = arith.addi %scan3A_44, %scan3A_45 : i32
    %scan3A_47 = arith.constant 1 : i32
    scf.for %scan3A_50 = %scan3A_44 to %scan3A_46 step %scan3A_47  : i32 {
      %mul3A_51 = arith.constant 2 : i32
      %mul3A_52 = arith.muli %mul3A_51, %scan3A_50 : i32
      %add3A_53 = arith.constant 1 : i32
      %add3A_54 = arith.addi %mul3A_52, %add3A_53 : i32
      %mul3A_55 = arith.constant 128 : i32
      %mul3A_56 = arith.muli %add3A_54, %mul3A_55 : i32
      %multiple_of3A_57 = tpu.assume_multiple %mul3A_56, 128 : i32
      %dma_start3A_58 = tpu.memref_slice %arg7[%multiple_of3A_57] : memref<10240xi32, #tpu.memory_space<vmem>> -> memref<128xi32, #tpu.memory_space<vmem>>
      %dma_start3A_59 = arith.constant 0 : i32
      %dma_start3A_60 = arith.constant 0 : i32
      %dma_start3A_61 = tpu.memref_slice %arg4[%dma_start3A_59, %dma_start3A_60] : memref<10112x128xf32, #tpu.memory_space<hbm>> -> memref<10112x128xf32, #tpu.memory_space<hbm>>
      tpu.enqueue_indirect_dma source(%dma_start3A_61 : memref<10112x128xf32, #tpu.memory_space<hbm>>) target(%arg10 : memref<128x128xf32, #tpu.memory_space<vmem>>) offsets(%dma_start3A_58 : memref<128xi32, #tpu.memory_space<vmem>>) semaphore(%arg13 : memref<!tpu.dma_semaphore, #tpu.memory_space<semaphore_mem>>)
      %dma_wait3A = arith.constant 0 : i32
      %dma_wait3A_62 = arith.constant 0 : i32
      %dma_wait3A_63 = tpu.memref_slice %arg5[%dma_wait3A, %dma_wait3A_62] : memref<10112x128xf32, #tpu.memory_space<hbm>> -> memref<128x128xf32, #tpu.memory_space<hbm>>
      %dma_wait3A_64 = arith.constant 0 : i32
      %dma_wait3A_65 = arith.constant 0 : i32
      %dma_wait3A_66 = tpu.memref_slice %arg5[%dma_wait3A_64, %dma_wait3A_65] : memref<10112x128xf32, #tpu.memory_space<hbm>> -> memref<128x128xf32, #tpu.memory_space<hbm>>
      tpu.wait_dma2 semaphore(%arg12 : memref<!tpu.dma_semaphore, #tpu.memory_space<semaphore_mem>>) src(%dma_wait3A_66 : memref<128x128xf32, #tpu.memory_space<hbm>>) dst(%arg9 : memref<128x128xf32, #tpu.memory_space<vmem>>)
      %dma_wait3A_67 = arith.constant 0 : i32
      %dma_wait3A_68 = arith.constant 0 : i32
      %dma_wait3A_69 = arith.constant 0 : i32
      %dma_wait3A_70 = tpu.memref_slice %arg8[%dma_wait3A_67, %dma_wait3A_68, %dma_wait3A_69] : memref<2x1x128xi32, #tpu.memory_space<vmem>> -> memref<1x1x128xi32, #tpu.memory_space<vmem>>
      %dma_wait3A_71 = arith.constant 0 : i32
      %dma_wait3A_72 = arith.constant 0 : i32
      %dma_wait3A_73 = tpu.memref_slice %arg3[%add3A, %dma_wait3A_71, %dma_wait3A_72] : memref<2560x1x128xi32, #tpu.memory_space<hbm>> -> memref<1x1x128xi32, #tpu.memory_space<hbm>>
      %dma_wait3A_74 = arith.constant 0 : i32
      %dma_wait3A_75 = arith.constant 0 : i32
      %dma_wait3A_76 = arith.constant 0 : i32
      %dma_wait3A_77 = tpu.memref_slice %arg8[%dma_wait3A_74, %dma_wait3A_75, %dma_wait3A_76] : memref<2x1x128xi32, #tpu.memory_space<vmem>> -> memref<1x1x128xi32, #tpu.memory_space<vmem>>
      %dma_wait3A_78 = arith.constant 0 : i32
      %dma_wait3A_79 = arith.constant 0 : i32
      %dma_wait3A_80 = tpu.memref_slice %arg3[%add3A, %dma_wait3A_78, %dma_wait3A_79] : memref<2560x1x128xi32, #tpu.memory_space<hbm>> -> memref<1x1x128xi32, #tpu.memory_space<hbm>>
      tpu.wait_dma2 semaphore(%arg14 : memref<!tpu.dma_semaphore, #tpu.memory_space<semaphore_mem>>) src(%dma_wait3A_80 : memref<1x1x128xi32, #tpu.memory_space<hbm>>) dst(%dma_wait3A_77 : memref<1x1x128xi32, #tpu.memory_space<vmem>>)
      %run_scoped3A = arith.constant 0 : i32
      %run_scoped3A_81 = arith.constant 0 : i32
      "tpu.region"() ({
        %run_scoped3A_111 = tpu.sem_alloc : memref<!tpu.dma_semaphore, #tpu.memory_space<semaphore_mem>>
        %dma_start3A_112 = arith.constant 0 : i32
        %dma_start3A_113 = tpu.memref_slice %arg8[%run_scoped3A, %run_scoped3A_81, %dma_start3A_112] : memref<2x1x128xi32, #tpu.memory_space<vmem>> -> memref<1x1x128xi32, #tpu.memory_space<vmem>>
        %dma_start3A_114 = tpu.memref_squeeze %dma_start3A_113 : memref<1x1x128xi32, #tpu.memory_space<vmem>> -> memref<128xi32, #tpu.memory_space<vmem>>
        %dma_start3A_115 = arith.constant 0 : i32
        %dma_start3A_116 = arith.constant 0 : i32
        %dma_start3A_117 = tpu.memref_slice %arg11[%dma_start3A_115, %dma_start3A_116] : memref<10112x128xf32, #tpu.memory_space<vmem_shared>> -> memref<10112x128xf32, #tpu.memory_space<vmem_shared>>
        tpu.enqueue_indirect_dma source(%arg9 : memref<128x128xf32, #tpu.memory_space<vmem>>) target(%dma_start3A_117 : memref<10112x128xf32, #tpu.memory_space<vmem_shared>>) offsets(%dma_start3A_114 : memref<128xi32, #tpu.memory_space<vmem>>) semaphore(%run_scoped3A_111 : memref<!tpu.dma_semaphore, #tpu.memory_space<semaphore_mem>>) {add = true}
        %dma_wait3A_118 = arith.constant 0 : i32
        %dma_wait3A_119 = tpu.memref_slice %arg8[%run_scoped3A, %run_scoped3A_81, %dma_wait3A_118] : memref<2x1x128xi32, #tpu.memory_space<vmem>> -> memref<1x1x128xi32, #tpu.memory_space<vmem>>
        %dma_wait3A_120 = tpu.memref_squeeze %dma_wait3A_119 : memref<1x1x128xi32, #tpu.memory_space<vmem>> -> memref<128xi32, #tpu.memory_space<vmem>>
        %dma_wait3A_121 = arith.constant 0 : i32
        %dma_wait3A_122 = arith.constant 0 : i32
        %dma_wait3A_123 = tpu.memref_slice %arg11[%dma_wait3A_121, %dma_wait3A_122] : memref<10112x128xf32, #tpu.memory_space<vmem_shared>> -> memref<10112x128xf32, #tpu.memory_space<vmem_shared>>
        tpu.wait_indirect_dma semaphore(%run_scoped3A_111 : memref<!tpu.dma_semaphore, #tpu.memory_space<semaphore_mem>>) src(%arg9 : memref<128x128xf32, #tpu.memory_space<vmem>>) dst(%dma_wait3A_123 : memref<10112x128xf32, #tpu.memory_space<vmem_shared>>)
        tpu.yield
      }) : () -> ()
      %lt3A = arith.constant 39 : i32
      %lt3A_82 = arith.cmpi slt, %scan3A_50, %lt3A : i32
      %convert_element_type3A = arith.extui %lt3A_82 : i1 to i32
      %cond3A = arith.constant 0 : i32
      %cond3A_83 = arith.cmpi ne, %convert_element_type3A, %cond3A : i32
      scf.if %cond3A_83 {
        %add3A_111 = arith.constant 2 : i32
        %add3A_112 = arith.addi %mul3A_52, %add3A_111 : i32
        %mul3A_113 = arith.constant 128 : i32
        %mul3A_114 = arith.muli %add3A_112, %mul3A_113 : i32
        %multiple_of3A_115 = tpu.assume_multiple %mul3A_114, 128 : i32
        %dma_start3A_116 = tpu.memref_slice %arg7[%multiple_of3A_115] : memref<10240xi32, #tpu.memory_space<vmem>> -> memref<128xi32, #tpu.memory_space<vmem>>
        %dma_start3A_117 = arith.constant 0 : i32
        %dma_start3A_118 = arith.constant 0 : i32
        %dma_start3A_119 = tpu.memref_slice %arg4[%dma_start3A_117, %dma_start3A_118] : memref<10112x128xf32, #tpu.memory_space<hbm>> -> memref<10112x128xf32, #tpu.memory_space<hbm>>
        tpu.enqueue_indirect_dma source(%dma_start3A_119 : memref<10112x128xf32, #tpu.memory_space<hbm>>) target(%arg9 : memref<128x128xf32, #tpu.memory_space<vmem>>) offsets(%dma_start3A_116 : memref<128xi32, #tpu.memory_space<vmem>>) semaphore(%arg12 : memref<!tpu.dma_semaphore, #tpu.memory_space<semaphore_mem>>)
        %add3A_120 = arith.constant 2 : i32
        %add3A_121 = arith.addi %mul3A_52, %add3A_120 : i32
        %add3A_122 = arith.addi %add3A, %add3A_121 : i32
        %dma_start3A_123 = arith.constant 0 : i32
        %dma_start3A_124 = arith.constant 0 : i32
        %dma_start3A_125 = arith.constant 0 : i32
        %dma_start3A_126 = tpu.memref_slice %arg8[%dma_start3A_123, %dma_start3A_124, %dma_start3A_125] : memref<2x1x128xi32, #tpu.memory_space<vmem>> -> memref<1x1x128xi32, #tpu.memory_space<vmem>>
        %dma_start3A_127 = arith.constant 0 : i32
        %dma_start3A_128 = arith.constant 0 : i32
        %dma_start3A_129 = tpu.memref_slice %arg3[%add3A_122, %dma_start3A_127, %dma_start3A_128] : memref<2560x1x128xi32, #tpu.memory_space<hbm>> -> memref<1x1x128xi32, #tpu.memory_space<hbm>>
        %dma_start3A_130 = arith.constant 0 : i32
        %dma_start3A_131 = arith.constant 0 : i32
        %dma_start3A_132 = arith.constant 0 : i32
        %dma_start3A_133 = tpu.memref_slice %arg8[%dma_start3A_130, %dma_start3A_131, %dma_start3A_132] : memref<2x1x128xi32, #tpu.memory_space<vmem>> -> memref<1x1x128xi32, #tpu.memory_space<vmem>>
        %dma_start3A_134 = arith.constant 0 : i32
        %dma_start3A_135 = arith.constant 0 : i32
        %dma_start3A_136 = tpu.memref_slice %arg3[%add3A_122, %dma_start3A_134, %dma_start3A_135] : memref<2560x1x128xi32, #tpu.memory_space<hbm>> -> memref<1x1x128xi32, #tpu.memory_space<hbm>>
        tpu.enqueue_dma source(%dma_start3A_136 : memref<1x1x128xi32, #tpu.memory_space<hbm>>) target(%dma_start3A_133 : memref<1x1x128xi32, #tpu.memory_space<vmem>>) target_semaphore(%arg14 : memref<!tpu.dma_semaphore, #tpu.memory_space<semaphore_mem>>)
      } else {
      }
      %dma_wait3A_84 = arith.constant 0 : i32
      %dma_wait3A_85 = arith.constant 0 : i32
      %dma_wait3A_86 = tpu.memref_slice %arg5[%dma_wait3A_84, %dma_wait3A_85] : memref<10112x128xf32, #tpu.memory_space<hbm>> -> memref<128x128xf32, #tpu.memory_space<hbm>>
      %dma_wait3A_87 = arith.constant 0 : i32
      %dma_wait3A_88 = arith.constant 0 : i32
      %dma_wait3A_89 = tpu.memref_slice %arg5[%dma_wait3A_87, %dma_wait3A_88] : memref<10112x128xf32, #tpu.memory_space<hbm>> -> memref<128x128xf32, #tpu.memory_space<hbm>>
      tpu.wait_dma2 semaphore(%arg13 : memref<!tpu.dma_semaphore, #tpu.memory_space<semaphore_mem>>) src(%dma_wait3A_89 : memref<128x128xf32, #tpu.memory_space<hbm>>) dst(%arg10 : memref<128x128xf32, #tpu.memory_space<vmem>>)
      %dma_wait3A_90 = arith.constant 1 : i32
      %dma_wait3A_91 = arith.constant 0 : i32
      %dma_wait3A_92 = arith.constant 0 : i32
      %dma_wait3A_93 = tpu.memref_slice %arg8[%dma_wait3A_90, %dma_wait3A_91, %dma_wait3A_92] : memref<2x1x128xi32, #tpu.memory_space<vmem>> -> memref<1x1x128xi32, #tpu.memory_space<vmem>>
      %dma_wait3A_94 = arith.constant 0 : i32
      %dma_wait3A_95 = arith.constant 0 : i32
      %dma_wait3A_96 = tpu.memref_slice %arg3[%add3A, %dma_wait3A_94, %dma_wait3A_95] : memref<2560x1x128xi32, #tpu.memory_space<hbm>> -> memref<1x1x128xi32, #tpu.memory_space<hbm>>
      %dma_wait3A_97 = arith.constant 1 : i32
      %dma_wait3A_98 = arith.constant 0 : i32
      %dma_wait3A_99 = arith.constant 0 : i32
      %dma_wait3A_100 = tpu.memref_slice %arg8[%dma_wait3A_97, %dma_wait3A_98, %dma_wait3A_99] : memref<2x1x128xi32, #tpu.memory_space<vmem>> -> memref<1x1x128xi32, #tpu.memory_space<vmem>>
      %dma_wait3A_101 = arith.constant 0 : i32
      %dma_wait3A_102 = arith.constant 0 : i32
      %dma_wait3A_103 = tpu.memref_slice %arg3[%add3A, %dma_wait3A_101, %dma_wait3A_102] : memref<2560x1x128xi32, #tpu.memory_space<hbm>> -> memref<1x1x128xi32, #tpu.memory_space<hbm>>
      tpu.wait_dma2 semaphore(%arg15 : memref<!tpu.dma_semaphore, #tpu.memory_space<semaphore_mem>>) src(%dma_wait3A_103 : memref<1x1x128xi32, #tpu.memory_space<hbm>>) dst(%dma_wait3A_100 : memref<1x1x128xi32, #tpu.memory_space<vmem>>)
      %run_scoped3A_104 = arith.constant 1 : i32
      %run_scoped3A_105 = arith.constant 0 : i32
      "tpu.region"() ({
        %run_scoped3A_111 = tpu.sem_alloc : memref<!tpu.dma_semaphore, #tpu.memory_space<semaphore_mem>>
        %dma_start3A_112 = arith.constant 0 : i32
        %dma_start3A_113 = tpu.memref_slice %arg8[%run_scoped3A_104, %run_scoped3A_105, %dma_start3A_112] : memref<2x1x128xi32, #tpu.memory_space<vmem>> -> memref<1x1x128xi32, #tpu.memory_space<vmem>>
        %dma_start3A_114 = tpu.memref_squeeze %dma_start3A_113 : memref<1x1x128xi32, #tpu.memory_space<vmem>> -> memref<128xi32, #tpu.memory_space<vmem>>
        %dma_start3A_115 = arith.constant 0 : i32
        %dma_start3A_116 = arith.constant 0 : i32
        %dma_start3A_117 = tpu.memref_slice %arg11[%dma_start3A_115, %dma_start3A_116] : memref<10112x128xf32, #tpu.memory_space<vmem_shared>> -> memref<10112x128xf32, #tpu.memory_space<vmem_shared>>
        tpu.enqueue_indirect_dma source(%arg10 : memref<128x128xf32, #tpu.memory_space<vmem>>) target(%dma_start3A_117 : memref<10112x128xf32, #tpu.memory_space<vmem_shared>>) offsets(%dma_start3A_114 : memref<128xi32, #tpu.memory_space<vmem>>) semaphore(%run_scoped3A_111 : memref<!tpu.dma_semaphore, #tpu.memory_space<semaphore_mem>>) {add = true}
        %dma_wait3A_118 = arith.constant 0 : i32
        %dma_wait3A_119 = tpu.memref_slice %arg8[%run_scoped3A_104, %run_scoped3A_105, %dma_wait3A_118] : memref<2x1x128xi32, #tpu.memory_space<vmem>> -> memref<1x1x128xi32, #tpu.memory_space<vmem>>
        %dma_wait3A_120 = tpu.memref_squeeze %dma_wait3A_119 : memref<1x1x128xi32, #tpu.memory_space<vmem>> -> memref<128xi32, #tpu.memory_space<vmem>>
        %dma_wait3A_121 = arith.constant 0 : i32
        %dma_wait3A_122 = arith.constant 0 : i32
        %dma_wait3A_123 = tpu.memref_slice %arg11[%dma_wait3A_121, %dma_wait3A_122] : memref<10112x128xf32, #tpu.memory_space<vmem_shared>> -> memref<10112x128xf32, #tpu.memory_space<vmem_shared>>
        tpu.wait_indirect_dma semaphore(%run_scoped3A_111 : memref<!tpu.dma_semaphore, #tpu.memory_space<semaphore_mem>>) src(%arg10 : memref<128x128xf32, #tpu.memory_space<vmem>>) dst(%dma_wait3A_123 : memref<10112x128xf32, #tpu.memory_space<vmem_shared>>)
        tpu.yield
      }) : () -> ()
      %lt3A_106 = arith.constant 39 : i32
      %lt3A_107 = arith.cmpi slt, %scan3A_50, %lt3A_106 : i32
      %convert_element_type3A_108 = arith.extui %lt3A_107 : i1 to i32
      %cond3A_109 = arith.constant 0 : i32
      %cond3A_110 = arith.cmpi ne, %convert_element_type3A_108, %cond3A_109 : i32
      scf.if %cond3A_110 {
        %add3A_111 = arith.constant 3 : i32
        %add3A_112 = arith.addi %mul3A_52, %add3A_111 : i32
        %add3A_113 = arith.addi %add3A, %add3A_112 : i32
        %dma_start3A_114 = arith.constant 1 : i32
        %dma_start3A_115 = arith.constant 0 : i32
        %dma_start3A_116 = arith.constant 0 : i32
        %dma_start3A_117 = tpu.memref_slice %arg8[%dma_start3A_114, %dma_start3A_115, %dma_start3A_116] : memref<2x1x128xi32, #tpu.memory_space<vmem>> -> memref<1x1x128xi32, #tpu.memory_space<vmem>>
        %dma_start3A_118 = arith.constant 0 : i32
        %dma_start3A_119 = arith.constant 0 : i32
        %dma_start3A_120 = tpu.memref_slice %arg3[%add3A_113, %dma_start3A_118, %dma_start3A_119] : memref<2560x1x128xi32, #tpu.memory_space<hbm>> -> memref<1x1x128xi32, #tpu.memory_space<hbm>>
        %dma_start3A_121 = arith.constant 1 : i32
        %dma_start3A_122 = arith.constant 0 : i32
        %dma_start3A_123 = arith.constant 0 : i32
        %dma_start3A_124 = tpu.memref_slice %arg8[%dma_start3A_121, %dma_start3A_122, %dma_start3A_123] : memref<2x1x128xi32, #tpu.memory_space<vmem>> -> memref<1x1x128xi32, #tpu.memory_space<vmem>>
        %dma_start3A_125 = arith.constant 0 : i32
        %dma_start3A_126 = arith.constant 0 : i32
        %dma_start3A_127 = tpu.memref_slice %arg3[%add3A_113, %dma_start3A_125, %dma_start3A_126] : memref<2560x1x128xi32, #tpu.memory_space<hbm>> -> memref<1x1x128xi32, #tpu.memory_space<hbm>>
        tpu.enqueue_dma source(%dma_start3A_127 : memref<1x1x128xi32, #tpu.memory_space<hbm>>) target(%dma_start3A_124 : memref<1x1x128xi32, #tpu.memory_space<vmem>>) target_semaphore(%arg15 : memref<!tpu.dma_semaphore, #tpu.memory_space<semaphore_mem>>)
      } else {
      }
    }
    %scan3A_48 = arith.constant 40 : i32
    %barrier3A_49 = arith.constant 0 : index
    tpu.barrier barrier_id(%barrier3A_49)
    "tpu.region"() ({
      %run_scoped3A = tpu.sem_alloc : memref<!tpu.dma_semaphore, #tpu.memory_space<semaphore_mem>>
      %dma_start3A_50 = arith.constant 0 : i32
      %dma_start3A_51 = tpu.memref_slice %arg6[%arg0, %mul3A_0, %dma_start3A_50] : memref<2x10112x128xf32, #tpu.memory_space<hbm>> -> memref<1x632x128xf32, #tpu.memory_space<hbm>>
      %dma_start3A_52 = tpu.memref_squeeze %dma_start3A_51 : memref<1x632x128xf32, #tpu.memory_space<hbm>> -> memref<632x128xf32, #tpu.memory_space<hbm>>
      %dma_start3A_53 = arith.constant 0 : i32
      %dma_start3A_54 = tpu.memref_slice %arg11[%mul3A_0, %dma_start3A_53] : memref<10112x128xf32, #tpu.memory_space<vmem_shared>> -> memref<632x128xf32, #tpu.memory_space<vmem_shared>>
      tpu.enqueue_dma source(%dma_start3A_54 : memref<632x128xf32, #tpu.memory_space<vmem_shared>>) target(%dma_start3A_52 : memref<632x128xf32, #tpu.memory_space<hbm>>) target_semaphore(%run_scoped3A : memref<!tpu.dma_semaphore, #tpu.memory_space<semaphore_mem>>)
      %dma_wait3A = arith.constant 0 : i32
      %dma_wait3A_55 = tpu.memref_slice %arg6[%arg0, %mul3A_0, %dma_wait3A] : memref<2x10112x128xf32, #tpu.memory_space<hbm>> -> memref<1x632x128xf32, #tpu.memory_space<hbm>>
      %dma_wait3A_56 = tpu.memref_squeeze %dma_wait3A_55 : memref<1x632x128xf32, #tpu.memory_space<hbm>> -> memref<632x128xf32, #tpu.memory_space<hbm>>
      %dma_wait3A_57 = arith.constant 0 : i32
      %dma_wait3A_58 = tpu.memref_slice %arg11[%mul3A_0, %dma_wait3A_57] : memref<10112x128xf32, #tpu.memory_space<vmem_shared>> -> memref<632x128xf32, #tpu.memory_space<vmem_shared>>
      tpu.wait_dma2 semaphore(%run_scoped3A : memref<!tpu.dma_semaphore, #tpu.memory_space<semaphore_mem>>) src(%dma_wait3A_58 : memref<632x128xf32, #tpu.memory_space<vmem_shared>>) dst(%dma_wait3A_56 : memref<632x128xf32, #tpu.memory_space<hbm>>)
      tpu.yield
    }) : () -> ()
    return
  }
}

#map = affine_map<(d0, d1) -> (0)>
#map1 = affine_map<(d0, d1) -> (0, 0, 0)>
#map2 = affine_map<(d0, d1) -> (0, 0)>
module attributes {stable_mosaic.version = 14 : i64} {
  func.func @sc_spmm(%arg0: i32, %arg1: i32, %arg2: memref<327680xi32, #tpu.memory_space<hbm>>, %arg3: memref<2560x1x128xi32, #tpu.memory_space<hbm>>, %arg4: memref<10112x128xf32, #tpu.memory_space<hbm>>, %arg5: memref<10112x128xf32, #tpu.memory_space<hbm>>, %arg6: memref<2x10112x128xf32, #tpu.memory_space<hbm>>, %arg7: memref<10240xi32, #tpu.memory_space<vmem>>, %arg8: memref<2x1x128xi32, #tpu.memory_space<vmem>>, %arg9: memref<128x128xf32, #tpu.memory_space<vmem>>, %arg10: memref<128x128xf32, #tpu.memory_space<vmem>>, %arg11: memref<10112x128xf32, #tpu.memory_space<vmem_shared>>, %arg12: memref<!tpu.dma_semaphore, #tpu.memory_space<semaphore_mem>>, %arg13: memref<!tpu.dma_semaphore, #tpu.memory_space<semaphore_mem>>, %arg14: memref<!tpu.dma_semaphore, #tpu.memory_space<semaphore_mem>>, %arg15: memref<!tpu.dma_semaphore, #tpu.memory_space<semaphore_mem>>) attributes {dimension_semantics = [#tpu.dimension_semantics<core_parallel>, #tpu.dimension_semantics<subcore_parallel>], iteration_bounds = array<i64: 2, 16>, scalar_prefetch = 0 : i64, scratch_operands = 9 : i64, tpu.core_type = #tpu.core_type<sc_vector_subcore>, window_params = [{transform_indices = #map}, {transform_indices = #map1}, {transform_indices = #map2}, {transform_indices = #map2}, {transform_indices = #map1}]} {
    %mul3A = arith.constant 632 : i32
    %mul3A_0 = arith.muli %arg1, %mul3A : i32
    "tpu.region"() ({
      %run_scoped3A = tpu.sem_alloc : memref<!tpu.dma_semaphore, #tpu.memory_space<semaphore_mem>>
      %dma_start3A_50 = arith.constant 0 : i32
      %dma_start3A_51 = tpu.memref_slice %arg11[%mul3A_0, %dma_start3A_50] : memref<10112x128xf32, #tpu.memory_space<vmem_shared>> -> memref<632x128xf32, #tpu.memory_space<vmem_shared>>
      %dma_start3A_52 = arith.constant 0 : i32
      %dma_start3A_53 = tpu.memref_slice %arg5[%mul3A_0, %dma_start3A_52] : memref<10112x128xf32, #tpu.memory_space<hbm>> -> memref<632x128xf32, #tpu.memory_space<hbm>>
      tpu.enqueue_dma source(%dma_start3A_53 : memref<632x128xf32, #tpu.memory_space<hbm>>) target(%dma_start3A_51 : memref<632x128xf32, #tpu.memory_space<vmem_shared>>) target_semaphore(%run_scoped3A : memref<!tpu.dma_semaphore, #tpu.memory_space<semaphore_mem>>)
      %dma_wait3A = arith.constant 0 : i32
      %dma_wait3A_54 = tpu.memref_slice %arg11[%mul3A_0, %dma_wait3A] : memref<10112x128xf32, #tpu.memory_space<vmem_shared>> -> memref<632x128xf32, #tpu.memory_space<vmem_shared>>
      %dma_wait3A_55 = arith.constant 0 : i32
      %dma_wait3A_56 = tpu.memref_slice %arg5[%mul3A_0, %dma_wait3A_55] : memref<10112x128xf32, #tpu.memory_space<hbm>> -> memref<632x128xf32, #tpu.memory_space<hbm>>
      tpu.wait_dma2 semaphore(%run_scoped3A : memref<!tpu.dma_semaphore, #tpu.memory_space<semaphore_mem>>) src(%dma_wait3A_56 : memref<632x128xf32, #tpu.memory_space<hbm>>) dst(%dma_wait3A_54 : memref<632x128xf32, #tpu.memory_space<vmem_shared>>)
      tpu.yield
    }) : () -> ()
    %mul3A_1 = arith.constant 1280 : i32
    %mul3A_2 = arith.muli %arg0, %mul3A_1 : i32
    %mul3A_3 = arith.constant 80 : i32
    %mul3A_4 = arith.muli %arg1, %mul3A_3 : i32
    %add3A = arith.addi %mul3A_2, %mul3A_4 : i32
    %mul3A_5 = arith.constant 128 : i32
    %mul3A_6 = arith.muli %add3A, %mul3A_5 : i32
    %multiple_of3A = tpu.assume_multiple %mul3A_6, 128 : i32
    "tpu.region"() ({
      %run_scoped3A = tpu.sem_alloc : memref<!tpu.dma_semaphore, #tpu.memory_space<semaphore_mem>>
      %dma_start3A_50 = tpu.memref_slice %arg2[%multiple_of3A] : memref<327680xi32, #tpu.memory_space<hbm>> -> memref<10240xi32, #tpu.memory_space<hbm>>
      %dma_start3A_51 = tpu.memref_slice %arg2[%multiple_of3A] : memref<327680xi32, #tpu.memory_space<hbm>> -> memref<10240xi32, #tpu.memory_space<hbm>>
      tpu.enqueue_dma source(%dma_start3A_51 : memref<10240xi32, #tpu.memory_space<hbm>>) target(%arg7 : memref<10240xi32, #tpu.memory_space<vmem>>) target_semaphore(%run_scoped3A : memref<!tpu.dma_semaphore, #tpu.memory_space<semaphore_mem>>)
      %dma_wait3A = tpu.memref_slice %arg2[%multiple_of3A] : memref<327680xi32, #tpu.memory_space<hbm>> -> memref<10240xi32, #tpu.memory_space<hbm>>
      %dma_wait3A_52 = tpu.memref_slice %arg2[%multiple_of3A] : memref<327680xi32, #tpu.memory_space<hbm>> -> memref<10240xi32, #tpu.memory_space<hbm>>
      tpu.wait_dma2 semaphore(%run_scoped3A : memref<!tpu.dma_semaphore, #tpu.memory_space<semaphore_mem>>) src(%dma_wait3A_52 : memref<10240xi32, #tpu.memory_space<hbm>>) dst(%arg7 : memref<10240xi32, #tpu.memory_space<vmem>>)
      tpu.yield
    }) : () -> ()
    %barrier3A = arith.constant 0 : index
    tpu.barrier barrier_id(%barrier3A)
    %multiple_of3A_7 = arith.constant 0 : i32
    %multiple_of3A_8 = tpu.assume_multiple %multiple_of3A_7, 128 : i32
    %dma_start3A = tpu.memref_slice %arg7[%multiple_of3A_8] : memref<10240xi32, #tpu.memory_space<vmem>> -> memref<128xi32, #tpu.memory_space<vmem>>
    %dma_start3A_9 = arith.constant 0 : i32
    %dma_start3A_10 = arith.constant 0 : i32
    %dma_start3A_11 = tpu.memref_slice %arg4[%dma_start3A_9, %dma_start3A_10] : memref<10112x128xf32, #tpu.memory_space<hbm>> -> memref<10112x128xf32, #tpu.memory_space<hbm>>
    tpu.enqueue_indirect_dma source(%dma_start3A_11 : memref<10112x128xf32, #tpu.memory_space<hbm>>) target(%arg9 : memref<128x128xf32, #tpu.memory_space<vmem>>) offsets(%dma_start3A : memref<128xi32, #tpu.memory_space<vmem>>) semaphore(%arg12 : memref<!tpu.dma_semaphore, #tpu.memory_space<semaphore_mem>>)
    %add3A_12 = arith.constant 0 : i32
    %add3A_13 = arith.addi %add3A, %add3A_12 : i32
    %dma_start3A_14 = arith.constant 0 : i32
    %dma_start3A_15 = arith.constant 0 : i32
    %dma_start3A_16 = arith.constant 0 : i32
    %dma_start3A_17 = tpu.memref_slice %arg8[%dma_start3A_14, %dma_start3A_15, %dma_start3A_16] : memref<2x1x128xi32, #tpu.memory_space<vmem>> -> memref<1x1x128xi32, #tpu.memory_space<vmem>>
    %dma_start3A_18 = arith.constant 0 : i32
    %dma_start3A_19 = arith.constant 0 : i32
    %dma_start3A_20 = tpu.memref_slice %arg3[%add3A_13, %dma_start3A_18, %dma_start3A_19] : memref<2560x1x128xi32, #tpu.memory_space<hbm>> -> memref<1x1x128xi32, #tpu.memory_space<hbm>>
    %dma_start3A_21 = arith.constant 0 : i32
    %dma_start3A_22 = arith.constant 0 : i32
    %dma_start3A_23 = arith.constant 0 : i32
    %dma_start3A_24 = tpu.memref_slice %arg8[%dma_start3A_21, %dma_start3A_22, %dma_start3A_23] : memref<2x1x128xi32, #tpu.memory_space<vmem>> -> memref<1x1x128xi32, #tpu.memory_space<vmem>>
    %dma_start3A_25 = arith.constant 0 : i32
    %dma_start3A_26 = arith.constant 0 : i32
    %dma_start3A_27 = tpu.memref_slice %arg3[%add3A_13, %dma_start3A_25, %dma_start3A_26] : memref<2560x1x128xi32, #tpu.memory_space<hbm>> -> memref<1x1x128xi32, #tpu.memory_space<hbm>>
    tpu.enqueue_dma source(%dma_start3A_27 : memref<1x1x128xi32, #tpu.memory_space<hbm>>) target(%dma_start3A_24 : memref<1x1x128xi32, #tpu.memory_space<vmem>>) target_semaphore(%arg14 : memref<!tpu.dma_semaphore, #tpu.memory_space<semaphore_mem>>)
    %add3A_28 = arith.constant 1 : i32
    %add3A_29 = arith.addi %add3A, %add3A_28 : i32
    %dma_start3A_30 = arith.constant 1 : i32
    %dma_start3A_31 = arith.constant 0 : i32
    %dma_start3A_32 = arith.constant 0 : i32
    %dma_start3A_33 = tpu.memref_slice %arg8[%dma_start3A_30, %dma_start3A_31, %dma_start3A_32] : memref<2x1x128xi32, #tpu.memory_space<vmem>> -> memref<1x1x128xi32, #tpu.memory_space<vmem>>
    %dma_start3A_34 = arith.constant 0 : i32
    %dma_start3A_35 = arith.constant 0 : i32
    %dma_start3A_36 = tpu.memref_slice %arg3[%add3A_29, %dma_start3A_34, %dma_start3A_35] : memref<2560x1x128xi32, #tpu.memory_space<hbm>> -> memref<1x1x128xi32, #tpu.memory_space<hbm>>
    %dma_start3A_37 = arith.constant 1 : i32
    %dma_start3A_38 = arith.constant 0 : i32
    %dma_start3A_39 = arith.constant 0 : i32
    %dma_start3A_40 = tpu.memref_slice %arg8[%dma_start3A_37, %dma_start3A_38, %dma_start3A_39] : memref<2x1x128xi32, #tpu.memory_space<vmem>> -> memref<1x1x128xi32, #tpu.memory_space<vmem>>
    %dma_start3A_41 = arith.constant 0 : i32
    %dma_start3A_42 = arith.constant 0 : i32
    %dma_start3A_43 = tpu.memref_slice %arg3[%add3A_29, %dma_start3A_41, %dma_start3A_42] : memref<2560x1x128xi32, #tpu.memory_space<hbm>> -> memref<1x1x128xi32, #tpu.memory_space<hbm>>
    tpu.enqueue_dma source(%dma_start3A_43 : memref<1x1x128xi32, #tpu.memory_space<hbm>>) target(%dma_start3A_40 : memref<1x1x128xi32, #tpu.memory_space<vmem>>) target_semaphore(%arg15 : memref<!tpu.dma_semaphore, #tpu.memory_space<semaphore_mem>>)
    %scan3A = arith.constant 0 : i32
    %scan3A_44 = arith.constant 0 : i32
    %scan3A_45 = arith.constant 40 : i32
    %scan3A_46 = arith.addi %scan3A_44, %scan3A_45 : i32
    %scan3A_47 = arith.constant 1 : i32
    scf.for %scan3A_50 = %scan3A_44 to %scan3A_46 step %scan3A_47  : i32 {
      %mul3A_51 = arith.constant 2 : i32
      %mul3A_52 = arith.muli %mul3A_51, %scan3A_50 : i32
      %add3A_53 = arith.constant 1 : i32
      %add3A_54 = arith.addi %mul3A_52, %add3A_53 : i32
      %mul3A_55 = arith.constant 128 : i32
      %mul3A_56 = arith.muli %add3A_54, %mul3A_55 : i32
      %multiple_of3A_57 = tpu.assume_multiple %mul3A_56, 128 : i32
      %dma_start3A_58 = tpu.memref_slice %arg7[%multiple_of3A_57] : memref<10240xi32, #tpu.memory_space<vmem>> -> memref<128xi32, #tpu.memory_space<vmem>>
      %dma_start3A_59 = arith.constant 0 : i32
      %dma_start3A_60 = arith.constant 0 : i32
      %dma_start3A_61 = tpu.memref_slice %arg4[%dma_start3A_59, %dma_start3A_60] : memref<10112x128xf32, #tpu.memory_space<hbm>> -> memref<10112x128xf32, #tpu.memory_space<hbm>>
      tpu.enqueue_indirect_dma source(%dma_start3A_61 : memref<10112x128xf32, #tpu.memory_space<hbm>>) target(%arg10 : memref<128x128xf32, #tpu.memory_space<vmem>>) offsets(%dma_start3A_58 : memref<128xi32, #tpu.memory_space<vmem>>) semaphore(%arg13 : memref<!tpu.dma_semaphore, #tpu.memory_space<semaphore_mem>>)
      %dma_wait3A = arith.constant 0 : i32
      %dma_wait3A_62 = arith.constant 0 : i32
      %dma_wait3A_63 = tpu.memref_slice %arg5[%dma_wait3A, %dma_wait3A_62] : memref<10112x128xf32, #tpu.memory_space<hbm>> -> memref<128x128xf32, #tpu.memory_space<hbm>>
      %dma_wait3A_64 = arith.constant 0 : i32
      %dma_wait3A_65 = arith.constant 0 : i32
      %dma_wait3A_66 = tpu.memref_slice %arg5[%dma_wait3A_64, %dma_wait3A_65] : memref<10112x128xf32, #tpu.memory_space<hbm>> -> memref<128x128xf32, #tpu.memory_space<hbm>>
      tpu.wait_dma2 semaphore(%arg12 : memref<!tpu.dma_semaphore, #tpu.memory_space<semaphore_mem>>) src(%dma_wait3A_66 : memref<128x128xf32, #tpu.memory_space<hbm>>) dst(%arg9 : memref<128x128xf32, #tpu.memory_space<vmem>>)
      %dma_wait3A_67 = arith.constant 0 : i32
      %dma_wait3A_68 = arith.constant 0 : i32
      %dma_wait3A_69 = arith.constant 0 : i32
      %dma_wait3A_70 = tpu.memref_slice %arg8[%dma_wait3A_67, %dma_wait3A_68, %dma_wait3A_69] : memref<2x1x128xi32, #tpu.memory_space<vmem>> -> memref<1x1x128xi32, #tpu.memory_space<vmem>>
      %dma_wait3A_71 = arith.constant 0 : i32
      %dma_wait3A_72 = arith.constant 0 : i32
      %dma_wait3A_73 = tpu.memref_slice %arg3[%add3A, %dma_wait3A_71, %dma_wait3A_72] : memref<2560x1x128xi32, #tpu.memory_space<hbm>> -> memref<1x1x128xi32, #tpu.memory_space<hbm>>
      %dma_wait3A_74 = arith.constant 0 : i32
      %dma_wait3A_75 = arith.constant 0 : i32
      %dma_wait3A_76 = arith.constant 0 : i32
      %dma_wait3A_77 = tpu.memref_slice %arg8[%dma_wait3A_74, %dma_wait3A_75, %dma_wait3A_76] : memref<2x1x128xi32, #tpu.memory_space<vmem>> -> memref<1x1x128xi32, #tpu.memory_space<vmem>>
      %dma_wait3A_78 = arith.constant 0 : i32
      %dma_wait3A_79 = arith.constant 0 : i32
      %dma_wait3A_80 = tpu.memref_slice %arg3[%add3A, %dma_wait3A_78, %dma_wait3A_79] : memref<2560x1x128xi32, #tpu.memory_space<hbm>> -> memref<1x1x128xi32, #tpu.memory_space<hbm>>
      tpu.wait_dma2 semaphore(%arg14 : memref<!tpu.dma_semaphore, #tpu.memory_space<semaphore_mem>>) src(%dma_wait3A_80 : memref<1x1x128xi32, #tpu.memory_space<hbm>>) dst(%dma_wait3A_77 : memref<1x1x128xi32, #tpu.memory_space<vmem>>)
      %run_scoped3A = arith.constant 0 : i32
      %run_scoped3A_81 = arith.constant 0 : i32
      "tpu.region"() ({
        %run_scoped3A_111 = tpu.sem_alloc : memref<!tpu.dma_semaphore, #tpu.memory_space<semaphore_mem>>
        %dma_start3A_112 = arith.constant 0 : i32
        %dma_start3A_113 = tpu.memref_slice %arg8[%run_scoped3A, %run_scoped3A_81, %dma_start3A_112] : memref<2x1x128xi32, #tpu.memory_space<vmem>> -> memref<1x1x128xi32, #tpu.memory_space<vmem>>
        %dma_start3A_114 = tpu.memref_squeeze %dma_start3A_113 : memref<1x1x128xi32, #tpu.memory_space<vmem>> -> memref<128xi32, #tpu.memory_space<vmem>>
        %dma_start3A_115 = arith.constant 0 : i32
        %dma_start3A_116 = arith.constant 0 : i32
        %dma_start3A_117 = tpu.memref_slice %arg11[%dma_start3A_115, %dma_start3A_116] : memref<10112x128xf32, #tpu.memory_space<vmem_shared>> -> memref<10112x128xf32, #tpu.memory_space<vmem_shared>>
        tpu.enqueue_indirect_dma source(%arg9 : memref<128x128xf32, #tpu.memory_space<vmem>>) target(%dma_start3A_117 : memref<10112x128xf32, #tpu.memory_space<vmem_shared>>) offsets(%dma_start3A_114 : memref<128xi32, #tpu.memory_space<vmem>>) semaphore(%run_scoped3A_111 : memref<!tpu.dma_semaphore, #tpu.memory_space<semaphore_mem>>) {add = true}
        %dma_wait3A_118 = arith.constant 0 : i32
        %dma_wait3A_119 = tpu.memref_slice %arg8[%run_scoped3A, %run_scoped3A_81, %dma_wait3A_118] : memref<2x1x128xi32, #tpu.memory_space<vmem>> -> memref<1x1x128xi32, #tpu.memory_space<vmem>>
        %dma_wait3A_120 = tpu.memref_squeeze %dma_wait3A_119 : memref<1x1x128xi32, #tpu.memory_space<vmem>> -> memref<128xi32, #tpu.memory_space<vmem>>
        %dma_wait3A_121 = arith.constant 0 : i32
        %dma_wait3A_122 = arith.constant 0 : i32
        %dma_wait3A_123 = tpu.memref_slice %arg11[%dma_wait3A_121, %dma_wait3A_122] : memref<10112x128xf32, #tpu.memory_space<vmem_shared>> -> memref<10112x128xf32, #tpu.memory_space<vmem_shared>>
        tpu.wait_indirect_dma semaphore(%run_scoped3A_111 : memref<!tpu.dma_semaphore, #tpu.memory_space<semaphore_mem>>) src(%arg9 : memref<128x128xf32, #tpu.memory_space<vmem>>) dst(%dma_wait3A_123 : memref<10112x128xf32, #tpu.memory_space<vmem_shared>>)
        tpu.yield
      }) : () -> ()
      %lt3A = arith.constant 39 : i32
      %lt3A_82 = arith.cmpi slt, %scan3A_50, %lt3A : i32
      %convert_element_type3A = arith.extui %lt3A_82 : i1 to i32
      %cond3A = arith.constant 0 : i32
      %cond3A_83 = arith.cmpi ne, %convert_element_type3A, %cond3A : i32
      scf.if %cond3A_83 {
        %add3A_111 = arith.constant 2 : i32
        %add3A_112 = arith.addi %mul3A_52, %add3A_111 : i32
        %mul3A_113 = arith.constant 128 : i32
        %mul3A_114 = arith.muli %add3A_112, %mul3A_113 : i32
        %multiple_of3A_115 = tpu.assume_multiple %mul3A_114, 128 : i32
        %dma_start3A_116 = tpu.memref_slice %arg7[%multiple_of3A_115] : memref<10240xi32, #tpu.memory_space<vmem>> -> memref<128xi32, #tpu.memory_space<vmem>>
        %dma_start3A_117 = arith.constant 0 : i32
        %dma_start3A_118 = arith.constant 0 : i32
        %dma_start3A_119 = tpu.memref_slice %arg4[%dma_start3A_117, %dma_start3A_118] : memref<10112x128xf32, #tpu.memory_space<hbm>> -> memref<10112x128xf32, #tpu.memory_space<hbm>>
        tpu.enqueue_indirect_dma source(%dma_start3A_119 : memref<10112x128xf32, #tpu.memory_space<hbm>>) target(%arg9 : memref<128x128xf32, #tpu.memory_space<vmem>>) offsets(%dma_start3A_116 : memref<128xi32, #tpu.memory_space<vmem>>) semaphore(%arg12 : memref<!tpu.dma_semaphore, #tpu.memory_space<semaphore_mem>>)
        %add3A_120 = arith.constant 2 : i32
        %add3A_121 = arith.addi %mul3A_52, %add3A_120 : i32
        %add3A_122 = arith.addi %add3A, %add3A_121 : i32
        %dma_start3A_123 = arith.constant 0 : i32
        %dma_start3A_124 = arith.constant 0 : i32
        %dma_start3A_125 = arith.constant 0 : i32
        %dma_start3A_126 = tpu.memref_slice %arg8[%dma_start3A_123, %dma_start3A_124, %dma_start3A_125] : memref<2x1x128xi32, #tpu.memory_space<vmem>> -> memref<1x1x128xi32, #tpu.memory_space<vmem>>
        %dma_start3A_127 = arith.constant 0 : i32
        %dma_start3A_128 = arith.constant 0 : i32
        %dma_start3A_129 = tpu.memref_slice %arg3[%add3A_122, %dma_start3A_127, %dma_start3A_128] : memref<2560x1x128xi32, #tpu.memory_space<hbm>> -> memref<1x1x128xi32, #tpu.memory_space<hbm>>
        %dma_start3A_130 = arith.constant 0 : i32
        %dma_start3A_131 = arith.constant 0 : i32
        %dma_start3A_132 = arith.constant 0 : i32
        %dma_start3A_133 = tpu.memref_slice %arg8[%dma_start3A_130, %dma_start3A_131, %dma_start3A_132] : memref<2x1x128xi32, #tpu.memory_space<vmem>> -> memref<1x1x128xi32, #tpu.memory_space<vmem>>
        %dma_start3A_134 = arith.constant 0 : i32
        %dma_start3A_135 = arith.constant 0 : i32
        %dma_start3A_136 = tpu.memref_slice %arg3[%add3A_122, %dma_start3A_134, %dma_start3A_135] : memref<2560x1x128xi32, #tpu.memory_space<hbm>> -> memref<1x1x128xi32, #tpu.memory_space<hbm>>
        tpu.enqueue_dma source(%dma_start3A_136 : memref<1x1x128xi32, #tpu.memory_space<hbm>>) target(%dma_start3A_133 : memref<1x1x128xi32, #tpu.memory_space<vmem>>) target_semaphore(%arg14 : memref<!tpu.dma_semaphore, #tpu.memory_space<semaphore_mem>>)
      } else {
      }
      %dma_wait3A_84 = arith.constant 0 : i32
      %dma_wait3A_85 = arith.constant 0 : i32
      %dma_wait3A_86 = tpu.memref_slice %arg5[%dma_wait3A_84, %dma_wait3A_85] : memref<10112x128xf32, #tpu.memory_space<hbm>> -> memref<128x128xf32, #tpu.memory_space<hbm>>
      %dma_wait3A_87 = arith.constant 0 : i32
      %dma_wait3A_88 = arith.constant 0 : i32
      %dma_wait3A_89 = tpu.memref_slice %arg5[%dma_wait3A_87, %dma_wait3A_88] : memref<10112x128xf32, #tpu.memory_space<hbm>> -> memref<128x128xf32, #tpu.memory_space<hbm>>
      tpu.wait_dma2 semaphore(%arg13 : memref<!tpu.dma_semaphore, #tpu.memory_space<semaphore_mem>>) src(%dma_wait3A_89 : memref<128x128xf32, #tpu.memory_space<hbm>>) dst(%arg10 : memref<128x128xf32, #tpu.memory_space<vmem>>)
      %dma_wait3A_90 = arith.constant 1 : i32
      %dma_wait3A_91 = arith.constant 0 : i32
      %dma_wait3A_92 = arith.constant 0 : i32
      %dma_wait3A_93 = tpu.memref_slice %arg8[%dma_wait3A_90, %dma_wait3A_91, %dma_wait3A_92] : memref<2x1x128xi32, #tpu.memory_space<vmem>> -> memref<1x1x128xi32, #tpu.memory_space<vmem>>
      %dma_wait3A_94 = arith.constant 0 : i32
      %dma_wait3A_95 = arith.constant 0 : i32
      %dma_wait3A_96 = tpu.memref_slice %arg3[%add3A, %dma_wait3A_94, %dma_wait3A_95] : memref<2560x1x128xi32, #tpu.memory_space<hbm>> -> memref<1x1x128xi32, #tpu.memory_space<hbm>>
      %dma_wait3A_97 = arith.constant 1 : i32
      %dma_wait3A_98 = arith.constant 0 : i32
      %dma_wait3A_99 = arith.constant 0 : i32
      %dma_wait3A_100 = tpu.memref_slice %arg8[%dma_wait3A_97, %dma_wait3A_98, %dma_wait3A_99] : memref<2x1x128xi32, #tpu.memory_space<vmem>> -> memref<1x1x128xi32, #tpu.memory_space<vmem>>
      %dma_wait3A_101 = arith.constant 0 : i32
      %dma_wait3A_102 = arith.constant 0 : i32
      %dma_wait3A_103 = tpu.memref_slice %arg3[%add3A, %dma_wait3A_101, %dma_wait3A_102] : memref<2560x1x128xi32, #tpu.memory_space<hbm>> -> memref<1x1x128xi32, #tpu.memory_space<hbm>>
      tpu.wait_dma2 semaphore(%arg15 : memref<!tpu.dma_semaphore, #tpu.memory_space<semaphore_mem>>) src(%dma_wait3A_103 : memref<1x1x128xi32, #tpu.memory_space<hbm>>) dst(%dma_wait3A_100 : memref<1x1x128xi32, #tpu.memory_space<vmem>>)
      %run_scoped3A_104 = arith.constant 1 : i32
      %run_scoped3A_105 = arith.constant 0 : i32
      "tpu.region"() ({
        %run_scoped3A_111 = tpu.sem_alloc : memref<!tpu.dma_semaphore, #tpu.memory_space<semaphore_mem>>
        %dma_start3A_112 = arith.constant 0 : i32
        %dma_start3A_113 = tpu.memref_slice %arg8[%run_scoped3A_104, %run_scoped3A_105, %dma_start3A_112] : memref<2x1x128xi32, #tpu.memory_space<vmem>> -> memref<1x1x128xi32, #tpu.memory_space<vmem>>
        %dma_start3A_114 = tpu.memref_squeeze %dma_start3A_113 : memref<1x1x128xi32, #tpu.memory_space<vmem>> -> memref<128xi32, #tpu.memory_space<vmem>>
        %dma_start3A_115 = arith.constant 0 : i32
        %dma_start3A_116 = arith.constant 0 : i32
        %dma_start3A_117 = tpu.memref_slice %arg11[%dma_start3A_115, %dma_start3A_116] : memref<10112x128xf32, #tpu.memory_space<vmem_shared>> -> memref<10112x128xf32, #tpu.memory_space<vmem_shared>>
        tpu.enqueue_indirect_dma source(%arg10 : memref<128x128xf32, #tpu.memory_space<vmem>>) target(%dma_start3A_117 : memref<10112x128xf32, #tpu.memory_space<vmem_shared>>) offsets(%dma_start3A_114 : memref<128xi32, #tpu.memory_space<vmem>>) semaphore(%run_scoped3A_111 : memref<!tpu.dma_semaphore, #tpu.memory_space<semaphore_mem>>) {add = true}
        %dma_wait3A_118 = arith.constant 0 : i32
        %dma_wait3A_119 = tpu.memref_slice %arg8[%run_scoped3A_104, %run_scoped3A_105, %dma_wait3A_118] : memref<2x1x128xi32, #tpu.memory_space<vmem>> -> memref<1x1x128xi32, #tpu.memory_space<vmem>>
        %dma_wait3A_120 = tpu.memref_squeeze %dma_wait3A_119 : memref<1x1x128xi32, #tpu.memory_space<vmem>> -> memref<128xi32, #tpu.memory_space<vmem>>
        %dma_wait3A_121 = arith.constant 0 : i32
        %dma_wait3A_122 = arith.constant 0 : i32
        %dma_wait3A_123 = tpu.memref_slice %arg11[%dma_wait3A_121, %dma_wait3A_122] : memref<10112x128xf32, #tpu.memory_space<vmem_shared>> -> memref<10112x128xf32, #tpu.memory_space<vmem_shared>>
        tpu.wait_indirect_dma semaphore(%run_scoped3A_111 : memref<!tpu.dma_semaphore, #tpu.memory_space<semaphore_mem>>) src(%arg10 : memref<128x128xf32, #tpu.memory_space<vmem>>) dst(%dma_wait3A_123 : memref<10112x128xf32, #tpu.memory_space<vmem_shared>>)
        tpu.yield
      }) : () -> ()
      %lt3A_106 = arith.constant 39 : i32
      %lt3A_107 = arith.cmpi slt, %scan3A_50, %lt3A_106 : i32
      %convert_element_type3A_108 = arith.extui %lt3A_107 : i1 to i32
      %cond3A_109 = arith.constant 0 : i32
      %cond3A_110 = arith.cmpi ne, %convert_element_type3A_108, %cond3A_109 : i32
      scf.if %cond3A_110 {
        %add3A_111 = arith.constant 3 : i32
        %add3A_112 = arith.addi %mul3A_52, %add3A_111 : i32
        %add3A_113 = arith.addi %add3A, %add3A_112 : i32
        %dma_start3A_114 = arith.constant 1 : i32
        %dma_start3A_115 = arith.constant 0 : i32
        %dma_start3A_116 = arith.constant 0 : i32
        %dma_start3A_117 = tpu.memref_slice %arg8[%dma_start3A_114, %dma_start3A_115, %dma_start3A_116] : memref<2x1x128xi32, #tpu.memory_space<vmem>> -> memref<1x1x128xi32, #tpu.memory_space<vmem>>
        %dma_start3A_118 = arith.constant 0 : i32
        %dma_start3A_119 = arith.constant 0 : i32
        %dma_start3A_120 = tpu.memref_slice %arg3[%add3A_113, %dma_start3A_118, %dma_start3A_119] : memref<2560x1x128xi32, #tpu.memory_space<hbm>> -> memref<1x1x128xi32, #tpu.memory_space<hbm>>
        %dma_start3A_121 = arith.constant 1 : i32
        %dma_start3A_122 = arith.constant 0 : i32
        %dma_start3A_123 = arith.constant 0 : i32
        %dma_start3A_124 = tpu.memref_slice %arg8[%dma_start3A_121, %dma_start3A_122, %dma_start3A_123] : memref<2x1x128xi32, #tpu.memory_space<vmem>> -> memref<1x1x128xi32, #tpu.memory_space<vmem>>
        %dma_start3A_125 = arith.constant 0 : i32
        %dma_start3A_126 = arith.constant 0 : i32
        %dma_start3A_127 = tpu.memref_slice %arg3[%add3A_113, %dma_start3A_125, %dma_start3A_126] : memref<2560x1x128xi32, #tpu.memory_space<hbm>> -> memref<1x1x128xi32, #tpu.memory_space<hbm>>
        tpu.enqueue_dma source(%dma_start3A_127 : memref<1x1x128xi32, #tpu.memory_space<hbm>>) target(%dma_start3A_124 : memref<1x1x128xi32, #tpu.memory_space<vmem>>) target_semaphore(%arg15 : memref<!tpu.dma_semaphore, #tpu.memory_space<semaphore_mem>>)
      } else {
      }
    }
    %scan3A_48 = arith.constant 40 : i32
    %barrier3A_49 = arith.constant 0 : index
    tpu.barrier barrier_id(%barrier3A_49)
    "tpu.region"() ({
      %run_scoped3A = tpu.sem_alloc : memref<!tpu.dma_semaphore, #tpu.memory_space<semaphore_mem>>
      %dma_start3A_50 = arith.constant 0 : i32
      %dma_start3A_51 = tpu.memref_slice %arg6[%arg0, %mul3A_0, %dma_start3A_50] : memref<2x10112x128xf32, #tpu.memory_space<hbm>> -> memref<1x632x128xf32, #tpu.memory_space<hbm>>
      %dma_start3A_52 = tpu.memref_squeeze %dma_start3A_51 : memref<1x632x128xf32, #tpu.memory_space<hbm>> -> memref<632x128xf32, #tpu.memory_space<hbm>>
      %dma_start3A_53 = arith.constant 0 : i32
      %dma_start3A_54 = tpu.memref_slice %arg11[%mul3A_0, %dma_start3A_53] : memref<10112x128xf32, #tpu.memory_space<vmem_shared>> -> memref<632x128xf32, #tpu.memory_space<vmem_shared>>
      tpu.enqueue_dma source(%dma_start3A_54 : memref<632x128xf32, #tpu.memory_space<vmem_shared>>) target(%dma_start3A_52 : memref<632x128xf32, #tpu.memory_space<hbm>>) target_semaphore(%run_scoped3A : memref<!tpu.dma_semaphore, #tpu.memory_space<semaphore_mem>>)
      %dma_wait3A = arith.constant 0 : i32
      %dma_wait3A_55 = tpu.memref_slice %arg6[%arg0, %mul3A_0, %dma_wait3A] : memref<2x10112x128xf32, #tpu.memory_space<hbm>> -> memref<1x632x128xf32, #tpu.memory_space<hbm>>
      %dma_wait3A_56 = tpu.memref_squeeze %dma_wait3A_55 : memref<1x632x128xf32, #tpu.memory_space<hbm>> -> memref<632x128xf32, #tpu.memory_space<hbm>>
      %dma_wait3A_57 = arith.constant 0 : i32
      %dma_wait3A_58 = tpu.memref_slice %arg11[%mul3A_0, %dma_wait3A_57] : memref<10112x128xf32, #tpu.memory_space<vmem_shared>> -> memref<632x128xf32, #tpu.memory_space<vmem_shared>>
      tpu.wait_dma2 semaphore(%run_scoped3A : memref<!tpu.dma_semaphore, #tpu.memory_space<semaphore_mem>>) src(%dma_wait3A_58 : memref<632x128xf32, #tpu.memory_space<vmem_shared>>) dst(%dma_wait3A_56 : memref<632x128xf32, #tpu.memory_space<hbm>>)
      tpu.yield
    }) : () -> ()
    return
  }
}

module attributes {stable_mosaic.version = 14 : i64} {
  func.func @_pre_body(%arg0: i32, %arg1: memref<632x128xf32, #tpu.memory_space<vmem>>, %arg2: memref<128x128xf32, #tpu.memory_space<vmem>>, %arg3: memref<632x1xf32, #tpu.memory_space<vmem>>, %arg4: memref<1x128xf32, #tpu.memory_space<vmem>>, %arg5: memref<1x128xf32, #tpu.memory_space<vmem>>, %arg6: memref<1x128xf32, #tpu.memory_space<vmem>>, %arg7: memref<1x128xf32, #tpu.memory_space<vmem>>, %arg8: memref<632x128xf32, #tpu.memory_space<vmem>>) attributes {dimension_semantics = [#tpu.dimension_semantics<arbitrary>], iteration_bounds = array<i64: 16>, scalar_prefetch = 0 : i64, scratch_operands = 0 : i64, tpu.core_type = #tpu.core_type<tc>, window_params = [{transform_indices = @transform_0, window_bounds = array<i64: 632, 128>}, {pipeline_mode = #tpu.pipeline_mode<synchronous>, transform_indices = @transform_1, window_bounds = array<i64: 128, 128>}, {transform_indices = @transform_2, window_bounds = array<i64: 632, 1>}, {pipeline_mode = #tpu.pipeline_mode<synchronous>, transform_indices = @transform_3, window_bounds = array<i64: 1, 128>}, {pipeline_mode = #tpu.pipeline_mode<synchronous>, transform_indices = @transform_4, window_bounds = array<i64: 1, 128>}, {pipeline_mode = #tpu.pipeline_mode<synchronous>, transform_indices = @transform_5, window_bounds = array<i64: 1, 128>}, {pipeline_mode = #tpu.pipeline_mode<synchronous>, transform_indices = @transform_6, window_bounds = array<i64: 1, 128>}, {transform_indices = @transform_7, window_bounds = array<i64: 632, 128>}]} {
    %get3A = arith.constant 0 : index
    %get3A_0 = arith.constant 0 : index
    %get3A_1 = vector.load %arg4[%get3A, %get3A_0] : memref<1x128xf32, #tpu.memory_space<vmem>>, vector<1x128xf32>
    %mul3A = arith.constant 9.99999974E-5 : f32
    %mul3A_2 = vector.broadcast %mul3A : f32 to vector<1x128xf32>
    %mul3A_3 = arith.mulf %get3A_1, %mul3A_2 : vector<1x128xf32>
    %get3A_4 = arith.constant 0 : index
    %get3A_5 = arith.constant 0 : index
    %get3A_6 = vector.load %arg5[%get3A_4, %get3A_5] : memref<1x128xf32, #tpu.memory_space<vmem>>, vector<1x128xf32>
    %mul3A_7 = arith.constant 9.99999974E-5 : f32
    %mul3A_8 = vector.broadcast %mul3A_7 : f32 to vector<1x128xf32>
    %mul3A_9 = arith.mulf %get3A_6, %mul3A_8 : vector<1x128xf32>
    %mul3A_10 = arith.mulf %mul3A_3, %mul3A_3 : vector<1x128xf32>
    %sub3A = arith.subf %mul3A_9, %mul3A_10 : vector<1x128xf32>
    %add3A = arith.constant 9.99999974E-6 : f32
    %add3A_11 = vector.broadcast %add3A : f32 to vector<1x128xf32>
    %add3A_12 = arith.addf %sub3A, %add3A_11 : vector<1x128xf32>
    %rsqrt3A = math.rsqrt %add3A_12 : vector<1x128xf32>
    %get3A_13 = arith.constant 0 : index
    %get3A_14 = arith.constant 0 : index
    %get3A_15 = vector.load %arg6[%get3A_13, %get3A_14] : memref<1x128xf32, #tpu.memory_space<vmem>>, vector<1x128xf32>
    %mul3A_16 = arith.mulf %rsqrt3A, %get3A_15 : vector<1x128xf32>
    %get3A_17 = arith.constant 0 : index
    %get3A_18 = arith.constant 0 : index
    %get3A_19 = vector.load %arg7[%get3A_17, %get3A_18] : memref<1x128xf32, #tpu.memory_space<vmem>>, vector<1x128xf32>
    %mul3A_20 = arith.mulf %mul3A_3, %mul3A_16 : vector<1x128xf32>
    %sub3A_21 = arith.subf %get3A_19, %mul3A_20 : vector<1x128xf32>
    %get3A_22 = arith.constant 0 : index
    %get3A_23 = arith.constant 0 : index
    %get3A_24 = vector.load %arg1[%get3A_22, %get3A_23] : memref<632x128xf32, #tpu.memory_space<vmem>>, vector<632x128xf32>
    %mul3A_25 = vector.broadcast %mul3A_16 : vector<1x128xf32> to vector<632x128xf32>
    %mul3A_26 = arith.mulf %get3A_24, %mul3A_25 : vector<632x128xf32>
    %add3A_27 = vector.broadcast %sub3A_21 : vector<1x128xf32> to vector<632x128xf32>
    %add3A_28 = arith.addf %mul3A_26, %add3A_27 : vector<632x128xf32>
    %get3A_29 = arith.constant 0 : index
    %get3A_30 = arith.constant 0 : index
    %get3A_31 = vector.load %arg3[%get3A_29, %get3A_30] : memref<632x1xf32, #tpu.memory_space<vmem>>, vector<632x1xf32>
    %get3A_32 = arith.constant 0 : index
    %get3A_33 = arith.constant 0 : index
    %get3A_34 = vector.load %arg2[%get3A_32, %get3A_33] : memref<128x128xf32, #tpu.memory_space<vmem>>, vector<128x128xf32>
    %dot_general3A = arith.constant dense<0.000000e+00> : vector<632x128xf32>
    %dot_general3A_35 = tpu.matmul %add3A_28, %get3A_34, %dot_general3A {dimension_numbers = #tpu.dot_dimension_numbers<[1], [0], [0], [1], [0, 0, 1, 1], [], []>, transpose_lhs_hint = false} : vector<632x128xf32>, vector<128x128xf32>, vector<632x128xf32> -> vector<632x128xf32>
    %mul3A_36 = vector.broadcast %get3A_31 : vector<632x1xf32> to vector<632x128xf32>
    %mul3A_37 = arith.mulf %mul3A_36, %dot_general3A_35 : vector<632x128xf32>
    %mul3A_38 = arith.constant 632 : i32
    %mul3A_39 = arith.muli %arg0, %mul3A_38 : i32
    %iota3A = tpu.iota {dimensions = array<i32: 0>} : vector<632x1xi32>
    %add3A_40 = vector.broadcast %mul3A_39 : i32 to vector<632x1xi32>
    %add3A_41 = arith.addi %add3A_40, %iota3A : vector<632x1xi32>
    %lt3A = arith.constant 10000 : i32
    %lt3A_42 = vector.broadcast %lt3A : i32 to vector<632x1xi32>
    %lt3A_43 = arith.cmpi slt, %add3A_41, %lt3A_42 : vector<632x1xi32>
    %jit3A = arith.constant 0.000000e+00 : f32
    %broadcast_in_dim3A = vector.shape_cast %lt3A_43 : vector<632x1xi1> to vector<632x1xi1>
    %broadcast_in_dim3A_44 = vector.broadcast %broadcast_in_dim3A : vector<632x1xi1> to vector<632x128xi1>
    %broadcast_in_dim3A_45 = vector.broadcast %jit3A : f32 to vector<632x128xf32>
    %select_n3A = arith.select %broadcast_in_dim3A_44, %mul3A_37, %broadcast_in_dim3A_45 : vector<632x128xi1>, vector<632x128xf32>
    %swap3A = arith.constant 0 : index
    %swap3A_46 = arith.constant 0 : index
    %swap3A_47 = vector.load %arg8[%swap3A, %swap3A_46] : memref<632x128xf32, #tpu.memory_space<vmem>>, vector<632x128xf32>
    tpu.vector_store %arg8[%swap3A, %swap3A_46], %select_n3A {strides = array<i32>} : memref<632x128xf32, #tpu.memory_space<vmem>>, vector<632x128xf32>,
    return
  }
  func.func @transform_0(%arg0: i32) -> (i32, i32) {
    %c0_i32 = arith.constant 0 : i32
    %c0_i32_0 = arith.constant 0 : i32
    return %arg0, %c0_i32 : i32, i32
  }
  func.func @transform_1(%arg0: i32) -> (i32, i32) {
    %c0_i32 = arith.constant 0 : i32
    %c0_i32_0 = arith.constant 0 : i32
    %c0_i32_1 = arith.constant 0 : i32
    return %c0_i32, %c0_i32_0 : i32, i32
  }
  func.func @transform_2(%arg0: i32) -> (i32, i32) {
    %c0_i32 = arith.constant 0 : i32
    %c0_i32_0 = arith.constant 0 : i32
    return %arg0, %c0_i32 : i32, i32
  }
  func.func @transform_3(%arg0: i32) -> (i32, i32) {
    %c0_i32 = arith.constant 0 : i32
    %c0_i32_0 = arith.constant 0 : i32
    %c0_i32_1 = arith.constant 0 : i32
    return %c0_i32, %c0_i32_0 : i32, i32
  }
  func.func @transform_4(%arg0: i32) -> (i32, i32) {
    %c0_i32 = arith.constant 0 : i32
    %c0_i32_0 = arith.constant 0 : i32
    %c0_i32_1 = arith.constant 0 : i32
    return %c0_i32, %c0_i32_0 : i32, i32
  }
  func.func @transform_5(%arg0: i32) -> (i32, i32) {
    %c0_i32 = arith.constant 0 : i32
    %c0_i32_0 = arith.constant 0 : i32
    %c0_i32_1 = arith.constant 0 : i32
    return %c0_i32, %c0_i32_0 : i32, i32
  }
  func.func @transform_6(%arg0: i32) -> (i32, i32) {
    %c0_i32 = arith.constant 0 : i32
    %c0_i32_0 = arith.constant 0 : i32
    %c0_i32_1 = arith.constant 0 : i32
    return %c0_i32, %c0_i32_0 : i32, i32
  }
  func.func @transform_7(%arg0: i32) -> (i32, i32) {
    %c0_i32 = arith.constant 0 : i32
    %c0_i32_0 = arith.constant 0 : i32
    return %arg0, %c0_i32 : i32, i32
  }
}

module attributes {stable_mosaic.version = 14 : i64} {
  func.func @_dinv_body(%arg0: i32, %arg1: memref<632x128xf32, #tpu.memory_space<vmem>>, %arg2: memref<632x128xf32, #tpu.memory_space<vmem>>, %arg3: memref<632x1xf32, #tpu.memory_space<vmem>>) attributes {dimension_semantics = [#tpu.dimension_semantics<arbitrary>], iteration_bounds = array<i64: 16>, scalar_prefetch = 0 : i64, scratch_operands = 0 : i64, tpu.core_type = #tpu.core_type<tc>, window_params = [{transform_indices = @transform_0, window_bounds = array<i64: 632, 128>}, {transform_indices = @transform_1, window_bounds = array<i64: 632, 128>}, {transform_indices = @transform_2, window_bounds = array<i64: 632, 1>}]} {
    %mul3A = arith.constant 632 : i32
    %mul3A_0 = arith.muli %arg0, %mul3A : i32
    %iota3A = tpu.iota {dimensions = array<i32: 0>} : vector<632x1xi32>
    %add3A = vector.broadcast %mul3A_0 : i32 to vector<632x1xi32>
    %add3A_1 = arith.addi %add3A, %iota3A : vector<632x1xi32>
    %get3A = arith.constant 0 : index
    %get3A_2 = arith.constant 0 : index
    %get3A_3 = vector.load %arg1[%get3A, %get3A_2] : memref<632x128xf32, #tpu.memory_space<vmem>>, vector<632x1xf32>
    %get3A_4 = arith.constant 0 : index
    %get3A_5 = arith.constant 0 : index
    %get3A_6 = vector.load %arg2[%get3A_4, %get3A_5] : memref<632x128xf32, #tpu.memory_space<vmem>>, vector<632x1xf32>
    %add3A_7 = arith.addf %get3A_3, %get3A_6 : vector<632x1xf32>
    %add3A_8 = arith.constant 1.000000e+00 : f32
    %add3A_9 = vector.broadcast %add3A_8 : f32 to vector<632x1xf32>
    %add3A_10 = arith.addf %add3A_7, %add3A_9 : vector<632x1xf32>
    %lt3A = arith.constant 7680 : i32
    %lt3A_11 = vector.broadcast %lt3A : i32 to vector<632x1xi32>
    %lt3A_12 = arith.cmpi slt, %add3A_1, %lt3A_11 : vector<632x1xi32>
    %convert_element_type3A = arith.extui %lt3A_12 : vector<632x1xi1> to vector<632x1xi32>
    %convert_element_type3A_13 = arith.sitofp %convert_element_type3A : vector<632x1xi32> to vector<632x1xf32>
    %sub3A = arith.subf %add3A_10, %convert_element_type3A_13 : vector<632x1xf32>
    %rsqrt3A = math.rsqrt %sub3A : vector<632x1xf32>
    %swap3A = arith.constant 0 : index
    %swap3A_14 = arith.constant 0 : index
    %swap3A_15 = vector.load %arg3[%swap3A, %swap3A_14] : memref<632x1xf32, #tpu.memory_space<vmem>>, vector<632x1xf32>
    tpu.vector_store %arg3[%swap3A, %swap3A_14], %rsqrt3A {strides = array<i32>} : memref<632x1xf32, #tpu.memory_space<vmem>>, vector<632x1xf32>,
    return
  }
  func.func @transform_0(%arg0: i32) -> (i32, i32) {
    %c0_i32 = arith.constant 0 : i32
    %c0_i32_0 = arith.constant 0 : i32
    return %arg0, %c0_i32 : i32, i32
  }
  func.func @transform_1(%arg0: i32) -> (i32, i32) {
    %c0_i32 = arith.constant 0 : i32
    %c0_i32_0 = arith.constant 0 : i32
    return %arg0, %c0_i32 : i32, i32
  }
  func.func @transform_2(%arg0: i32) -> (i32, i32) {
    %c0_i32 = arith.constant 0 : i32
    %c0_i32_0 = arith.constant 0 : i32
    return %arg0, %c0_i32 : i32, i32
  }
}

module attributes {stable_mosaic.version = 14 : i64} {
  func.func @_mid_body(%arg0: i32, %arg1: i32, %arg2: memref<632x128xf32, #tpu.memory_space<vmem>>, %arg3: memref<632x128xf32, #tpu.memory_space<vmem>>, %arg4: memref<632x128xf32, #tpu.memory_space<vmem>>, %arg5: memref<632x1xf32, #tpu.memory_space<vmem>>, %arg6: memref<1x128xf32, #tpu.memory_space<vmem>>, %arg7: memref<128x128xf32, #tpu.memory_space<vmem>>, %arg8: memref<1x128xf32, #tpu.memory_space<vmem>>, %arg9: memref<1x128xf32, #tpu.memory_space<vmem>>, %arg10: memref<632x128xf32, #tpu.memory_space<vmem>>, %arg11: memref<10112x128xf32, #tpu.memory_space<vmem>>, %arg12: memref<1x128xf32, #tpu.memory_space<vmem>>, %arg13: memref<1x128xf32, #tpu.memory_space<vmem>>) attributes {dimension_semantics = [#tpu.dimension_semantics<arbitrary>, #tpu.dimension_semantics<arbitrary>], iteration_bounds = array<i64: 2, 16>, scalar_prefetch = 0 : i64, scratch_operands = 3 : i64, tpu.core_type = #tpu.core_type<tc>, window_params = [{transform_indices = @transform_0, window_bounds = array<i64: 632, 128>}, {transform_indices = @transform_1, window_bounds = array<i64: 632, 128>}, {transform_indices = @transform_2, window_bounds = array<i64: 632, 128>}, {transform_indices = @transform_3, window_bounds = array<i64: 632, 1>}, {pipeline_mode = #tpu.pipeline_mode<synchronous>, transform_indices = @transform_4, window_bounds = array<i64: 1, 128>}, {pipeline_mode = #tpu.pipeline_mode<synchronous>, transform_indices = @transform_5, window_bounds = array<i64: 128, 128>}, {pipeline_mode = #tpu.pipeline_mode<synchronous>, transform_indices = @transform_6, window_bounds = array<i64: 1, 128>}, {pipeline_mode = #tpu.pipeline_mode<synchronous>, transform_indices = @transform_7, window_bounds = array<i64: 1, 128>}, {transform_indices = @transform_8, window_bounds = array<i64: 632, 128>}]} {
    %mul3A = arith.constant 632 : i32
    %mul3A_0 = arith.muli %arg1, %mul3A : i32
    %iota3A = tpu.iota {dimensions = array<i32: 0>} : vector<632x1xi32>
    %add3A = vector.broadcast %mul3A_0 : i32 to vector<632x1xi32>
    %add3A_1 = arith.addi %add3A, %iota3A : vector<632x1xi32>
    %eq3A = arith.constant 0 : i32
    %eq3A_2 = arith.cmpi eq, %arg0, %eq3A : i32
    %convert_element_type3A = arith.extui %eq3A_2 : i1 to i32
    %cond3A = arith.constant 0 : i32
    %cond3A_3 = arith.cmpi ne, %convert_element_type3A, %cond3A : i32
    scf.if %cond3A_3 {
      %get3A = arith.constant 0 : index
      %get3A_9 = arith.constant 0 : index
      %get3A_10 = vector.load %arg5[%get3A, %get3A_9] : memref<632x1xf32, #tpu.memory_space<vmem>>, vector<632x1xf32>
      %get3A_11 = arith.constant 0 : index
      %get3A_12 = arith.constant 0 : index
      %get3A_13 = vector.load %arg2[%get3A_11, %get3A_12] : memref<632x128xf32, #tpu.memory_space<vmem>>, vector<632x128xf32>
      %get3A_14 = arith.constant 0 : index
      %get3A_15 = arith.constant 0 : index
      %get3A_16 = vector.load %arg3[%get3A_14, %get3A_15] : memref<632x128xf32, #tpu.memory_space<vmem>>, vector<632x128xf32>
      %add3A_17 = arith.addf %get3A_13, %get3A_16 : vector<632x128xf32>
      %get3A_18 = arith.constant 0 : index
      %get3A_19 = arith.constant 0 : index
      %get3A_20 = vector.load %arg4[%get3A_18, %get3A_19] : memref<632x128xf32, #tpu.memory_space<vmem>>, vector<632x128xf32>
      %add3A_21 = arith.addf %add3A_17, %get3A_20 : vector<632x128xf32>
      %mul3A_22 = vector.broadcast %get3A_10 : vector<632x1xf32> to vector<632x128xf32>
      %mul3A_23 = arith.mulf %mul3A_22, %add3A_21 : vector<632x128xf32>
      %get3A_24 = arith.constant 0 : index
      %get3A_25 = arith.constant 0 : index
      %get3A_26 = vector.load %arg6[%get3A_24, %get3A_25] : memref<1x128xf32, #tpu.memory_space<vmem>>, vector<1x128xf32>
      %add3A_27 = vector.broadcast %get3A_26 : vector<1x128xf32> to vector<632x128xf32>
      %add3A_28 = arith.addf %mul3A_23, %add3A_27 : vector<632x128xf32>
      %max3A = arith.constant 0.000000e+00 : f32
      %max3A_29 = vector.broadcast %max3A : f32 to vector<632x128xf32>
      %max3A_30 = arith.maximumf %add3A_28, %max3A_29 : vector<632x128xf32>
      %lt3A = arith.constant 10000 : i32
      %lt3A_31 = vector.broadcast %lt3A : i32 to vector<632x1xi32>
      %lt3A_32 = arith.cmpi slt, %add3A_1, %lt3A_31 : vector<632x1xi32>
      %jit3A = arith.constant 0.000000e+00 : f32
      %broadcast_in_dim3A = vector.shape_cast %lt3A_32 : vector<632x1xi1> to vector<632x1xi1>
      %broadcast_in_dim3A_33 = vector.broadcast %broadcast_in_dim3A : vector<632x1xi1> to vector<632x128xi1>
      %broadcast_in_dim3A_34 = vector.broadcast %jit3A : f32 to vector<632x128xf32>
      %select_n3A = arith.select %broadcast_in_dim3A_33, %max3A_30, %broadcast_in_dim3A_34 : vector<632x128xi1>, vector<632x128xf32>
      %mul3A_35 = arith.constant 632 : i32
      %mul3A_36 = arith.muli %arg1, %mul3A_35 : i32
      %swap3A = arith.index_cast %mul3A_36 : i32 to index
      %swap3A_37 = arith.constant 0 : index
      %swap3A_38 = vector.load %arg11[%swap3A, %swap3A_37] : memref<10112x128xf32, #tpu.memory_space<vmem>>, vector<632x128xf32>
      tpu.vector_store %arg11[%swap3A, %swap3A_37], %select_n3A {strides = array<i32>} : memref<10112x128xf32, #tpu.memory_space<vmem>>, vector<632x128xf32>,
      %eq3A_39 = arith.constant 0 : i32
      %eq3A_40 = arith.cmpi eq, %arg1, %eq3A_39 : i32
      %convert_element_type3A_41 = arith.extui %eq3A_40 : i1 to i32
      %cond3A_42 = arith.constant 0 : i32
      %cond3A_43 = arith.cmpi ne, %convert_element_type3A_41, %cond3A_42 : i32
      scf.if %cond3A_43 {
        %broadcast_in_dim3A_64 = arith.constant 0.000000e+00 : f32
        %broadcast_in_dim3A_65 = vector.broadcast %broadcast_in_dim3A_64 : f32 to vector<1x128xf32>
        %swap3A_66 = arith.constant 0 : index
        %swap3A_67 = arith.constant 0 : index
        %swap3A_68 = vector.load %arg12[%swap3A_66, %swap3A_67] : memref<1x128xf32, #tpu.memory_space<vmem>>, vector<1x128xf32>
        tpu.vector_store %arg12[%swap3A_66, %swap3A_67], %broadcast_in_dim3A_65 {strides = array<i32>} : memref<1x128xf32, #tpu.memory_space<vmem>>, vector<1x128xf32>,
        %broadcast_in_dim3A_69 = arith.constant 0.000000e+00 : f32
        %broadcast_in_dim3A_70 = vector.broadcast %broadcast_in_dim3A_69 : f32 to vector<1x128xf32>
        %swap3A_71 = arith.constant 0 : index
        %swap3A_72 = arith.constant 0 : index
        %swap3A_73 = vector.load %arg13[%swap3A_71, %swap3A_72] : memref<1x128xf32, #tpu.memory_space<vmem>>, vector<1x128xf32>
        tpu.vector_store %arg13[%swap3A_71, %swap3A_72], %broadcast_in_dim3A_70 {strides = array<i32>} : memref<1x128xf32, #tpu.memory_space<vmem>>, vector<1x128xf32>,
      } else {
      }
      %get3A_44 = arith.constant 0 : index
      %get3A_45 = arith.constant 0 : index
      %get3A_46 = vector.load %arg12[%get3A_44, %get3A_45] : memref<1x128xf32, #tpu.memory_space<vmem>>, vector<1x128xf32>
      %reduce_sum3A = arith.constant dense<0.000000e+00> : vector<128xf32>
      %reduce_sum3A_47 = vector.multi_reduction <add>, %select_n3A, %reduce_sum3A [0] : vector<632x128xf32> to vector<128xf32>
      %broadcast_in_dim3A_48 = vector.shape_cast %reduce_sum3A_47 : vector<128xf32> to vector<1x128xf32>
      %add3A_49 = arith.addf %get3A_46, %broadcast_in_dim3A_48 : vector<1x128xf32>
      %swap3A_50 = arith.constant 0 : index
      %swap3A_51 = arith.constant 0 : index
      %swap3A_52 = vector.load %arg12[%swap3A_50, %swap3A_51] : memref<1x128xf32, #tpu.memory_space<vmem>>, vector<1x128xf32>
      tpu.vector_store %arg12[%swap3A_50, %swap3A_51], %add3A_49 {strides = array<i32>} : memref<1x128xf32, #tpu.memory_space<vmem>>, vector<1x128xf32>,
      %get3A_53 = arith.constant 0 : index
      %get3A_54 = arith.constant 0 : index
      %get3A_55 = vector.load %arg13[%get3A_53, %get3A_54] : memref<1x128xf32, #tpu.memory_space<vmem>>, vector<1x128xf32>
      %mul3A_56 = arith.mulf %select_n3A, %select_n3A : vector<632x128xf32>
      %reduce_sum3A_57 = arith.constant dense<0.000000e+00> : vector<128xf32>
      %reduce_sum3A_58 = vector.multi_reduction <add>, %mul3A_56, %reduce_sum3A_57 [0] : vector<632x128xf32> to vector<128xf32>
      %broadcast_in_dim3A_59 = vector.shape_cast %reduce_sum3A_58 : vector<128xf32> to vector<1x128xf32>
      %add3A_60 = arith.addf %get3A_55, %broadcast_in_dim3A_59 : vector<1x128xf32>
      %swap3A_61 = arith.constant 0 : index
      %swap3A_62 = arith.constant 0 : index
      %swap3A_63 = vector.load %arg13[%swap3A_61, %swap3A_62] : memref<1x128xf32, #tpu.memory_space<vmem>>, vector<1x128xf32>
      tpu.vector_store %arg13[%swap3A_61, %swap3A_62], %add3A_60 {strides = array<i32>} : memref<1x128xf32, #tpu.memory_space<vmem>>, vector<1x128xf32>,
    } else {
    }
    %eq3A_4 = arith.constant 1 : i32
    %eq3A_5 = arith.cmpi eq, %arg0, %eq3A_4 : i32
    %convert_element_type3A_6 = arith.extui %eq3A_5 : i1 to i32
    %cond3A_7 = arith.constant 0 : i32
    %cond3A_8 = arith.cmpi ne, %convert_element_type3A_6, %cond3A_7 : i32
    scf.if %cond3A_8 {
      %get3A = arith.constant 0 : index
      %get3A_9 = arith.constant 0 : index
      %get3A_10 = vector.load %arg12[%get3A, %get3A_9] : memref<1x128xf32, #tpu.memory_space<vmem>>, vector<1x128xf32>
      %mul3A_11 = arith.constant 9.99999974E-5 : f32
      %mul3A_12 = vector.broadcast %mul3A_11 : f32 to vector<1x128xf32>
      %mul3A_13 = arith.mulf %get3A_10, %mul3A_12 : vector<1x128xf32>
      %get3A_14 = arith.constant 0 : index
      %get3A_15 = arith.constant 0 : index
      %get3A_16 = vector.load %arg13[%get3A_14, %get3A_15] : memref<1x128xf32, #tpu.memory_space<vmem>>, vector<1x128xf32>
      %mul3A_17 = arith.constant 9.99999974E-5 : f32
      %mul3A_18 = vector.broadcast %mul3A_17 : f32 to vector<1x128xf32>
      %mul3A_19 = arith.mulf %get3A_16, %mul3A_18 : vector<1x128xf32>
      %mul3A_20 = arith.mulf %mul3A_13, %mul3A_13 : vector<1x128xf32>
      %sub3A = arith.subf %mul3A_19, %mul3A_20 : vector<1x128xf32>
      %add3A_21 = arith.constant 9.99999974E-6 : f32
      %add3A_22 = vector.broadcast %add3A_21 : f32 to vector<1x128xf32>
      %add3A_23 = arith.addf %sub3A, %add3A_22 : vector<1x128xf32>
      %rsqrt3A = math.rsqrt %add3A_23 : vector<1x128xf32>
      %get3A_24 = arith.constant 0 : index
      %get3A_25 = arith.constant 0 : index
      %get3A_26 = vector.load %arg8[%get3A_24, %get3A_25] : memref<1x128xf32, #tpu.memory_space<vmem>>, vector<1x128xf32>
      %mul3A_27 = arith.mulf %rsqrt3A, %get3A_26 : vector<1x128xf32>
      %get3A_28 = arith.constant 0 : index
      %get3A_29 = arith.constant 0 : index
      %get3A_30 = vector.load %arg9[%get3A_28, %get3A_29] : memref<1x128xf32, #tpu.memory_space<vmem>>, vector<1x128xf32>
      %mul3A_31 = arith.mulf %mul3A_13, %mul3A_27 : vector<1x128xf32>
      %sub3A_32 = arith.subf %get3A_30, %mul3A_31 : vector<1x128xf32>
      %mul3A_33 = arith.constant 632 : i32
      %mul3A_34 = arith.muli %arg1, %mul3A_33 : i32
      %get3A_35 = arith.index_cast %mul3A_34 : i32 to index
      %get3A_36 = arith.constant 0 : index
      %get3A_37 = vector.load %arg11[%get3A_35, %get3A_36] : memref<10112x128xf32, #tpu.memory_space<vmem>>, vector<632x128xf32>
      %mul3A_38 = vector.broadcast %mul3A_27 : vector<1x128xf32> to vector<632x128xf32>
      %mul3A_39 = arith.mulf %get3A_37, %mul3A_38 : vector<632x128xf32>
      %add3A_40 = vector.broadcast %sub3A_32 : vector<1x128xf32> to vector<632x128xf32>
      %add3A_41 = arith.addf %mul3A_39, %add3A_40 : vector<632x128xf32>
      %get3A_42 = arith.constant 0 : index
      %get3A_43 = arith.constant 0 : index
      %get3A_44 = vector.load %arg5[%get3A_42, %get3A_43] : memref<632x1xf32, #tpu.memory_space<vmem>>, vector<632x1xf32>
      %get3A_45 = arith.constant 0 : index
      %get3A_46 = arith.constant 0 : index
      %get3A_47 = vector.load %arg7[%get3A_45, %get3A_46] : memref<128x128xf32, #tpu.memory_space<vmem>>, vector<128x128xf32>
      %dot_general3A = arith.constant dense<0.000000e+00> : vector<632x128xf32>
      %dot_general3A_48 = tpu.matmul %add3A_41, %get3A_47, %dot_general3A {dimension_numbers = #tpu.dot_dimension_numbers<[1], [0], [0], [1], [0, 0, 1, 1], [], []>, transpose_lhs_hint = false} : vector<632x128xf32>, vector<128x128xf32>, vector<632x128xf32> -> vector<632x128xf32>
      %mul3A_49 = vector.broadcast %get3A_44 : vector<632x1xf32> to vector<632x128xf32>
      %mul3A_50 = arith.mulf %mul3A_49, %dot_general3A_48 : vector<632x128xf32>
      %lt3A = arith.constant 10000 : i32
      %lt3A_51 = vector.broadcast %lt3A : i32 to vector<632x1xi32>
      %lt3A_52 = arith.cmpi slt, %add3A_1, %lt3A_51 : vector<632x1xi32>
      %jit3A = arith.constant 0.000000e+00 : f32
      %broadcast_in_dim3A = vector.shape_cast %lt3A_52 : vector<632x1xi1> to vector<632x1xi1>
      %broadcast_in_dim3A_53 = vector.broadcast %broadcast_in_dim3A : vector<632x1xi1> to vector<632x128xi1>
      %broadcast_in_dim3A_54 = vector.broadcast %jit3A : f32 to vector<632x128xf32>
      %select_n3A = arith.select %broadcast_in_dim3A_53, %mul3A_50, %broadcast_in_dim3A_54 : vector<632x128xi1>, vector<632x128xf32>
      %swap3A = arith.constant 0 : index
      %swap3A_55 = arith.constant 0 : index
      %swap3A_56 = vector.load %arg10[%swap3A, %swap3A_55] : memref<632x128xf32, #tpu.memory_space<vmem>>, vector<632x128xf32>
      tpu.vector_store %arg10[%swap3A, %swap3A_55], %select_n3A {strides = array<i32>} : memref<632x128xf32, #tpu.memory_space<vmem>>, vector<632x128xf32>,
    } else {
    }
    return
  }
  func.func @transform_0(%arg0: i32, %arg1: i32) -> (i32, i32) {
    %c0_i32 = arith.constant 0 : i32
    %c0_i32_0 = arith.constant 0 : i32
    return %arg1, %c0_i32 : i32, i32
  }
  func.func @transform_1(%arg0: i32, %arg1: i32) -> (i32, i32) {
    %c0_i32 = arith.constant 0 : i32
    %c0_i32_0 = arith.constant 0 : i32
    return %arg1, %c0_i32 : i32, i32
  }
  func.func @transform_2(%arg0: i32, %arg1: i32) -> (i32, i32) {
    %c0_i32 = arith.constant 0 : i32
    %c0_i32_0 = arith.constant 0 : i32
    return %arg1, %c0_i32 : i32, i32
  }
  func.func @transform_3(%arg0: i32, %arg1: i32) -> (i32, i32) {
    %c0_i32 = arith.constant 0 : i32
    %c0_i32_0 = arith.constant 0 : i32
    return %arg1, %c0_i32 : i32, i32
  }
  func.func @transform_4(%arg0: i32, %arg1: i32) -> (i32, i32) {
    %c0_i32 = arith.constant 0 : i32
    %c0_i32_0 = arith.constant 0 : i32
    %c0_i32_1 = arith.constant 0 : i32
    return %c0_i32, %c0_i32_0 : i32, i32
  }
  func.func @transform_5(%arg0: i32, %arg1: i32) -> (i32, i32) {
    %c0_i32 = arith.constant 0 : i32
    %c0_i32_0 = arith.constant 0 : i32
    %c0_i32_1 = arith.constant 0 : i32
    return %c0_i32, %c0_i32_0 : i32, i32
  }
  func.func @transform_6(%arg0: i32, %arg1: i32) -> (i32, i32) {
    %c0_i32 = arith.constant 0 : i32
    %c0_i32_0 = arith.constant 0 : i32
    %c0_i32_1 = arith.constant 0 : i32
    return %c0_i32, %c0_i32_0 : i32, i32
  }
  func.func @transform_7(%arg0: i32, %arg1: i32) -> (i32, i32) {
    %c0_i32 = arith.constant 0 : i32
    %c0_i32_0 = arith.constant 0 : i32
    %c0_i32_1 = arith.constant 0 : i32
    return %c0_i32, %c0_i32_0 : i32, i32
  }
  func.func @transform_8(%arg0: i32, %arg1: i32) -> (i32, i32) {
    %c0_i32 = arith.constant 0 : i32
    %c0_i32_0 = arith.constant 0 : i32
    return %arg1, %c0_i32 : i32, i32
  }
}

module attributes {stable_mosaic.version = 14 : i64} {
  func.func @_pool_body(%arg0: i32, %arg1: memref<1000x128xf32, #tpu.memory_space<vmem>>, %arg2: memref<1000x128xf32, #tpu.memory_space<vmem>>, %arg3: memref<1000x128xf32, #tpu.memory_space<vmem>>, %arg4: memref<1000x1xf32, #tpu.memory_space<vmem>>, %arg5: memref<1x128xf32, #tpu.memory_space<vmem>>, %arg6: memref<1000x1xi32, #tpu.memory_space<vmem>>, %arg7: memref<128x10xf32, #tpu.memory_space<vmem>>, %arg8: memref<1x10xf32, #tpu.memory_space<vmem>>, %arg9: memref<64x10xf32, #tpu.memory_space<vmem>>, %arg10: memref<64x128xf32, #tpu.memory_space<vmem>>, %arg11: memref<64x128xf32, #tpu.memory_space<vmem>>) attributes {dimension_semantics = [#tpu.dimension_semantics<arbitrary>], iteration_bounds = array<i64: 10>, scalar_prefetch = 0 : i64, scratch_operands = 2 : i64, tpu.core_type = #tpu.core_type<tc>, window_params = [{transform_indices = @transform_0, window_bounds = array<i64: 1000, 128>}, {transform_indices = @transform_1, window_bounds = array<i64: 1000, 128>}, {transform_indices = @transform_2, window_bounds = array<i64: 1000, 128>}, {transform_indices = @transform_3, window_bounds = array<i64: 1000, 1>}, {pipeline_mode = #tpu.pipeline_mode<synchronous>, transform_indices = @transform_4, window_bounds = array<i64: 1, 128>}, {transform_indices = @transform_5, window_bounds = array<i64: 1000, 1>}, {pipeline_mode = #tpu.pipeline_mode<synchronous>, transform_indices = @transform_6, window_bounds = array<i64: 128, 10>}, {pipeline_mode = #tpu.pipeline_mode<synchronous>, transform_indices = @transform_7, window_bounds = array<i64: 1, 10>}, {pipeline_mode = #tpu.pipeline_mode<synchronous>, transform_indices = @transform_8, window_bounds = array<i64: 64, 10>}]} {
    %get3A = arith.constant 0 : index
    %get3A_0 = arith.constant 0 : index
    %get3A_1 = vector.load %arg4[%get3A, %get3A_0] : memref<1000x1xf32, #tpu.memory_space<vmem>>, vector<1000x1xf32>
    %get3A_2 = arith.constant 0 : index
    %get3A_3 = arith.constant 0 : index
    %get3A_4 = vector.load %arg1[%get3A_2, %get3A_3] : memref<1000x128xf32, #tpu.memory_space<vmem>>, vector<1000x128xf32>
    %get3A_5 = arith.constant 0 : index
    %get3A_6 = arith.constant 0 : index
    %get3A_7 = vector.load %arg2[%get3A_5, %get3A_6] : memref<1000x128xf32, #tpu.memory_space<vmem>>, vector<1000x128xf32>
    %add3A = arith.addf %get3A_4, %get3A_7 : vector<1000x128xf32>
    %get3A_8 = arith.constant 0 : index
    %get3A_9 = arith.constant 0 : index
    %get3A_10 = vector.load %arg3[%get3A_8, %get3A_9] : memref<1000x128xf32, #tpu.memory_space<vmem>>, vector<1000x128xf32>
    %add3A_11 = arith.addf %add3A, %get3A_10 : vector<1000x128xf32>
    %mul3A = vector.broadcast %get3A_1 : vector<1000x1xf32> to vector<1000x128xf32>
    %mul3A_12 = arith.mulf %mul3A, %add3A_11 : vector<1000x128xf32>
    %get3A_13 = arith.constant 0 : index
    %get3A_14 = arith.constant 0 : index
    %get3A_15 = vector.load %arg5[%get3A_13, %get3A_14] : memref<1x128xf32, #tpu.memory_space<vmem>>, vector<1x128xf32>
    %add3A_16 = vector.broadcast %get3A_15 : vector<1x128xf32> to vector<1000x128xf32>
    %add3A_17 = arith.addf %mul3A_12, %add3A_16 : vector<1000x128xf32>
    %get3A_18 = arith.constant 0 : index
    %get3A_19 = arith.constant 0 : index
    %get3A_20 = vector.load %arg6[%get3A_18, %get3A_19] : memref<1000x1xi32, #tpu.memory_space<vmem>>, vector<1000x1xi32>
    %iota3A = tpu.iota {dimensions = array<i32: 1>} : vector<1000x64xi32>
    %eq3A = vector.broadcast %get3A_20 : vector<1000x1xi32> to vector<1000x64xi32>
    %eq3A_21 = arith.cmpi eq, %eq3A, %iota3A : vector<1000x64xi32>
    %convert_element_type3A = arith.extui %eq3A_21 : vector<1000x64xi1> to vector<1000x64xi32>
    %convert_element_type3A_22 = arith.sitofp %convert_element_type3A : vector<1000x64xi32> to vector<1000x64xf32>
    %dot_general3A = arith.constant dense<0.000000e+00> : vector<64x128xf32>
    %dot_general3A_23 = tpu.matmul %convert_element_type3A_22, %add3A_17, %dot_general3A {dimension_numbers = #tpu.dot_dimension_numbers<[0], [0], [1], [1], [0, 1, 1, 1], [], []>, transpose_lhs_hint = false} : vector<1000x64xf32>, vector<1000x128xf32>, vector<64x128xf32> -> vector<64x128xf32>
    %broadcast_in_dim3A = arith.constant 1.000000e+00 : f32
    %broadcast_in_dim3A_24 = vector.broadcast %broadcast_in_dim3A : f32 to vector<1000x128xf32>
    %dot_general3A_25 = arith.constant dense<0.000000e+00> : vector<64x128xf32>
    %dot_general3A_26 = tpu.matmul %convert_element_type3A_22, %broadcast_in_dim3A_24, %dot_general3A_25 {dimension_numbers = #tpu.dot_dimension_numbers<[0], [0], [1], [1], [0, 1, 1, 1], [], []>, transpose_lhs_hint = false} : vector<1000x64xf32>, vector<1000x128xf32>, vector<64x128xf32> -> vector<64x128xf32>
    %eq3A_27 = arith.constant 0 : i32
    %eq3A_28 = arith.cmpi eq, %arg0, %eq3A_27 : i32
    %convert_element_type3A_29 = arith.extui %eq3A_28 : i1 to i32
    %cond3A = arith.constant 0 : i32
    %cond3A_30 = arith.cmpi ne, %convert_element_type3A_29, %cond3A : i32
    scf.if %cond3A_30 {
      %broadcast_in_dim3A_49 = arith.constant 0.000000e+00 : f32
      %broadcast_in_dim3A_50 = vector.broadcast %broadcast_in_dim3A_49 : f32 to vector<64x128xf32>
      %swap3A_51 = arith.constant 0 : index
      %swap3A_52 = arith.constant 0 : index
      %swap3A_53 = vector.load %arg10[%swap3A_51, %swap3A_52] : memref<64x128xf32, #tpu.memory_space<vmem>>, vector<64x128xf32>
      tpu.vector_store %arg10[%swap3A_51, %swap3A_52], %broadcast_in_dim3A_50 {strides = array<i32>} : memref<64x128xf32, #tpu.memory_space<vmem>>, vector<64x128xf32>,
      %broadcast_in_dim3A_54 = arith.constant 0.000000e+00 : f32
      %broadcast_in_dim3A_55 = vector.broadcast %broadcast_in_dim3A_54 : f32 to vector<64x128xf32>
      %swap3A_56 = arith.constant 0 : index
      %swap3A_57 = arith.constant 0 : index
      %swap3A_58 = vector.load %arg11[%swap3A_56, %swap3A_57] : memref<64x128xf32, #tpu.memory_space<vmem>>, vector<64x128xf32>
      tpu.vector_store %arg11[%swap3A_56, %swap3A_57], %broadcast_in_dim3A_55 {strides = array<i32>} : memref<64x128xf32, #tpu.memory_space<vmem>>, vector<64x128xf32>,
    } else {
    }
    %get3A_31 = arith.constant 0 : index
    %get3A_32 = arith.constant 0 : index
    %get3A_33 = vector.load %arg10[%get3A_31, %get3A_32] : memref<64x128xf32, #tpu.memory_space<vmem>>, vector<64x128xf32>
    %add3A_34 = arith.addf %get3A_33, %dot_general3A_23 : vector<64x128xf32>
    %swap3A = arith.constant 0 : index
    %swap3A_35 = arith.constant 0 : index
    %swap3A_36 = vector.load %arg10[%swap3A, %swap3A_35] : memref<64x128xf32, #tpu.memory_space<vmem>>, vector<64x128xf32>
    tpu.vector_store %arg10[%swap3A, %swap3A_35], %add3A_34 {strides = array<i32>} : memref<64x128xf32, #tpu.memory_space<vmem>>, vector<64x128xf32>,
    %get3A_37 = arith.constant 0 : index
    %get3A_38 = arith.constant 0 : index
    %get3A_39 = vector.load %arg11[%get3A_37, %get3A_38] : memref<64x128xf32, #tpu.memory_space<vmem>>, vector<64x128xf32>
    %add3A_40 = arith.addf %get3A_39, %dot_general3A_26 : vector<64x128xf32>
    %swap3A_41 = arith.constant 0 : index
    %swap3A_42 = arith.constant 0 : index
    %swap3A_43 = vector.load %arg11[%swap3A_41, %swap3A_42] : memref<64x128xf32, #tpu.memory_space<vmem>>, vector<64x128xf32>
    tpu.vector_store %arg11[%swap3A_41, %swap3A_42], %add3A_40 {strides = array<i32>} : memref<64x128xf32, #tpu.memory_space<vmem>>, vector<64x128xf32>,
    %eq3A_44 = arith.constant 9 : i32
    %eq3A_45 = arith.cmpi eq, %arg0, %eq3A_44 : i32
    %convert_element_type3A_46 = arith.extui %eq3A_45 : i1 to i32
    %cond3A_47 = arith.constant 0 : i32
    %cond3A_48 = arith.cmpi ne, %convert_element_type3A_46, %cond3A_47 : i32
    scf.if %cond3A_48 {
      %get3A_49 = arith.constant 0 : index
      %get3A_50 = arith.constant 0 : index
      %get3A_51 = vector.load %arg10[%get3A_49, %get3A_50] : memref<64x128xf32, #tpu.memory_space<vmem>>, vector<64x128xf32>
      %get3A_52 = arith.constant 0 : index
      %get3A_53 = arith.constant 0 : index
      %get3A_54 = vector.load %arg11[%get3A_52, %get3A_53] : memref<64x128xf32, #tpu.memory_space<vmem>>, vector<64x128xf32>
      %max3A = arith.constant 1.000000e+00 : f32
      %max3A_55 = vector.broadcast %max3A : f32 to vector<64x128xf32>
      %max3A_56 = arith.maximumf %get3A_54, %max3A_55 : vector<64x128xf32>
      %div3A = arith.divf %get3A_51, %max3A_56 : vector<64x128xf32>
      %get3A_57 = arith.constant 0 : index
      %get3A_58 = arith.constant 0 : index
      %get3A_59 = vector.load %arg7[%get3A_57, %get3A_58] : memref<128x10xf32, #tpu.memory_space<vmem>>, vector<128x10xf32>
      %dot_general3A_60 = arith.constant dense<0.000000e+00> : vector<64x10xf32>
      %dot_general3A_61 = tpu.matmul %div3A, %get3A_59, %dot_general3A_60 {dimension_numbers = #tpu.dot_dimension_numbers<[1], [0], [0], [1], [0, 0, 1, 1], [], []>, transpose_lhs_hint = false} : vector<64x128xf32>, vector<128x10xf32>, vector<64x10xf32> -> vector<64x10xf32>
      %get3A_62 = arith.constant 0 : index
      %get3A_63 = arith.constant 0 : index
      %get3A_64 = vector.load %arg8[%get3A_62, %get3A_63] : memref<1x10xf32, #tpu.memory_space<vmem>>, vector<1x10xf32>
      %add3A_65 = vector.broadcast %get3A_64 : vector<1x10xf32> to vector<64x10xf32>
      %add3A_66 = arith.addf %dot_general3A_61, %add3A_65 : vector<64x10xf32>
      %swap3A_67 = arith.constant 0 : index
      %swap3A_68 = arith.constant 0 : index
      %swap3A_69 = vector.load %arg9[%swap3A_67, %swap3A_68] : memref<64x10xf32, #tpu.memory_space<vmem>>, vector<64x10xf32>
      tpu.vector_store %arg9[%swap3A_67, %swap3A_68], %add3A_66 {strides = array<i32>} : memref<64x10xf32, #tpu.memory_space<vmem>>, vector<64x10xf32>,
    } else {
    }
    return
  }
  func.func @transform_0(%arg0: i32) -> (i32, i32) {
    %c0_i32 = arith.constant 0 : i32
    %c0_i32_0 = arith.constant 0 : i32
    return %arg0, %c0_i32 : i32, i32
  }
  func.func @transform_1(%arg0: i32) -> (i32, i32) {
    %c0_i32 = arith.constant 0 : i32
    %c0_i32_0 = arith.constant 0 : i32
    return %arg0, %c0_i32 : i32, i32
  }
  func.func @transform_2(%arg0: i32) -> (i32, i32) {
    %c0_i32 = arith.constant 0 : i32
    %c0_i32_0 = arith.constant 0 : i32
    return %arg0, %c0_i32 : i32, i32
  }
  func.func @transform_3(%arg0: i32) -> (i32, i32) {
    %c0_i32 = arith.constant 0 : i32
    %c0_i32_0 = arith.constant 0 : i32
    return %arg0, %c0_i32 : i32, i32
  }
  func.func @transform_4(%arg0: i32) -> (i32, i32) {
    %c0_i32 = arith.constant 0 : i32
    %c0_i32_0 = arith.constant 0 : i32
    %c0_i32_1 = arith.constant 0 : i32
    return %c0_i32, %c0_i32_0 : i32, i32
  }
  func.func @transform_5(%arg0: i32) -> (i32, i32) {
    %c0_i32 = arith.constant 0 : i32
    %c0_i32_0 = arith.constant 0 : i32
    return %arg0, %c0_i32 : i32, i32
  }
  func.func @transform_6(%arg0: i32) -> (i32, i32) {
    %c0_i32 = arith.constant 0 : i32
    %c0_i32_0 = arith.constant 0 : i32
    %c0_i32_1 = arith.constant 0 : i32
    return %c0_i32, %c0_i32_0 : i32, i32
  }
  func.func @transform_7(%arg0: i32) -> (i32, i32) {
    %c0_i32 = arith.constant 0 : i32
    %c0_i32_0 = arith.constant 0 : i32
    %c0_i32_1 = arith.constant 0 : i32
    return %c0_i32, %c0_i32_0 : i32, i32
  }
  func.func @transform_8(%arg0: i32) -> (i32, i32) {
    %c0_i32 = arith.constant 0 : i32
    %c0_i32_0 = arith.constant 0 : i32
    %c0_i32_1 = arith.constant 0 : i32
    return %c0_i32, %c0_i32_0 : i32, i32
  }
}

</mosaic_0001>

<sc_bundles>
// kernel: kernel.11.cloned.1.call-start
scs
__scs_entry_jumppad:
0x0: {  	(pc) =	sbr.rel $0x88, $3  }
0x1: {  	(tag) =	ssettag $0x0;
	lr =	simm.s32 $0x1  }
0x2: {  	[smem:$0x3F92] =	sst lr;
	_ =	strace $0xD0000000  }
0x3: {  	_ = 	snop  }
0x4: {  	_ = 	snop  }
0x5: {  	_ = 	snop  }
0x6: {  	_ = 	snop  }
0x7: {  	_ = 	snop  }
__scs_overlays_trampoline_lowered:
0x8: {  	[smem:$0x3FA1] =	sst s0  }
0x9: {  	[smem:$0x3FA2] =	sst s1  }
0xa: {  	[smem:$0x3FA3] =	sst s2  }
0xb: {  	[smem:$0x3FA4] =	sst s3  }
0xc: {  	[smem:$0x3FA5] =	sst s4  }
0xd: {  	[smem:$0x3FA6] =	sst s5  }
0xe: {  	[smem:$0x3FA7] =	sst s6  }
0xf: {  	[smem:$0x3FA8] =	sst s7  }
0x10: {  	[smem:$0x3FA9] =	sst s8  }
0x11: {  	[smem:$0x3FAA] =	sst s9;
	s0 =	simm.s32 @!p0 $0x0  }
0x12: {  	s1 =	sld [smem:$0x3F90];
	s0 =	simm.s32 @p0 $0x1  }
0x13: {  	[smem:$0x3FAB] =	sst s0;
	s0 =	simm.s32 @!p1 $0x0  }
0x14: {  	s2 =	sld [smem:$0x3F8F];
	s0 =	simm.s32 @p1 $0x1  }
0x15: {  	[smem:$0x3FAC] =	sst s0;
	s0 =	simm.s32 @!p2 $0x0  }
0x16: {  	s3 =	sld [smem:$0x3FDB];
	s0 =	simm.s32 @p2 $0x1  }
0x17: {  	s4 =	simm.s32 $0x1BF5;
	[smem:$0x3FAE] =	sst s0  }
0x18: {  	s0 =	sld [smem:$0x3F91];
	_ =	swait.ge [sflag:s4], $0x0  }
0x19: {  	s7 =	sld [smem:$0x3F92]  }
0x1a: {  	s8 =	sadd.s32 $0xFFFFE003, lr  }
0x1b: {  	s9 =	sadd.s32 $0xFFFFFEF7, lr;
	s5 =	simm.s32 $0xFFFFFFFF;
	p2 =	slt.u32 s8, $0xFFFFF086  }
0x1c: {  	p1 =	slt.u32 s9, $0xF7A;
	s5 =	simm.s32 @!p2 $0x0  }
0x1d: {  	s5 =	simm.s32 @p1 $0x1;
	p0 =	seq.s32 s7, s2  }
0x1e: {  	s7 =	smul.u32 @!p0 $0xF7A, s2;
	p2 =	seq.s32 @!p0 s5, $0x0  }
0x1f: {  	s9 =	smul.u32 $0xF7A, s1;
	s8 =	simm.s32 @!p0 $0x1BF5;
	p2 =	por !p2, p0  }
0x20: {  	[sflag:s8] =	ssyncset.s32 @!p0 $0xFFFFF086;
	s6 =	sadd.s32 @!p0 s3, s7;
	s7 =	simm.s32 @!p0 $0x108  }
0x21: {  	s3 =	sadd.s32 s3, s9;
	s6 =	sadd.s32 @!p0 $0x88, s6;
	s7 =	simm.s32 @p2 $0x1082  }
0x22: {  	[simem:s7], [sflag:s8] =	dma.local @!p0 [hbm:s6], $0xF7A  }
0x23: {  	s9 =	sor.u32 $0xD0000000, s2;
	s6 =	simm.s32 $0x108;
	_ =	swait.ge @!p0 [sflag:s8], $0x0  }
0x24: {  	s3 =	sadd.s32 $0x88, s3;
	s6 =	simm.s32 @!p1 $0x1082;
	[sflag:s4] =	ssyncset.s32 $0xFFFFF086  }
0x25: {  	[simem:s6], [sflag:s4] =	dma.local [hbm:s3], $0xF7A  }
0x26: {  	[smem:$0x3F92] =	sst s1;
	(tag) =	ssettag s2;
	_ =	strace s9  }
0x27: {  	s1 =	sld [smem:$0x3FA2]  }
0x28: {  	s2 =	sld [smem:$0x3FA3]  }
0x29: {  	s4 =	sld [smem:$0x3FA5]  }
0x2a: {  	p0 =	seq.s32 s5, $0x0;
	s5 =	sld [smem:$0x3FA6]  }
0x2b: {  	s6 =	sld [smem:$0x3FA7]  }
0x2c: {  	s7 =	sld [smem:$0x3FA8]  }
0x2d: {  	s3 =	simm.s32 $0x108;
	s8 =	sld [smem:$0x3FA9]  }
0x2e: {  	s3 =	simm.s32 @!p0 $0x1082;
	s9 =	sld [smem:$0x3FAA]  }
0x2f: {  	lr =	sadd.s32 s0, s3;
	s0 =	sld [smem:$0x3FA1]  }
0x30: {  	s3 =	sld [smem:$0x3FA4]  }
0x31: {  	[smem:$0x3FAD] =	sst s10  }
0x32: {  	s10 =	sld [smem:$0x3FAB];
	_ =	sdelay $0x3  }
0x33: {  	p0 =	seq.s32 s10, $0x1;
	s10 =	sld [smem:$0x3FAD];
	_ =	sdelay $0x3  }
0x34: {  	[smem:$0x3FAD] =	sst s10  }
0x35: {  	s10 =	sld [smem:$0x3FAC];
	_ =	sdelay $0x3  }
0x36: {  	p1 =	seq.s32 s10, $0x1;
	s10 =	sld [smem:$0x3FAD];
	_ =	sdelay $0x3  }
0x37: {  	[smem:$0x3FAD] =	sst s10  }
0x38: {  	s10 =	sld [smem:$0x3FAE]  }
0x39: {  	_ = 	snop;
	(pc) =	sbr.ind lr, $3  }
0x3a: {  	_ = 	snop  }
0x3b: {  	_ = 	snop  }
0x3c: {  	p2 =	seq.s32 s10, $0x1;
	s10 =	sld [smem:$0x3FAD]  }
0x3d: {  	_ =	shalt  }
0x3e: {  	_ =	shalt  }
0x3f: {  	_ =	shalt  }
0x40: {  	_ =	shalt  }
0x41: {  	_ =	shalt  }
0x42: {  	_ =	shalt  }
0x43: {  	_ =	shalt  }
0x44: {  	_ =	shalt  }
0x45: {  	_ =	shalt  }
0x46: {  	_ =	shalt  }
0x47: {  	_ =	shalt  }
0x48: {  	_ =	shalt  }
0x49: {  	_ =	shalt  }
0x4a: {  	_ =	shalt  }
0x4b: {  	_ =	shalt  }
0x4c: {  	_ =	shalt  }
0x4d: {  	_ =	shalt  }
0x4e: {  	_ =	shalt  }
0x4f: {  	_ =	shalt  }
0x50: {  	_ =	shalt  }
0x51: {  	_ =	shalt  }
0x52: {  	_ =	shalt  }
0x53: {  	_ =	shalt  }
0x54: {  	_ =	shalt  }
0x55: {  	_ =	shalt  }
0x56: {  	_ =	shalt  }
0x57: {  	_ =	shalt  }
0x58: {  	_ =	shalt  }
0x59: {  	_ =	shalt  }
0x5a: {  	_ =	shalt  }
0x5b: {  	_ =	shalt  }
0x5c: {  	_ =	shalt  }
0x5d: {  	_ =	shalt  }
0x5e: {  	_ =	shalt  }
0x5f: {  	_ =	shalt  }
0x60: {  	_ =	shalt  }
0x61: {  	_ =	shalt  }
0x62: {  	_ =	shalt  }
0x63: {  	_ =	shalt  }
0x64: {  	_ =	shalt  }
0x65: {  	_ =	shalt  }
0x66: {  	_ =	shalt  }
0x67: {  	_ =	shalt  }
0x68: {  	_ =	shalt  }
0x69: {  	_ =	shalt  }
0x6a: {  	_ =	shalt  }
0x6b: {  	_ =	shalt  }
0x6c: {  	_ =	shalt  }
0x6d: {  	_ =	shalt  }
0x6e: {  	_ =	shalt  }
0x6f: {  	_ =	shalt  }
0x70: {  	_ =	shalt  }
0x71: {  	_ =	shalt  }
0x72: {  	_ =	shalt  }
0x73: {  	_ =	shalt  }
0x74: {  	_ =	shalt  }
0x75: {  	_ =	shalt  }
0x76: {  	_ =	shalt  }
0x77: {  	_ =	shalt  }
0x78: {  	_ =	shalt  }
0x79: {  	_ =	shalt  }
0x7a: {  	_ =	shalt  }
0x7b: {  	_ =	shalt  }
0x7c: {  	_ =	shalt  }
0x7d: {  	_ =	shalt  }
0x7e: {  	_ =	shalt  }
0x7f: {  	_ =	shalt  }
0x80: {  	_ =	shalt  }
0x81: {  	_ =	shalt  }
0x82: {  	_ =	shalt  }
0x83: {  	_ =	shalt  }
0x84: {  	_ =	shalt  }
0x85: {  	_ =	shalt  }
0x86: {  	_ =	shalt  }
0x87: {  	_ =	shalt  }
.Lfunc_end0:
.L_simem_size_0:
called_computation_lowered:
.L_overlay_start_0:
0x88: {  	s2 =	sld [smem:$0x3FD9]  }
0x89: {  	s3 =	sld [smem:$0x3FFE];
	_ =	sdelay $0x1  }
0x8a: {  	s1 =	srdreg.scid  }
0x8b: {  	s0 =	sand.u32 $0x1, s1  }
0x8c: {  	s16 =	sshll.u32 s0, $0xA;
	s2 =	sadd.s32 s3, s2  }
0x8d: {  	s2 =	sadd.s32 s2, s16  }
0x8e: {  	[smem:$0x3FB9] =	sst s2  }
0x8f: {  	_ = 	snop  }
0x90: {  	(tm) =	ssettm $0x1  }
0x91: {  	s17 =	sld [smem:$0x3FFB];
	_ =	sdelay $0x3  }
0x92: {  	_ =	strace s17  }
0x93: {  	s2 =	sld [smem:$0x3FFC];
	_ =	sdelay $0x3  }
0x94: {  	_ =	strace s2  }
0x95: {  	s2 =	sld [smem:$0x3FFD];
	_ =	sdelay $0x3  }
0x96: {  	_ =	strace s2  }
0x97: {  	_ =	strace $0x8FFFFFFF  }
0x98: {  	s18 =	sld [smem:$0x3FDB];
	_ =	sdelay $0x1  }
0x99: {  	s19 =	simm.s32 $_scs_section_size  }
0x9a: {  	s4 =	simm.s32 $_size__tile_overlayer_lowered;
	s5 =	simm.s32 $_tile_overlayer_lowered  }
0x9b: {  	s22 =	simm.s32 $0x1BFF;
	s21 =	sshll.u32 s5, $0x1;
	s2 =	sadd.s32 s19, s18  }
0x9c: {  	s6 =	simm.s32 $0x0;
	s20 =	sshll.u32 s4, $0x1;
	s4 =	sadd.s32 s21, s2  }
0x9d: {  	[timem:s6], [sflag:s22] =	dma.local [hbm:s4], s20  }
0x9e: {  	_ =	swait.ge [sflag:s22], s20  }
0x9f: {  	s3 =	ssub.s32 $0x0, s20;
	[sflag:s22] =	ssyncset.done $0x0  }
0xa0: {  	[sflag:s22] =	ssyncadd.s32 s3;
	_ =	sdelay $0x1  }
0xa1: {  	s23 =	simm.s32 $0x1B8B  }
0xa2: {  	_ =	swait.ge [sflag:s23], $0x1  }
0xa3: {  	[sflag:s23] =	ssyncset.done $0x0  }
0xa4: {  	s25 =	simm.s32 $0x1B8E;
	s24 =	sld [smem:$0x3FFE];
	[sflag:s23] =	ssyncadd.s32 $0xFFFFFFFF  }
0xa5: {  	s26 =	simm.s32 $execute0_lowered;
	[smem:$0x3FD2] =	sst s25  }
0xa6: {  	s4 =	sshll.u32 s26, $0x1;
	_ =	strace $0x80000046;
	[dreg:$0x1] =	wrdreg $0xFFFFFFFF  }
0xa7: {  	s28 =	simm.s32 $_size_execute0_lowered;
	s2 =	sadd.s32 s2, s4;
	[dreg:$0x0] =	wrdreg $0x0  }
0xa8: {  	s4 =	sshll.u32 s28, $0x1;
	[dreg:$0x2] =	wrdreg s2  }
0xa9: {  	[dreg:$0x3] =	wrdreg s4  }
0xaa: {  	[dreg:$0x4] =	wrdreg $0xC0  }
0xab: {  	_ =	task [dreg:s6], $0x5FFFF  }
0xac: {  	[dreg:$0x1] =	wrdreg $0xFFFFFFFF  }
0xad: {  	[dreg:$0x0] =	wrdreg $0x60  }
0xae: {  	[dreg:$0x2] =	wrdreg s24  }
0xaf: {  	[dreg:$0x3] =	wrdreg $0x68000  }
0xb0: {  	[dreg:$0x4] =	wrdreg $0x9  }
0xb1: {  	_ =	task.clear_ibuf [dreg:s6], $0x5FFFF;
	_ =	strace $0x90000046  }
0xb2: {  	s29 =	simm.s32 $0x9;
	_ =	strace $0x80000048  }
0xb3: {  	_ =	swait.ge [sflag:s29], $0x1  }
0xb4: {  	[sflag:s29] =	ssyncadd.s32 $0xFFFFFFFF  }
0xb5: {  	_ =	strace $0x90000048  }
0xb6: {  	_ =	sfence  }
0xb7: {  	s30 =	sld [smem:$0x0];
	_ =	sdelay $0x2  }
0xb8: {  	s31 =	sshll.u32 s1, $0xD;
	s1 =	sshrl.u32 s1, $0x2  }
0xb9: {  	s3 =	sand.u32 $0x4000, s31;
	s1 =	sadd.s32 s1, s30  }
0xba: {  	s0 =	sor.u32 s3, s0;
	s1 =	sshll.u32 s1, $0x11  }
0xbb: {  	s0 =	sor.u32 s1, s0  }
0xbc: {  	s0 =	sadd.s32 $0x8F2B, s0  }
0xbd: {  	[sflag:s0] =	ssyncadd.remote.s32 $0x1  }
0xbe: {  	_ =	sfence.sel $0xFFFF  }
0xbf: {  	[dreg:$0x0] =	wrdreg $0xFFFFFFFF;
	(pc) =	sbr.abs _section_cstart, $3  }
0xc0: {  	[dreg:$0x1] =	wrdreg $0xFFFFFFFF  }
0xc1: {  	_ =	task.clear_ibuf [dreg:s6], $0x2FFFF;
	_ =	strace $0x9FFFFFFF  }
0xc2: {  	(tm) =	ssettm $0x7FFFFFFF  }
0xc3: {  	_ =	shalt  }
tec
execute0_lowered:
.L_overlay_start_1:
0x0: {  	(tag) =	ssettag $0x1  }
0x1: {  	s0 =	srdreg.scid;
	s5 =	rddreg [dreg:$0x0]  }
0x2: {  	s2 =	rddreg [dreg:$0x1];
	s6 =	sand.u32 $0x1, s0  }
0x3: {  	s0 =	stileid.u32;
	s4 =	smul.u32 $0x5000, s6  }
0x4: {  	s1 =	rddreg [dreg:$0x2];
	s3 =	simm.s32 $0x0;
	s7 =	smul.u32 $0x500, s0  }
0x5: {  	s13 =	simm.s32 $0x80;
	s14 =	simm.s32 $0x1;
	s29 =	smul.u32 $0x13C00, s0  }
0x6: {  	s15 =	simm.s32 $0x0;
	[smem:$0x7FF] =	sst s3;
	s9 =	smul.u32 $0x13C000, s6  }
0x7: {  	_ =	strace $0x80000047;
	s11 =	smul.u32 $0x4F000, s0;
	s6 =	ssub.s32 $0x2, s6  }
0x8: {  	s31 =	sshll.u32 s0, $0x6;
	s30 =	sshrl.u32 s6, $0x1;
	s4 =	sadd.s32 s7, s4  }
0x9: {  	s10 =	sshrl.u32 s29, $0x3;
	s7 =	sadd.s32 s29, s9;
	s11 =	sshrl.u32 s11, $0x2  }
0xa: {  	s9 =	ssub.s32 s6, s30;
	s8 =	sadd.s32 s4, s5;
	s4 =	sadd.s32 $0x18E00, s5  }
0xb: {  	s10 =	sadd.s32 s10, s5;
	s7 =	sshrl.u32 s7, $0x3;
	s12 =	sadd.s32 s11, s2  }
0xc: {  	s11 =	sor.u32 $0x1C02, s31;
	s7 =	sadd.s32 s7, s5;
	s5 =	sadd.s32 $0x19600, s10  }
0xd: {  	s6 =	sadd.s32 $0xEE00, s8;
	s8 =	smax.u32 s9, $0x1;
	s9 =	simm.s32 $0x2800  }
0xe: {  	s10 =	simm.s32 $0x2;
	s12 =	sshrl.u32 s12, $0x3;
	s7 =	sadd.s32 $0x40E00, s7  }
.LBB2_1:
0xf: {  	[tilespmem:s9], [sflag:$0x2] =	stream.linear.gather [hbm4b:s4+s3], $0x4000, $0x38;
	[tilespmem:$0x1A400] =	vst v63  }
0x10: {  	_ =	swait.ge [sflag:s10], $0x4000  }
0x11: {  	[sflag:s10] =	ssyncset.done $0x0  }
0x12: {  	[sflag:s10] =	ssyncadd.s32 $0xFFFFC000  }
0x13: {  	[spmem:s12], [sflag:s11] =	dma.local [hbm:s5], $0x2780  }
0x14: {  	_ =	swait.ge [sflag:s10], $0x2780  }
0x15: {  	[sflag:s10] =	ssyncset.done $0x0  }
0x16: {  	[sflag:s10] =	ssyncadd.s32 $0xFFFFD880  }
0x17: {  	[tilespmem:s3], [sflag:$0x2] =	stream.linear.gather [hbm4b:s6+s3], $0x2800, $0x38;
	[tilespmem:$0x1A400] =	vst v63  }
0x18: {  	_ =	swait.ge [sflag:s10], $0x2800  }
0x19: {  	[sflag:s10] =	ssyncset.done $0x0  }
0x1a: {  	[sflag:s10] =	ssyncadd.s32 $0xFFFFD800  }
0x1b: {  	s16 =	simm.s32 $0x0;
	[bflag:$0x0] =	sbarrier.arrive $0xFFFF  }
.LBB2_2:
0x1c: {  	p0 =	sne.s32 s16, $0x9E00  }
.Ltmp0:
0x1d: {  	_ = 	snop;
	(pc) =	sbr.rel @p0 .LBB2_2-.Ltmp0, $3  }
0x1e: {  	_ =	sdelay $0x1  }
0x1f: {  	s17 =	sshra.s32 s16, $0x2;
	s16 =	sadd.s32 $0x200, s16  }
0x20: {  	[spmem:s2] =	stream.indirect.scatter.add.f32 [tilespmem:s9], [sflag:$0x1], $0x80, s17, s13, $0xb8;
	[tilespmem:$0x1A400] =	vst v63  }
0x21: {  	_ =	swait.ge [sflag:s14], $0x4000  }
0x22: {  	s16 =	simm.s32 $0x4F;
	[sflag:s14] =	ssyncset.done $0x0  }
.LBB2_4:
0x23: {  	p0 =	sne.s32 s16, $0x1;
	s16 =	sadd.s32 $0xFFFFFFFF, s16;
	[sflag:s14] =	ssyncadd.s32 $0xFFFFC000  }
.Ltmp1:
0x24: {  	(pc) =	sbr.rel @p0 .LBB2_4-.Ltmp1, $3  }
0x25: {  	_ =	sdelay $0x1  }
0x26: {  	_ =	swait.ge [sflag:s14], $0x4000  }
0x27: {  	[sflag:s14] =	ssyncset.done $0x0  }
0x28: {  	s15 =	sadd.s32 $0x1, s15  }
0x29: {  	[sflag:s14] =	ssyncadd.s32 $0xFFFFC000;
	p0 =	sne.s32 s15, s8  }
.Ltmp2:
0x2a: {  	[bflag:$0x0] =	sbarrier.arrive $0xFFFF;
	(pc) =	sbr.rel @p0 .LBB2_1-.Ltmp2, $4  }
0x2b: {  	[hbm:s7], [sflag:s11] =	dma.local [spmem:s12], $0x2780  }
0x2c: {  	_ =	swait.ge [sflag:s10], $0x2780  }
0x2d: {  	[sflag:s10] =	ssyncset.done $0x0  }
0x2e: {  	[sflag:s10] =	ssyncadd.s32 $0xFFFFD880  }
0x2f: {  	_ =	sfence.sel $0x180000  }
0x30: {  	[bflag:$0x0] =	sbarrier.arrive $0xFFFF  }
0x31: {  	p0 =	sne.s32 s0, $0x0;
	_ =	strace $0x90000047  }
0x32: {  	s0 =	sadd.s32 @!p0 $0x100000, s1;
	[bflag:$0x2] =	sbarrier.arrive $0xFFFF  }
0x33: {  	[sflag:s0] =	ssyncadd.tile.s32 @!p0 $0x1;
	_ =	shalt  }
.Lfunc_end2:
_tile_overlayer_lowered:
.L_overlay_start_2:
0x34: {  	(tag) =	ssettag $0x2  }
0x35: {  	s0 =	rddreg [dreg:$0x0];
	s2 =	stileid.u32  }
0x36: {  	s1 =	rddreg [dreg:$0x1];
	p0 =	sne.s32 s2, $0x0  }
0x37: {  	s3 =	rddreg [dreg:$0x2];
	[bflag:$0x3] =	sbarrier.arrive $0xFFFF;
	s2 =	simm.s32 @!p0 $0x1C02  }
0x38: {  	[timem:s3], [sflag:s2] =	dma.local @!p0 [hbm:s0], s1  }
0x39: {  	s0 =	simm.s32 @!p0 $0x2  }
0x3a: {  	_ =	swait.ge @!p0 [sflag:s0], s1  }
0x3b: {  	s1 =	ssub.s32 @!p0 $0x0, s1;
	[sflag:s0] =	ssyncset.done @!p0 $0x0  }
0x3c: {  	[sflag:s0] =	ssyncadd.s32 @!p0 s1  }
0x3d: {  	[bflag:$0x3] =	sbarrier.arrive $0xFFFF  }
0x3e: {  	_ =	shalt  }

// kernel: kernel.14.cloned.1.call-start
scs
__scs_entry_jumppad:
0x0: {  	(pc) =	sbr.rel $0x88, $3  }
0x1: {  	(tag) =	ssettag $0x0;
	lr =	simm.s32 $0x1  }
0x2: {  	[smem:$0x3F92] =	sst lr;
	_ =	strace $0xD0000000  }
0x3: {  	_ = 	snop  }
0x4: {  	_ = 	snop  }
0x5: {  	_ = 	snop  }
0x6: {  	_ = 	snop  }
0x7: {  	_ = 	snop  }
__scs_overlays_trampoline_lowered:
0x8: {  	[smem:$0x3FA1] =	sst s0  }
0x9: {  	[smem:$0x3FA2] =	sst s1  }
0xa: {  	[smem:$0x3FA3] =	sst s2  }
0xb: {  	[smem:$0x3FA4] =	sst s3  }
0xc: {  	[smem:$0x3FA5] =	sst s4  }
0xd: {  	[smem:$0x3FA6] =	sst s5  }
0xe: {  	[smem:$0x3FA7] =	sst s6  }
0xf: {  	[smem:$0x3FA8] =	sst s7  }
0x10: {  	[smem:$0x3FA9] =	sst s8  }
0x11: {  	[smem:$0x3FAA] =	sst s9;
	s0 =	simm.s32 @!p0 $0x0  }
0x12: {  	s1 =	sld [smem:$0x3F90];
	s0 =	simm.s32 @p0 $0x1  }
0x13: {  	[smem:$0x3FAB] =	sst s0;
	s0 =	simm.s32 @!p1 $0x0  }
0x14: {  	s2 =	sld [smem:$0x3F8F];
	s0 =	simm.s32 @p1 $0x1  }
0x15: {  	[smem:$0x3FAC] =	sst s0;
	s0 =	simm.s32 @!p2 $0x0  }
0x16: {  	s3 =	sld [smem:$0x3FDB];
	s0 =	simm.s32 @p2 $0x1  }
0x17: {  	s4 =	simm.s32 $0x1BF5;
	[smem:$0x3FAE] =	sst s0  }
0x18: {  	s0 =	sld [smem:$0x3F91];
	_ =	swait.ge [sflag:s4], $0x0  }
0x19: {  	s7 =	sld [smem:$0x3F92]  }
0x1a: {  	s8 =	sadd.s32 $0xFFFFE003, lr  }
0x1b: {  	s9 =	sadd.s32 $0xFFFFFEF7, lr;
	s5 =	simm.s32 $0xFFFFFFFF;
	p2 =	slt.u32 s8, $0xFFFFF086  }
0x1c: {  	p1 =	slt.u32 s9, $0xF7A;
	s5 =	simm.s32 @!p2 $0x0  }
0x1d: {  	s5 =	simm.s32 @p1 $0x1;
	p0 =	seq.s32 s7, s2  }
0x1e: {  	s7 =	smul.u32 @!p0 $0xF7A, s2;
	p2 =	seq.s32 @!p0 s5, $0x0  }
0x1f: {  	s9 =	smul.u32 $0xF7A, s1;
	s8 =	simm.s32 @!p0 $0x1BF5;
	p2 =	por !p2, p0  }
0x20: {  	[sflag:s8] =	ssyncset.s32 @!p0 $0xFFFFF086;
	s6 =	sadd.s32 @!p0 s3, s7;
	s7 =	simm.s32 @!p0 $0x108  }
0x21: {  	s3 =	sadd.s32 s3, s9;
	s6 =	sadd.s32 @!p0 $0x88, s6;
	s7 =	simm.s32 @p2 $0x1082  }
0x22: {  	[simem:s7], [sflag:s8] =	dma.local @!p0 [hbm:s6], $0xF7A  }
0x23: {  	s9 =	sor.u32 $0xD0000000, s2;
	s6 =	simm.s32 $0x108;
	_ =	swait.ge @!p0 [sflag:s8], $0x0  }
0x24: {  	s3 =	sadd.s32 $0x88, s3;
	s6 =	simm.s32 @!p1 $0x1082;
	[sflag:s4] =	ssyncset.s32 $0xFFFFF086  }
0x25: {  	[simem:s6], [sflag:s4] =	dma.local [hbm:s3], $0xF7A  }
0x26: {  	[smem:$0x3F92] =	sst s1;
	(tag) =	ssettag s2;
	_ =	strace s9  }
0x27: {  	s1 =	sld [smem:$0x3FA2]  }
0x28: {  	s2 =	sld [smem:$0x3FA3]  }
0x29: {  	s4 =	sld [smem:$0x3FA5]  }
0x2a: {  	p0 =	seq.s32 s5, $0x0;
	s5 =	sld [smem:$0x3FA6]  }
0x2b: {  	s6 =	sld [smem:$0x3FA7]  }
0x2c: {  	s7 =	sld [smem:$0x3FA8]  }
0x2d: {  	s3 =	simm.s32 $0x108;
	s8 =	sld [smem:$0x3FA9]  }
0x2e: {  	s3 =	simm.s32 @!p0 $0x1082;
	s9 =	sld [smem:$0x3FAA]  }
0x2f: {  	lr =	sadd.s32 s0, s3;
	s0 =	sld [smem:$0x3FA1]  }
0x30: {  	s3 =	sld [smem:$0x3FA4]  }
0x31: {  	[smem:$0x3FAD] =	sst s10  }
0x32: {  	s10 =	sld [smem:$0x3FAB];
	_ =	sdelay $0x3  }
0x33: {  	p0 =	seq.s32 s10, $0x1;
	s10 =	sld [smem:$0x3FAD];
	_ =	sdelay $0x3  }
0x34: {  	[smem:$0x3FAD] =	sst s10  }
0x35: {  	s10 =	sld [smem:$0x3FAC];
	_ =	sdelay $0x3  }
0x36: {  	p1 =	seq.s32 s10, $0x1;
	s10 =	sld [smem:$0x3FAD];
	_ =	sdelay $0x3  }
0x37: {  	[smem:$0x3FAD] =	sst s10  }
0x38: {  	s10 =	sld [smem:$0x3FAE]  }
0x39: {  	_ = 	snop;
	(pc) =	sbr.ind lr, $3  }
0x3a: {  	_ = 	snop  }
0x3b: {  	_ = 	snop  }
0x3c: {  	p2 =	seq.s32 s10, $0x1;
	s10 =	sld [smem:$0x3FAD]  }
0x3d: {  	_ =	shalt  }
0x3e: {  	_ =	shalt  }
0x3f: {  	_ =	shalt  }
0x40: {  	_ =	shalt  }
0x41: {  	_ =	shalt  }
0x42: {  	_ =	shalt  }
0x43: {  	_ =	shalt  }
0x44: {  	_ =	shalt  }
0x45: {  	_ =	shalt  }
0x46: {  	_ =	shalt  }
0x47: {  	_ =	shalt  }
0x48: {  	_ =	shalt  }
0x49: {  	_ =	shalt  }
0x4a: {  	_ =	shalt  }
0x4b: {  	_ =	shalt  }
0x4c: {  	_ =	shalt  }
0x4d: {  	_ =	shalt  }
0x4e: {  	_ =	shalt  }
0x4f: {  	_ =	shalt  }
0x50: {  	_ =	shalt  }
0x51: {  	_ =	shalt  }
0x52: {  	_ =	shalt  }
0x53: {  	_ =	shalt  }
0x54: {  	_ =	shalt  }
0x55: {  	_ =	shalt  }
0x56: {  	_ =	shalt  }
0x57: {  	_ =	shalt  }
0x58: {  	_ =	shalt  }
0x59: {  	_ =	shalt  }
0x5a: {  	_ =	shalt  }
0x5b: {  	_ =	shalt  }
0x5c: {  	_ =	shalt  }
0x5d: {  	_ =	shalt  }
0x5e: {  	_ =	shalt  }
0x5f: {  	_ =	shalt  }
0x60: {  	_ =	shalt  }
0x61: {  	_ =	shalt  }
0x62: {  	_ =	shalt  }
0x63: {  	_ =	shalt  }
0x64: {  	_ =	shalt  }
0x65: {  	_ =	shalt  }
0x66: {  	_ =	shalt  }
0x67: {  	_ =	shalt  }
0x68: {  	_ =	shalt  }
0x69: {  	_ =	shalt  }
0x6a: {  	_ =	shalt  }
0x6b: {  	_ =	shalt  }
0x6c: {  	_ =	shalt  }
0x6d: {  	_ =	shalt  }
0x6e: {  	_ =	shalt  }
0x6f: {  	_ =	shalt  }
0x70: {  	_ =	shalt  }
0x71: {  	_ =	shalt  }
0x72: {  	_ =	shalt  }
0x73: {  	_ =	shalt  }
0x74: {  	_ =	shalt  }
0x75: {  	_ =	shalt  }
0x76: {  	_ =	shalt  }
0x77: {  	_ =	shalt  }
0x78: {  	_ =	shalt  }
0x79: {  	_ =	shalt  }
0x7a: {  	_ =	shalt  }
0x7b: {  	_ =	shalt  }
0x7c: {  	_ =	shalt  }
0x7d: {  	_ =	shalt  }
0x7e: {  	_ =	shalt  }
0x7f: {  	_ =	shalt  }
0x80: {  	_ =	shalt  }
0x81: {  	_ =	shalt  }
0x82: {  	_ =	shalt  }
0x83: {  	_ =	shalt  }
0x84: {  	_ =	shalt  }
0x85: {  	_ =	shalt  }
0x86: {  	_ =	shalt  }
0x87: {  	_ =	shalt  }
.Lfunc_end0:
.L_simem_size_0:
called_computation.1_lowered:
.L_overlay_start_0:
0x88: {  	s2 =	sld [smem:$0x3FD9]  }
0x89: {  	s3 =	sld [smem:$0x3FFE];
	_ =	sdelay $0x1  }
0x8a: {  	s1 =	srdreg.scid  }
0x8b: {  	s0 =	sand.u32 $0x1, s1  }
0x8c: {  	s16 =	sshll.u32 s0, $0xA;
	s2 =	sadd.s32 s3, s2  }
0x8d: {  	s2 =	sadd.s32 s2, s16  }
0x8e: {  	[smem:$0x3FB9] =	sst s2  }
0x8f: {  	_ = 	snop  }
0x90: {  	(tm) =	ssettm $0x1  }
0x91: {  	s17 =	sld [smem:$0x3FFB];
	_ =	sdelay $0x3  }
0x92: {  	_ =	strace s17  }
0x93: {  	s2 =	sld [smem:$0x3FFC];
	_ =	sdelay $0x3  }
0x94: {  	_ =	strace s2  }
0x95: {  	s2 =	sld [smem:$0x3FFD];
	_ =	sdelay $0x3  }
0x96: {  	_ =	strace s2  }
0x97: {  	_ =	strace $0x8FFFFFFF  }
0x98: {  	s18 =	sld [smem:$0x3FDB];
	_ =	sdelay $0x1  }
0x99: {  	s19 =	simm.s32 $_scs_section_size  }
0x9a: {  	s4 =	simm.s32 $_size__tile_overlayer_lowered;
	s5 =	simm.s32 $_tile_overlayer_lowered  }
0x9b: {  	s22 =	simm.s32 $0x1BFF;
	s21 =	sshll.u32 s5, $0x1;
	s2 =	sadd.s32 s19, s18  }
0x9c: {  	s6 =	simm.s32 $0x0;
	s20 =	sshll.u32 s4, $0x1;
	s4 =	sadd.s32 s21, s2  }
0x9d: {  	[timem:s6], [sflag:s22] =	dma.local [hbm:s4], s20  }
0x9e: {  	_ =	swait.ge [sflag:s22], s20  }
0x9f: {  	s3 =	ssub.s32 $0x0, s20;
	[sflag:s22] =	ssyncset.done $0x0  }
0xa0: {  	[sflag:s22] =	ssyncadd.s32 s3;
	_ =	sdelay $0x1  }
0xa1: {  	s23 =	simm.s32 $0x1B8B  }
0xa2: {  	_ =	swait.ge [sflag:s23], $0x1  }
0xa3: {  	[sflag:s23] =	ssyncset.done $0x0  }
0xa4: {  	s25 =	simm.s32 $0x1B8E;
	s24 =	sld [smem:$0x3FFE];
	[sflag:s23] =	ssyncadd.s32 $0xFFFFFFFF  }
0xa5: {  	s26 =	simm.s32 $execute0_lowered;
	[smem:$0x3FD2] =	sst s25  }
0xa6: {  	s4 =	sshll.u32 s26, $0x1;
	_ =	strace $0x80000049;
	[dreg:$0x1] =	wrdreg $0xFFFFFFFF  }
0xa7: {  	s28 =	simm.s32 $_size_execute0_lowered;
	s2 =	sadd.s32 s2, s4;
	[dreg:$0x0] =	wrdreg $0x0  }
0xa8: {  	s4 =	sshll.u32 s28, $0x1;
	[dreg:$0x2] =	wrdreg s2  }
0xa9: {  	[dreg:$0x3] =	wrdreg s4  }
0xaa: {  	[dreg:$0x4] =	wrdreg $0xC0  }
0xab: {  	_ =	task [dreg:s6], $0x5FFFF  }
0xac: {  	[dreg:$0x1] =	wrdreg $0xFFFFFFFF  }
0xad: {  	[dreg:$0x0] =	wrdreg $0x60  }
0xae: {  	[dreg:$0x2] =	wrdreg s24  }
0xaf: {  	[dreg:$0x3] =	wrdreg $0xA9000  }
0xb0: {  	[dreg:$0x4] =	wrdreg $0x9  }
0xb1: {  	_ =	task.clear_ibuf [dreg:s6], $0x5FFFF;
	_ =	strace $0x90000049  }
0xb2: {  	s29 =	simm.s32 $0x9;
	_ =	strace $0x8000004B  }
0xb3: {  	_ =	swait.ge [sflag:s29], $0x1  }
0xb4: {  	[sflag:s29] =	ssyncadd.s32 $0xFFFFFFFF  }
0xb5: {  	_ =	strace $0x9000004B  }
0xb6: {  	_ =	sfence  }
0xb7: {  	s30 =	sld [smem:$0x0];
	_ =	sdelay $0x2  }
0xb8: {  	s31 =	sshll.u32 s1, $0xD;
	s1 =	sshrl.u32 s1, $0x2  }
0xb9: {  	s3 =	sand.u32 $0x4000, s31;
	s1 =	sadd.s32 s1, s30  }
0xba: {  	s0 =	sor.u32 s3, s0;
	s1 =	sshll.u32 s1, $0x11  }
0xbb: {  	s0 =	sor.u32 s1, s0  }
0xbc: {  	s0 =	sadd.s32 $0x8F2B, s0  }
0xbd: {  	[sflag:s0] =	ssyncadd.remote.s32 $0x1  }
0xbe: {  	_ =	sfence.sel $0xFFFF  }
0xbf: {  	[dreg:$0x0] =	wrdreg $0xFFFFFFFF;
	(pc) =	sbr.abs _section_cstart, $3  }
0xc0: {  	[dreg:$0x1] =	wrdreg $0xFFFFFFFF  }
0xc1: {  	_ =	task.clear_ibuf [dreg:s6], $0x2FFFF;
	_ =	strace $0x9FFFFFFF  }
0xc2: {  	(tm) =	ssettm $0x7FFFFFFF  }
0xc3: {  	_ =	shalt  }
tec
execute0_lowered:
.L_overlay_start_1:
0x0: {  	(tag) =	ssettag $0x1  }
0x1: {  	s0 =	srdreg.scid  }
0x2: {  	s24 =	stileid.u32;
	s6 =	rddreg [dreg:$0x0]  }
0x3: {  	s2 =	rddreg [dreg:$0x1];
	s3 =	simm.s32 $0x0;
	s16 =	simm.s32 $0x2900  }
0x4: {  	s17 =	simm.s32 $0x2800;
	s18 =	simm.s32 $0x2880;
	s7 =	smul.u32 $0x50, s24  }
0x5: {  	s19 =	simm.s32 $0x6900;
	s20 =	simm.s32 $0x1;
	s25 =	smul.u32 $0x13C00, s24  }
0x6: {  	s21 =	simm.s32 $0x3;
	s22 =	simm.s32 $0x2;
	s13 =	smul.u32 $0x4F000, s24  }
0x7: {  	s23 =	simm.s32 $0x4;
	s5 =	sand.u32 $0x1, s0;
	s31 =	smul.u32 $0x500, s24  }
0x8: {  	[smem:$0x7FF] =	sst s3;
	s11 =	sadd.s32 $0xEE00, s6;
	s4 =	smul.u32 $0x500, s5  }
0x9: {  	s29 =	sshll.u32 s24, $0x6;
	s24 =	simm.s32 $0x2780;
	s10 =	smul.u32 $0x13C000, s5  }
0xa: {  	_ =	strace $0x8000004A;
	s26 =	ssub.s32 $0x2, s5;
	s30 =	smul.u32 $0x5000, s5  }
0xb: {  	s12 =	sshrl.u32 s25, $0x3;
	s14 =	sshrl.u32 s26, $0x1;
	s28 =	sshrl.u32 s13, $0x2  }
0xc: {  	s4 =	sadd.s32 s7, s4;
	s7 =	sadd.s32 s25, s10;
	s12 =	sadd.s32 s12, s6  }
0xd: {  	s14 =	ssub.s32 s26, s14;
	s13 =	sadd.s32 s28, s2;
	s25 =	simm.s32 $0x0  }
0xe: {  	s8 =	sshll.u32 s4, $0x4;
	s4 =	sadd.s32 $0x68600, s6;
	s7 =	sshrl.u32 s7, $0x3  }
0xf: {  	s5 =	sadd.s32 $0x19600, s12;
	s13 =	sshrl.u32 s13, $0x3;
	s9 =	sadd.s32 s8, s6  }
0x10: {  	s15 =	sadd.s32 s7, s6;
	s6 =	sor.u32 $0x1C05, s29;
	s8 =	sadd.s32 s11, s8  }
0x11: {  	s11 =	sadd.s32 s30, s11;
	s7 =	sadd.s32 $0x4E00, s9;
	s9 =	sadd.s32 $0x10, s8  }
0x12: {  	s10 =	sadd.s32 $0x8FE00, s15;
	s12 =	sadd.s32 s31, s11;
	s11 =	smax.u32 s14, $0x1  }
0x13: {  	s14 =	simm.s32 $0x5;
	s15 =	simm.s32 $0x80;
	s12 =	sadd.s32 $0x30, s12  }
.LBB2_1:
0x14: {  	[spmem:s13], [sflag:s6] =	dma.local [hbm:s5], $0x2780  }
0x15: {  	_ =	swait.ge [sflag:s14], $0x2780  }
0x16: {  	[sflag:s14] =	ssyncset.done $0x0  }
0x17: {  	[sflag:s14] =	ssyncadd.s32 $0xFFFFD880  }
0x18: {  	[tilespmem:s3], [sflag:$0x5] =	stream.linear.gather [hbm4b:s7+s3], $0x2800, $0x38;
	[tilespmem:$0x1E500] =	vst v63  }
0x19: {  	_ =	swait.ge [sflag:s14], $0x2800  }
0x1a: {  	[sflag:s14] =	ssyncset.done $0x0  }
0x1b: {  	[sflag:s14] =	ssyncadd.s32 $0xFFFFD800  }
0x1c: {  	[bflag:$0x0] =	sbarrier.arrive $0xFFFF  }
0x1d: {  	[tilespmem:s16], [sflag:$0x1] =	stream.indirect.gather [hbm4b:s4+s15], $0x80, s3, s15, $0xb8;
	[tilespmem:$0x1E500] =	vst v63  }
0x1e: {  	_ = 	snop  }
0x1f: {  	[tilespmem:s17], [sflag:$0x3] =	stream.linear.gather [hbm4b:s8+s3], $0x80, $0x38;
	[tilespmem:$0x1E500] =	vst v63  }
0x20: {  	_ = 	snop  }
0x21: {  	[tilespmem:s18], [sflag:$0x4] =	stream.linear.gather [hbm4b:s9+s3], $0x80, $0x38;
	[tilespmem:$0x1E500] =	vst v63  }
0x22: {  	s26 =	simm.s32 $0x80  }
0x23: {  	[tilespmem:s19], [sflag:$0x2] =	stream.indirect.gather [hbm4b:s4+s15], $0x80, s26, s15, $0xb8;
	[tilespmem:$0x1E500] =	vst v63  }
0x24: {  	_ =	swait.ge [sflag:s20], $0x4000  }
0x25: {  	[sflag:s20] =	ssyncset.done $0x0  }
0x26: {  	[sflag:s20] =	ssyncadd.s32 $0xFFFFC000  }
0x27: {  	_ =	swait.ge [sflag:s21], $0x80  }
0x28: {  	[sflag:s21] =	ssyncset.done $0x0  }
0x29: {  	[sflag:s21] =	ssyncadd.s32 $0xFFFFFF80  }
0x2a: {  	[spmem:s2] =	stream.indirect.scatter.add.f32 [tilespmem:s16], [sflag:$0x5], $0x80, s17, s15, $0xb8;
	[tilespmem:$0x1E500] =	vst v63  }
0x2b: {  	_ =	swait.ge [sflag:s14], $0x4000  }
0x2c: {  	[sflag:s14] =	ssyncset.done $0x0  }
0x2d: {  	s1 =	simm.s32 $0x100;
	[sflag:s14] =	ssyncadd.s32 $0xFFFFC000  }
0x2e: {  	[tilespmem:s16], [sflag:$0x1] =	stream.indirect.gather [hbm4b:s4+s15], $0x80, s1, s15, $0xb8;
	[tilespmem:$0x1E500] =	vst v63  }
0x2f: {  	s31 =	sadd.s32 $0xFFFFFFF0, s12  }
0x30: {  	[tilespmem:s17], [sflag:$0x3] =	stream.linear.gather [hbm4b:s31+s3], $0x80, $0x38;
	[tilespmem:$0x1E500] =	vst v63  }
0x31: {  	_ =	swait.ge [sflag:s22], $0x4000  }
0x32: {  	[sflag:s22] =	ssyncset.done $0x0  }
0x33: {  	[sflag:s22] =	ssyncadd.s32 $0xFFFFC000  }
0x34: {  	_ =	swait.ge [sflag:s23], $0x80  }
0x35: {  	[sflag:s23] =	ssyncset.done $0x0  }
0x36: {  	[sflag:s23] =	ssyncadd.s32 $0xFFFFFF80  }
0x37: {  	[spmem:s2] =	stream.indirect.scatter.add.f32 [tilespmem:s19], [sflag:$0x5], $0x80, s18, s15, $0xb8;
	[tilespmem:$0x1E500] =	vst v63  }
0x38: {  	_ =	swait.ge [sflag:s14], $0x4000  }
0x39: {  	s28 =	simm.s32 $0x100;
	s30 =	simm.s32 $0x800;
	[sflag:s14] =	ssyncset.done $0x0  }
0x3a: {  	s29 =	smov.u32 s12;
	s26 =	sadd.s32 $0x20, s12;
	[sflag:s14] =	ssyncadd.s32 $0xFFFFC000  }
.LBB2_2:
0x3b: {  	[tilespmem:s18], [sflag:$0x4] =	stream.linear.gather [hbm4b:s29+s3], $0x80, $0x38;
	[tilespmem:$0x1E500] =	vst v63  }
0x3c: {  	s31 =	smov.u32 s30;
	s29 =	smov.u32 s26  }
0x3d: {  	s1 =	sadd.s32 $0x400, s30;
	s0 =	sadd.s32 $0x80, s28;
	s31 =	sshra.s32 s31, $0x2  }
0x3e: {  	[tilespmem:s19], [sflag:$0x2] =	stream.indirect.gather [hbm4b:s4+s15], $0x80, s0, s15, $0xb8;
	[tilespmem:$0x1E500] =	vst v63  }
0x3f: {  	p0 =	sne.s32 s30, $0x9800;
	_ =	swait.ge [sflag:s20], $0x4000  }
0x40: {  	[sflag:s20] =	ssyncset.done $0x0  }
0x41: {  	[sflag:s20] =	ssyncadd.s32 $0xFFFFC000  }
0x42: {  	_ =	swait.ge [sflag:s21], $0x80  }
0x43: {  	[sflag:s21] =	ssyncset.done $0x0  }
0x44: {  	[sflag:s21] =	ssyncadd.s32 $0xFFFFFF80  }
0x45: {  	[spmem:s2] =	stream.indirect.scatter.add.f32 [tilespmem:s16], [sflag:$0x5], $0x80, s17, s15, $0xb8;
	[tilespmem:$0x1E500] =	vst v63  }
0x46: {  	_ =	swait.ge [sflag:s14], $0x4000  }
0x47: {  	[sflag:s14] =	ssyncset.done $0x0  }
0x48: {  	s0 =	sadd.s32 $0x100, s28;
	s28 =	smov.u32 s31;
	[sflag:s14] =	ssyncadd.s32 $0xFFFFC000  }
0x49: {  	[tilespmem:s16], [sflag:$0x1] =	stream.indirect.gather [hbm4b:s4+s15], $0x80, s0, s15, $0xb8;
	[tilespmem:$0x1E500] =	vst v63  }
0x4a: {  	s0 =	sadd.s32 $0xFFFFFFF0, s26  }
0x4b: {  	[tilespmem:s17], [sflag:$0x3] =	stream.linear.gather [hbm4b:s0+s3], $0x80, $0x38;
	[tilespmem:$0x1E500] =	vst v63  }
0x4c: {  	_ =	swait.ge [sflag:s22], $0x4000  }
0x4d: {  	[sflag:s22] =	ssyncset.done $0x0  }
0x4e: {  	[sflag:s22] =	ssyncadd.s32 $0xFFFFC000  }
0x4f: {  	_ =	swait.ge [sflag:s23], $0x80  }
0x50: {  	[sflag:s23] =	ssyncset.done $0x0  }
.Ltmp0:
0x51: {  	[sflag:s23] =	ssyncadd.s32 $0xFFFFFF80;
	(pc) =	sbr.rel @p0 .LBB2_2-.Ltmp0, $4  }
0x52: {  	[spmem:s2] =	stream.indirect.scatter.add.f32 [tilespmem:s19], [sflag:$0x5], $0x80, s18, s15, $0xb8;
	[tilespmem:$0x1E500] =	vst v63  }
0x53: {  	_ =	swait.ge [sflag:s14], $0x4000  }
0x54: {  	[sflag:s14] =	ssyncset.done $0x0  }
0x55: {  	s30 =	smov.u32 s1;
	s26 =	sadd.s32 $0x20, s26;
	[sflag:s14] =	ssyncadd.s32 $0xFFFFC000  }
0x56: {  	[tilespmem:s18], [sflag:$0x4] =	stream.linear.gather [hbm4b:s29+s3], $0x80, $0x38;
	[tilespmem:$0x1E500] =	vst v63  }
0x57: {  	s0 =	sadd.s32 $0x80, s28  }
0x58: {  	[tilespmem:s19], [sflag:$0x2] =	stream.indirect.gather [hbm4b:s4+s15], $0x80, s0, s15, $0xb8;
	[tilespmem:$0x1E500] =	vst v63  }
0x59: {  	_ =	swait.ge [sflag:s20], $0x4000  }
0x5a: {  	[sflag:s20] =	ssyncset.done $0x0  }
0x5b: {  	[sflag:s20] =	ssyncadd.s32 $0xFFFFC000  }
0x5c: {  	_ =	swait.ge [sflag:s21], $0x80  }
0x5d: {  	[sflag:s21] =	ssyncset.done $0x0  }
0x5e: {  	[sflag:s21] =	ssyncadd.s32 $0xFFFFFF80  }
0x5f: {  	[spmem:s2] =	stream.indirect.scatter.add.f32 [tilespmem:s16], [sflag:$0x5], $0x80, s17, s15, $0xb8;
	[tilespmem:$0x1E500] =	vst v63  }
0x60: {  	_ =	swait.ge [sflag:s14], $0x4000  }
0x61: {  	[sflag:s14] =	ssyncset.done $0x0  }
0x62: {  	s30 =	sadd.s32 $0x100, s28;
	[sflag:s14] =	ssyncadd.s32 $0xFFFFC000  }
0x63: {  	[tilespmem:s16], [sflag:$0x1] =	stream.indirect.gather [hbm4b:s4+s15], $0x80, s30, s15, $0xb8;
	[tilespmem:$0x1E500] =	vst v63  }
0x64: {  	s31 =	sadd.s32 $0xFFFFFFF0, s26  }
0x65: {  	[tilespmem:s17], [sflag:$0x3] =	stream.linear.gather [hbm4b:s31+s3], $0x80, $0x38;
	[tilespmem:$0x1E500] =	vst v63  }
0x66: {  	_ =	swait.ge [sflag:s22], $0x4000  }
0x67: {  	[sflag:s22] =	ssyncset.done $0x0  }
0x68: {  	[sflag:s22] =	ssyncadd.s32 $0xFFFFC000  }
0x69: {  	_ =	swait.ge [sflag:s23], $0x80  }
0x6a: {  	[sflag:s23] =	ssyncset.done $0x0  }
0x6b: {  	[sflag:s23] =	ssyncadd.s32 $0xFFFFFF80  }
0x6c: {  	[spmem:s2] =	stream.indirect.scatter.add.f32 [tilespmem:s19], [sflag:$0x5], $0x80, s18, s15, $0xb8;
	[tilespmem:$0x1E500] =	vst v63  }
0x6d: {  	_ =	swait.ge [sflag:s14], $0x4000  }
0x6e: {  	[sflag:s14] =	ssyncset.done $0x0  }
0x6f: {  	[sflag:s14] =	ssyncadd.s32 $0xFFFFC000  }
0x70: {  	[tilespmem:s18], [sflag:$0x4] =	stream.linear.gather [hbm4b:s26+s3], $0x80, $0x38;
	[tilespmem:$0x1E500] =	vst v63  }
0x71: {  	_ = 	snop  }
0x72: {  	[tilespmem:s19], [sflag:$0x2] =	stream.indirect.gather [hbm4b:s4+s15], $0x80, s24, s15, $0xb8;
	[tilespmem:$0x1E500] =	vst v63  }
0x73: {  	_ =	swait.ge [sflag:s20], $0x4000  }
0x74: {  	[sflag:s20] =	ssyncset.done $0x0  }
0x75: {  	[sflag:s20] =	ssyncadd.s32 $0xFFFFC000  }
0x76: {  	_ =	swait.ge [sflag:s21], $0x80  }
0x77: {  	[sflag:s21] =	ssyncset.done $0x0  }
0x78: {  	[sflag:s21] =	ssyncadd.s32 $0xFFFFFF80  }
0x79: {  	[spmem:s2] =	stream.indirect.scatter.add.f32 [tilespmem:s16], [sflag:$0x5], $0x80, s17, s15, $0xb8;
	[tilespmem:$0x1E500] =	vst v63  }
0x7a: {  	_ =	swait.ge [sflag:s14], $0x4000  }
0x7b: {  	[sflag:s14] =	ssyncset.done $0x0  }
0x7c: {  	[sflag:s14] =	ssyncadd.s32 $0xFFFFC000  }
0x7d: {  	_ =	swait.ge [sflag:s22], $0x4000  }
0x7e: {  	[sflag:s22] =	ssyncset.done $0x0  }
0x7f: {  	[sflag:s22] =	ssyncadd.s32 $0xFFFFC000  }
0x80: {  	_ =	swait.ge [sflag:s23], $0x80  }
0x81: {  	[sflag:s23] =	ssyncset.done $0x0  }
0x82: {  	[sflag:s23] =	ssyncadd.s32 $0xFFFFFF80  }
0x83: {  	[spmem:s2] =	stream.indirect.scatter.add.f32 [tilespmem:s19], [sflag:$0x5], $0x80, s18, s15, $0xb8;
	[tilespmem:$0x1E500] =	vst v63  }
0x84: {  	_ =	swait.ge [sflag:s14], $0x4000  }
0x85: {  	s25 =	sadd.s32 $0x1, s25;
	[sflag:s14] =	ssyncset.done $0x0  }
0x86: {  	p0 =	sne.s32 s25, s11;
	[sflag:s14] =	ssyncadd.s32 $0xFFFFC000  }
.Ltmp1:
0x87: {  	[bflag:$0x0] =	sbarrier.arrive $0xFFFF;
	(pc) =	sbr.rel @p0 .LBB2_1-.Ltmp1, $4  }
0x88: {  	[hbm:s10], [sflag:s6] =	dma.local [spmem:s13], $0x2780  }
0x89: {  	_ =	swait.ge [sflag:s14], $0x2780  }
0x8a: {  	[sflag:s14] =	ssyncset.done $0x0  }
0x8b: {  	[sflag:s14] =	ssyncadd.s32 $0xFFFFD880  }
0x8c: {  	_ =	sfence.sel $0x180000  }
0x8d: {  	[bflag:$0x0] =	sbarrier.arrive $0xFFFF  }
0x8e: {  	_ =	strace $0x9000004A  }
0x8f: {  	s0 =	stileid.u32;
	[bflag:$0x2] =	sbarrier.arrive $0xFFFF  }
0x90: {  	p0 =	sne.s32 s0, $0x0;
	s0 =	rddreg [dreg:$0x2]  }
0x91: {  	s0 =	sadd.s32 @!p0 $0x100000, s0  }
0x92: {  	[sflag:s0] =	ssyncadd.tile.s32 @!p0 $0x1;
	_ =	shalt  }
.Lfunc_end2:
_tile_overlayer_lowered:
.L_overlay_start_2:
0x93: {  	(tag) =	ssettag $0x2  }
0x94: {  	s0 =	rddreg [dreg:$0x0];
	s2 =	stileid.u32  }
0x95: {  	s1 =	rddreg [dreg:$0x1];
	p0 =	sne.s32 s2, $0x0  }
0x96: {  	s3 =	rddreg [dreg:$0x2];
	[bflag:$0x3] =	sbarrier.arrive $0xFFFF;
	s2 =	simm.s32 @!p0 $0x1C05  }
0x97: {  	[timem:s3], [sflag:s2] =	dma.local @!p0 [hbm:s0], s1  }
0x98: {  	s0 =	simm.s32 @!p0 $0x5  }
0x99: {  	_ =	swait.ge @!p0 [sflag:s0], s1  }
0x9a: {  	s1 =	ssub.s32 @!p0 $0x0, s1;
	[sflag:s0] =	ssyncset.done @!p0 $0x0  }
0x9b: {  	[sflag:s0] =	ssyncadd.s32 @!p0 s1  }
0x9c: {  	[bflag:$0x3] =	sbarrier.arrive $0xFFFF  }
0x9d: {  	_ =	shalt  }

// kernel: kernel.17.cloned.1.call-start
scs
__scs_entry_jumppad:
0x0: {  	(pc) =	sbr.rel $0x88, $3  }
0x1: {  	(tag) =	ssettag $0x0;
	lr =	simm.s32 $0x1  }
0x2: {  	[smem:$0x3F92] =	sst lr;
	_ =	strace $0xD0000000  }
0x3: {  	_ = 	snop  }
0x4: {  	_ = 	snop  }
0x5: {  	_ = 	snop  }
0x6: {  	_ = 	snop  }
0x7: {  	_ = 	snop  }
__scs_overlays_trampoline_lowered:
0x8: {  	[smem:$0x3FA1] =	sst s0  }
0x9: {  	[smem:$0x3FA2] =	sst s1  }
0xa: {  	[smem:$0x3FA3] =	sst s2  }
0xb: {  	[smem:$0x3FA4] =	sst s3  }
0xc: {  	[smem:$0x3FA5] =	sst s4  }
0xd: {  	[smem:$0x3FA6] =	sst s5  }
0xe: {  	[smem:$0x3FA7] =	sst s6  }
0xf: {  	[smem:$0x3FA8] =	sst s7  }
0x10: {  	[smem:$0x3FA9] =	sst s8  }
0x11: {  	[smem:$0x3FAA] =	sst s9;
	s0 =	simm.s32 @!p0 $0x0  }
0x12: {  	s1 =	sld [smem:$0x3F90];
	s0 =	simm.s32 @p0 $0x1  }
0x13: {  	[smem:$0x3FAB] =	sst s0;
	s0 =	simm.s32 @!p1 $0x0  }
0x14: {  	s2 =	sld [smem:$0x3F8F];
	s0 =	simm.s32 @p1 $0x1  }
0x15: {  	[smem:$0x3FAC] =	sst s0;
	s0 =	simm.s32 @!p2 $0x0  }
0x16: {  	s3 =	sld [smem:$0x3FDB];
	s0 =	simm.s32 @p2 $0x1  }
0x17: {  	s4 =	simm.s32 $0x1BF5;
	[smem:$0x3FAE] =	sst s0  }
0x18: {  	s0 =	sld [smem:$0x3F91];
	_ =	swait.ge [sflag:s4], $0x0  }
0x19: {  	s7 =	sld [smem:$0x3F92]  }
0x1a: {  	s8 =	sadd.s32 $0xFFFFE003, lr  }
0x1b: {  	s9 =	sadd.s32 $0xFFFFFEF7, lr;
	s5 =	simm.s32 $0xFFFFFFFF;
	p2 =	slt.u32 s8, $0xFFFFF086  }
0x1c: {  	p1 =	slt.u32 s9, $0xF7A;
	s5 =	simm.s32 @!p2 $0x0  }
0x1d: {  	s5 =	simm.s32 @p1 $0x1;
	p0 =	seq.s32 s7, s2  }
0x1e: {  	s7 =	smul.u32 @!p0 $0xF7A, s2;
	p2 =	seq.s32 @!p0 s5, $0x0  }
0x1f: {  	s9 =	smul.u32 $0xF7A, s1;
	s8 =	simm.s32 @!p0 $0x1BF5;
	p2 =	por !p2, p0  }
0x20: {  	[sflag:s8] =	ssyncset.s32 @!p0 $0xFFFFF086;
	s6 =	sadd.s32 @!p0 s3, s7;
	s7 =	simm.s32 @!p0 $0x108  }
0x21: {  	s3 =	sadd.s32 s3, s9;
	s6 =	sadd.s32 @!p0 $0x88, s6;
	s7 =	simm.s32 @p2 $0x1082  }
0x22: {  	[simem:s7], [sflag:s8] =	dma.local @!p0 [hbm:s6], $0xF7A  }
0x23: {  	s9 =	sor.u32 $0xD0000000, s2;
	s6 =	simm.s32 $0x108;
	_ =	swait.ge @!p0 [sflag:s8], $0x0  }
0x24: {  	s3 =	sadd.s32 $0x88, s3;
	s6 =	simm.s32 @!p1 $0x1082;
	[sflag:s4] =	ssyncset.s32 $0xFFFFF086  }
0x25: {  	[simem:s6], [sflag:s4] =	dma.local [hbm:s3], $0xF7A  }
0x26: {  	[smem:$0x3F92] =	sst s1;
	(tag) =	ssettag s2;
	_ =	strace s9  }
0x27: {  	s1 =	sld [smem:$0x3FA2]  }
0x28: {  	s2 =	sld [smem:$0x3FA3]  }
0x29: {  	s4 =	sld [smem:$0x3FA5]  }
0x2a: {  	p0 =	seq.s32 s5, $0x0;
	s5 =	sld [smem:$0x3FA6]  }
0x2b: {  	s6 =	sld [smem:$0x3FA7]  }
0x2c: {  	s7 =	sld [smem:$0x3FA8]  }
0x2d: {  	s3 =	simm.s32 $0x108;
	s8 =	sld [smem:$0x3FA9]  }
0x2e: {  	s3 =	simm.s32 @!p0 $0x1082;
	s9 =	sld [smem:$0x3FAA]  }
0x2f: {  	lr =	sadd.s32 s0, s3;
	s0 =	sld [smem:$0x3FA1]  }
0x30: {  	s3 =	sld [smem:$0x3FA4]  }
0x31: {  	[smem:$0x3FAD] =	sst s10  }
0x32: {  	s10 =	sld [smem:$0x3FAB];
	_ =	sdelay $0x3  }
0x33: {  	p0 =	seq.s32 s10, $0x1;
	s10 =	sld [smem:$0x3FAD];
	_ =	sdelay $0x3  }
0x34: {  	[smem:$0x3FAD] =	sst s10  }
0x35: {  	s10 =	sld [smem:$0x3FAC];
	_ =	sdelay $0x3  }
0x36: {  	p1 =	seq.s32 s10, $0x1;
	s10 =	sld [smem:$0x3FAD];
	_ =	sdelay $0x3  }
0x37: {  	[smem:$0x3FAD] =	sst s10  }
0x38: {  	s10 =	sld [smem:$0x3FAE]  }
0x39: {  	_ = 	snop;
	(pc) =	sbr.ind lr, $3  }
0x3a: {  	_ = 	snop  }
0x3b: {  	_ = 	snop  }
0x3c: {  	p2 =	seq.s32 s10, $0x1;
	s10 =	sld [smem:$0x3FAD]  }
0x3d: {  	_ =	shalt  }
0x3e: {  	_ =	shalt  }
0x3f: {  	_ =	shalt  }
0x40: {  	_ =	shalt  }
0x41: {  	_ =	shalt  }
0x42: {  	_ =	shalt  }
0x43: {  	_ =	shalt  }
0x44: {  	_ =	shalt  }
0x45: {  	_ =	shalt  }
0x46: {  	_ =	shalt  }
0x47: {  	_ =	shalt  }
0x48: {  	_ =	shalt  }
0x49: {  	_ =	shalt  }
0x4a: {  	_ =	shalt  }
0x4b: {  	_ =	shalt  }
0x4c: {  	_ =	shalt  }
0x4d: {  	_ =	shalt  }
0x4e: {  	_ =	shalt  }
0x4f: {  	_ =	shalt  }
0x50: {  	_ =	shalt  }
0x51: {  	_ =	shalt  }
0x52: {  	_ =	shalt  }
0x53: {  	_ =	shalt  }
0x54: {  	_ =	shalt  }
0x55: {  	_ =	shalt  }
0x56: {  	_ =	shalt  }
0x57: {  	_ =	shalt  }
0x58: {  	_ =	shalt  }
0x59: {  	_ =	shalt  }
0x5a: {  	_ =	shalt  }
0x5b: {  	_ =	shalt  }
0x5c: {  	_ =	shalt  }
0x5d: {  	_ =	shalt  }
0x5e: {  	_ =	shalt  }
0x5f: {  	_ =	shalt  }
0x60: {  	_ =	shalt  }
0x61: {  	_ =	shalt  }
0x62: {  	_ =	shalt  }
0x63: {  	_ =	shalt  }
0x64: {  	_ =	shalt  }
0x65: {  	_ =	shalt  }
0x66: {  	_ =	shalt  }
0x67: {  	_ =	shalt  }
0x68: {  	_ =	shalt  }
0x69: {  	_ =	shalt  }
0x6a: {  	_ =	shalt  }
0x6b: {  	_ =	shalt  }
0x6c: {  	_ =	shalt  }
0x6d: {  	_ =	shalt  }
0x6e: {  	_ =	shalt  }
0x6f: {  	_ =	shalt  }
0x70: {  	_ =	shalt  }
0x71: {  	_ =	shalt  }
0x72: {  	_ =	shalt  }
0x73: {  	_ =	shalt  }
0x74: {  	_ =	shalt  }
0x75: {  	_ =	shalt  }
0x76: {  	_ =	shalt  }
0x77: {  	_ =	shalt  }
0x78: {  	_ =	shalt  }
0x79: {  	_ =	shalt  }
0x7a: {  	_ =	shalt  }
0x7b: {  	_ =	shalt  }
0x7c: {  	_ =	shalt  }
0x7d: {  	_ =	shalt  }
0x7e: {  	_ =	shalt  }
0x7f: {  	_ =	shalt  }
0x80: {  	_ =	shalt  }
0x81: {  	_ =	shalt  }
0x82: {  	_ =	shalt  }
0x83: {  	_ =	shalt  }
0x84: {  	_ =	shalt  }
0x85: {  	_ =	shalt  }
0x86: {  	_ =	shalt  }
0x87: {  	_ =	shalt  }
.Lfunc_end0:
.L_simem_size_0:
called_computation.2_lowered:
.L_overlay_start_0:
0x88: {  	s2 =	sld [smem:$0x3FD9]  }
0x89: {  	s3 =	sld [smem:$0x3FFE];
	_ =	sdelay $0x1  }
0x8a: {  	s1 =	srdreg.scid  }
0x8b: {  	s0 =	sand.u32 $0x1, s1  }
0x8c: {  	s16 =	sshll.u32 s0, $0xA;
	s2 =	sadd.s32 s3, s2  }
0x8d: {  	s2 =	sadd.s32 s2, s16  }
0x8e: {  	[smem:$0x3FB9] =	sst s2  }
0x8f: {  	_ = 	snop  }
0x90: {  	(tm) =	ssettm $0x1  }
0x91: {  	s17 =	sld [smem:$0x3FFB];
	_ =	sdelay $0x3  }
0x92: {  	_ =	strace s17  }
0x93: {  	s2 =	sld [smem:$0x3FFC];
	_ =	sdelay $0x3  }
0x94: {  	_ =	strace s2  }
0x95: {  	s2 =	sld [smem:$0x3FFD];
	_ =	sdelay $0x3  }
0x96: {  	_ =	strace s2  }
0x97: {  	_ =	strace $0x8FFFFFFF  }
0x98: {  	s18 =	sld [smem:$0x3FDB];
	_ =	sdelay $0x1  }
0x99: {  	s19 =	simm.s32 $_scs_section_size  }
0x9a: {  	s4 =	simm.s32 $_size__tile_overlayer_lowered;
	s5 =	simm.s32 $_tile_overlayer_lowered  }
0x9b: {  	s22 =	simm.s32 $0x1BFF;
	s21 =	sshll.u32 s5, $0x1;
	s2 =	sadd.s32 s19, s18  }
0x9c: {  	s6 =	simm.s32 $0x0;
	s20 =	sshll.u32 s4, $0x1;
	s4 =	sadd.s32 s21, s2  }
0x9d: {  	[timem:s6], [sflag:s22] =	dma.local [hbm:s4], s20  }
0x9e: {  	_ =	swait.ge [sflag:s22], s20  }
0x9f: {  	s3 =	ssub.s32 $0x0, s20;
	[sflag:s22] =	ssyncset.done $0x0  }
0xa0: {  	[sflag:s22] =	ssyncadd.s32 s3;
	_ =	sdelay $0x1  }
0xa1: {  	s23 =	simm.s32 $0x1B8B  }
0xa2: {  	_ =	swait.ge [sflag:s23], $0x1  }
0xa3: {  	[sflag:s23] =	ssyncset.done $0x0  }
0xa4: {  	s25 =	simm.s32 $0x1B8E;
	s24 =	sld [smem:$0x3FFE];
	[sflag:s23] =	ssyncadd.s32 $0xFFFFFFFF  }
0xa5: {  	s26 =	simm.s32 $execute0_lowered;
	[smem:$0x3FD2] =	sst s25  }
0xa6: {  	s4 =	sshll.u32 s26, $0x1;
	_ =	strace $0x8000004C;
	[dreg:$0x1] =	wrdreg $0xFFFFFFFF  }
0xa7: {  	s28 =	simm.s32 $_size_execute0_lowered;
	s2 =	sadd.s32 s2, s4;
	[dreg:$0x0] =	wrdreg $0x0  }
0xa8: {  	s4 =	sshll.u32 s28, $0x1;
	[dreg:$0x2] =	wrdreg s2  }
0xa9: {  	[dreg:$0x3] =	wrdreg s4  }
0xaa: {  	[dreg:$0x4] =	wrdreg $0xC0  }
0xab: {  	_ =	task [dreg:s6], $0x5FFFF  }
0xac: {  	[dreg:$0x1] =	wrdreg $0xFFFFFFFF  }
0xad: {  	[dreg:$0x0] =	wrdreg $0x60  }
0xae: {  	[dreg:$0x2] =	wrdreg s24  }
0xaf: {  	[dreg:$0x3] =	wrdreg $0xA9000  }
0xb0: {  	[dreg:$0x4] =	wrdreg $0x9  }
0xb1: {  	_ =	task.clear_ibuf [dreg:s6], $0x5FFFF;
	_ =	strace $0x9000004C  }
0xb2: {  	s29 =	simm.s32 $0x9;
	_ =	strace $0x8000004E  }
0xb3: {  	_ =	swait.ge [sflag:s29], $0x1  }
0xb4: {  	[sflag:s29] =	ssyncadd.s32 $0xFFFFFFFF  }
0xb5: {  	_ =	strace $0x9000004E  }
0xb6: {  	_ =	sfence  }
0xb7: {  	s30 =	sld [smem:$0x0];
	_ =	sdelay $0x2  }
0xb8: {  	s31 =	sshll.u32 s1, $0xD;
	s1 =	sshrl.u32 s1, $0x2  }
0xb9: {  	s3 =	sand.u32 $0x4000, s31;
	s1 =	sadd.s32 s1, s30  }
0xba: {  	s0 =	sor.u32 s3, s0;
	s1 =	sshll.u32 s1, $0x11  }
0xbb: {  	s0 =	sor.u32 s1, s0  }
0xbc: {  	s0 =	sadd.s32 $0x8F2B, s0  }
0xbd: {  	[sflag:s0] =	ssyncadd.remote.s32 $0x1  }
0xbe: {  	_ =	sfence.sel $0xFFFF  }
0xbf: {  	[dreg:$0x0] =	wrdreg $0xFFFFFFFF;
	(pc) =	sbr.abs _section_cstart, $3  }
0xc0: {  	[dreg:$0x1] =	wrdreg $0xFFFFFFFF  }
0xc1: {  	_ =	task.clear_ibuf [dreg:s6], $0x2FFFF;
	_ =	strace $0x9FFFFFFF  }
0xc2: {  	(tm) =	ssettm $0x7FFFFFFF  }
0xc3: {  	_ =	shalt  }
tec
execute0_lowered:
.L_overlay_start_1:
0x0: {  	(tag) =	ssettag $0x1  }
0x1: {  	s0 =	srdreg.scid  }
0x2: {  	s24 =	stileid.u32;
	s6 =	rddreg [dreg:$0x0]  }
0x3: {  	s2 =	rddreg [dreg:$0x1];
	s3 =	simm.s32 $0x0;
	s16 =	simm.s32 $0x2900  }
0x4: {  	s17 =	simm.s32 $0x2800;
	s18 =	simm.s32 $0x2880;
	s7 =	smul.u32 $0x50, s24  }
0x5: {  	s19 =	simm.s32 $0x6900;
	s20 =	simm.s32 $0x1;
	s25 =	smul.u32 $0x13C00, s24  }
0x6: {  	s21 =	simm.s32 $0x3;
	s22 =	simm.s32 $0x2;
	s13 =	smul.u32 $0x4F000, s24  }
0x7: {  	s23 =	simm.s32 $0x4;
	s5 =	sand.u32 $0x1, s0;
	s31 =	smul.u32 $0x500, s24  }
0x8: {  	[smem:$0x7FF] =	sst s3;
	s11 =	sadd.s32 $0xEE00, s6;
	s4 =	smul.u32 $0x500, s5  }
0x9: {  	s29 =	sshll.u32 s24, $0x6;
	s24 =	simm.s32 $0x2780;
	s10 =	smul.u32 $0x13C000, s5  }
0xa: {  	_ =	strace $0x8000004D;
	s26 =	ssub.s32 $0x2, s5;
	s30 =	smul.u32 $0x5000, s5  }
0xb: {  	s12 =	sshrl.u32 s25, $0x3;
	s14 =	sshrl.u32 s26, $0x1;
	s28 =	sshrl.u32 s13, $0x2  }
0xc: {  	s4 =	sadd.s32 s7, s4;
	s7 =	sadd.s32 s25, s10;
	s12 =	sadd.s32 s12, s6  }
0xd: {  	s14 =	ssub.s32 s26, s14;
	s13 =	sadd.s32 s28, s2;
	s25 =	simm.s32 $0x0  }
0xe: {  	s8 =	sshll.u32 s4, $0x4;
	s4 =	sadd.s32 $0x68600, s6;
	s7 =	sshrl.u32 s7, $0x3  }
0xf: {  	s5 =	sadd.s32 $0x19600, s12;
	s13 =	sshrl.u32 s13, $0x3;
	s9 =	sadd.s32 s8, s6  }
0x10: {  	s15 =	sadd.s32 s7, s6;
	s6 =	sor.u32 $0x1C05, s29;
	s8 =	sadd.s32 s11, s8  }
0x11: {  	s11 =	sadd.s32 s30, s11;
	s7 =	sadd.s32 $0x4E00, s9;
	s9 =	sadd.s32 $0x10, s8  }
0x12: {  	s10 =	sadd.s32 $0x8FE00, s15;
	s12 =	sadd.s32 s31, s11;
	s11 =	smax.u32 s14, $0x1  }
0x13: {  	s14 =	simm.s32 $0x5;
	s15 =	simm.s32 $0x80;
	s12 =	sadd.s32 $0x30, s12  }
.LBB2_1:
0x14: {  	[spmem:s13], [sflag:s6] =	dma.local [hbm:s5], $0x2780  }
0x15: {  	_ =	swait.ge [sflag:s14], $0x2780  }
0x16: {  	[sflag:s14] =	ssyncset.done $0x0  }
0x17: {  	[sflag:s14] =	ssyncadd.s32 $0xFFFFD880  }
0x18: {  	[tilespmem:s3], [sflag:$0x5] =	stream.linear.gather [hbm4b:s7+s3], $0x2800, $0x38;
	[tilespmem:$0x1E500] =	vst v63  }
0x19: {  	_ =	swait.ge [sflag:s14], $0x2800  }
0x1a: {  	[sflag:s14] =	ssyncset.done $0x0  }
0x1b: {  	[sflag:s14] =	ssyncadd.s32 $0xFFFFD800  }
0x1c: {  	[bflag:$0x0] =	sbarrier.arrive $0xFFFF  }
0x1d: {  	[tilespmem:s16], [sflag:$0x1] =	stream.indirect.gather [hbm4b:s4+s15], $0x80, s3, s15, $0xb8;
	[tilespmem:$0x1E500] =	vst v63  }
0x1e: {  	_ = 	snop  }
0x1f: {  	[tilespmem:s17], [sflag:$0x3] =	stream.linear.gather [hbm4b:s8+s3], $0x80, $0x38;
	[tilespmem:$0x1E500] =	vst v63  }
0x20: {  	_ = 	snop  }
0x21: {  	[tilespmem:s18], [sflag:$0x4] =	stream.linear.gather [hbm4b:s9+s3], $0x80, $0x38;
	[tilespmem:$0x1E500] =	vst v63  }
0x22: {  	s26 =	simm.s32 $0x80  }
0x23: {  	[tilespmem:s19], [sflag:$0x2] =	stream.indirect.gather [hbm4b:s4+s15], $0x80, s26, s15, $0xb8;
	[tilespmem:$0x1E500] =	vst v63  }
0x24: {  	_ =	swait.ge [sflag:s20], $0x4000  }
0x25: {  	[sflag:s20] =	ssyncset.done $0x0  }
0x26: {  	[sflag:s20] =	ssyncadd.s32 $0xFFFFC000  }
0x27: {  	_ =	swait.ge [sflag:s21], $0x80  }
0x28: {  	[sflag:s21] =	ssyncset.done $0x0  }
0x29: {  	[sflag:s21] =	ssyncadd.s32 $0xFFFFFF80  }
0x2a: {  	[spmem:s2] =	stream.indirect.scatter.add.f32 [tilespmem:s16], [sflag:$0x5], $0x80, s17, s15, $0xb8;
	[tilespmem:$0x1E500] =	vst v63  }
0x2b: {  	_ =	swait.ge [sflag:s14], $0x4000  }
0x2c: {  	[sflag:s14] =	ssyncset.done $0x0  }
0x2d: {  	s1 =	simm.s32 $0x100;
	[sflag:s14] =	ssyncadd.s32 $0xFFFFC000  }
0x2e: {  	[tilespmem:s16], [sflag:$0x1] =	stream.indirect.gather [hbm4b:s4+s15], $0x80, s1, s15, $0xb8;
	[tilespmem:$0x1E500] =	vst v63  }
0x2f: {  	s31 =	sadd.s32 $0xFFFFFFF0, s12  }
0x30: {  	[tilespmem:s17], [sflag:$0x3] =	stream.linear.gather [hbm4b:s31+s3], $0x80, $0x38;
	[tilespmem:$0x1E500] =	vst v63  }
0x31: {  	_ =	swait.ge [sflag:s22], $0x4000  }
0x32: {  	[sflag:s22] =	ssyncset.done $0x0  }
0x33: {  	[sflag:s22] =	ssyncadd.s32 $0xFFFFC000  }
0x34: {  	_ =	swait.ge [sflag:s23], $0x80  }
0x35: {  	[sflag:s23] =	ssyncset.done $0x0  }
0x36: {  	[sflag:s23] =	ssyncadd.s32 $0xFFFFFF80  }
0x37: {  	[spmem:s2] =	stream.indirect.scatter.add.f32 [tilespmem:s19], [sflag:$0x5], $0x80, s18, s15, $0xb8;
	[tilespmem:$0x1E500] =	vst v63  }
0x38: {  	_ =	swait.ge [sflag:s14], $0x4000  }
0x39: {  	s28 =	simm.s32 $0x100;
	s30 =	simm.s32 $0x800;
	[sflag:s14] =	ssyncset.done $0x0  }
0x3a: {  	s29 =	smov.u32 s12;
	s26 =	sadd.s32 $0x20, s12;
	[sflag:s14] =	ssyncadd.s32 $0xFFFFC000  }
.LBB2_2:
0x3b: {  	[tilespmem:s18], [sflag:$0x4] =	stream.linear.gather [hbm4b:s29+s3], $0x80, $0x38;
	[tilespmem:$0x1E500] =	vst v63  }
0x3c: {  	s31 =	smov.u32 s30;
	s29 =	smov.u32 s26  }
0x3d: {  	s1 =	sadd.s32 $0x400, s30;
	s0 =	sadd.s32 $0x80, s28;
	s31 =	sshra.s32 s31, $0x2  }
0x3e: {  	[tilespmem:s19], [sflag:$0x2] =	stream.indirect.gather [hbm4b:s4+s15], $0x80, s0, s15, $0xb8;
	[tilespmem:$0x1E500] =	vst v63  }
0x3f: {  	p0 =	sne.s32 s30, $0x9800;
	_ =	swait.ge [sflag:s20], $0x4000  }
0x40: {  	[sflag:s20] =	ssyncset.done $0x0  }
0x41: {  	[sflag:s20] =	ssyncadd.s32 $0xFFFFC000  }
0x42: {  	_ =	swait.ge [sflag:s21], $0x80  }
0x43: {  	[sflag:s21] =	ssyncset.done $0x0  }
0x44: {  	[sflag:s21] =	ssyncadd.s32 $0xFFFFFF80  }
0x45: {  	[spmem:s2] =	stream.indirect.scatter.add.f32 [tilespmem:s16], [sflag:$0x5], $0x80, s17, s15, $0xb8;
	[tilespmem:$0x1E500] =	vst v63  }
0x46: {  	_ =	swait.ge [sflag:s14], $0x4000  }
0x47: {  	[sflag:s14] =	ssyncset.done $0x0  }
0x48: {  	s0 =	sadd.s32 $0x100, s28;
	s28 =	smov.u32 s31;
	[sflag:s14] =	ssyncadd.s32 $0xFFFFC000  }
0x49: {  	[tilespmem:s16], [sflag:$0x1] =	stream.indirect.gather [hbm4b:s4+s15], $0x80, s0, s15, $0xb8;
	[tilespmem:$0x1E500] =	vst v63  }
0x4a: {  	s0 =	sadd.s32 $0xFFFFFFF0, s26  }
0x4b: {  	[tilespmem:s17], [sflag:$0x3] =	stream.linear.gather [hbm4b:s0+s3], $0x80, $0x38;
	[tilespmem:$0x1E500] =	vst v63  }
0x4c: {  	_ =	swait.ge [sflag:s22], $0x4000  }
0x4d: {  	[sflag:s22] =	ssyncset.done $0x0  }
0x4e: {  	[sflag:s22] =	ssyncadd.s32 $0xFFFFC000  }
0x4f: {  	_ =	swait.ge [sflag:s23], $0x80  }
0x50: {  	[sflag:s23] =	ssyncset.done $0x0  }
.Ltmp0:
0x51: {  	[sflag:s23] =	ssyncadd.s32 $0xFFFFFF80;
	(pc) =	sbr.rel @p0 .LBB2_2-.Ltmp0, $4  }
0x52: {  	[spmem:s2] =	stream.indirect.scatter.add.f32 [tilespmem:s19], [sflag:$0x5], $0x80, s18, s15, $0xb8;
	[tilespmem:$0x1E500] =	vst v63  }
0x53: {  	_ =	swait.ge [sflag:s14], $0x4000  }
0x54: {  	[sflag:s14] =	ssyncset.done $0x0  }
0x55: {  	s30 =	smov.u32 s1;
	s26 =	sadd.s32 $0x20, s26;
	[sflag:s14] =	ssyncadd.s32 $0xFFFFC000  }
0x56: {  	[tilespmem:s18], [sflag:$0x4] =	stream.linear.gather [hbm4b:s29+s3], $0x80, $0x38;
	[tilespmem:$0x1E500] =	vst v63  }
0x57: {  	s0 =	sadd.s32 $0x80, s28  }
0x58: {  	[tilespmem:s19], [sflag:$0x2] =	stream.indirect.gather [hbm4b:s4+s15], $0x80, s0, s15, $0xb8;
	[tilespmem:$0x1E500] =	vst v63  }
0x59: {  	_ =	swait.ge [sflag:s20], $0x4000  }
0x5a: {  	[sflag:s20] =	ssyncset.done $0x0  }
0x5b: {  	[sflag:s20] =	ssyncadd.s32 $0xFFFFC000  }
0x5c: {  	_ =	swait.ge [sflag:s21], $0x80  }
0x5d: {  	[sflag:s21] =	ssyncset.done $0x0  }
0x5e: {  	[sflag:s21] =	ssyncadd.s32 $0xFFFFFF80  }
0x5f: {  	[spmem:s2] =	stream.indirect.scatter.add.f32 [tilespmem:s16], [sflag:$0x5], $0x80, s17, s15, $0xb8;
	[tilespmem:$0x1E500] =	vst v63  }
0x60: {  	_ =	swait.ge [sflag:s14], $0x4000  }
0x61: {  	[sflag:s14] =	ssyncset.done $0x0  }
0x62: {  	s30 =	sadd.s32 $0x100, s28;
	[sflag:s14] =	ssyncadd.s32 $0xFFFFC000  }
0x63: {  	[tilespmem:s16], [sflag:$0x1] =	stream.indirect.gather [hbm4b:s4+s15], $0x80, s30, s15, $0xb8;
	[tilespmem:$0x1E500] =	vst v63  }
0x64: {  	s31 =	sadd.s32 $0xFFFFFFF0, s26  }
0x65: {  	[tilespmem:s17], [sflag:$0x3] =	stream.linear.gather [hbm4b:s31+s3], $0x80, $0x38;
	[tilespmem:$0x1E500] =	vst v63  }
0x66: {  	_ =	swait.ge [sflag:s22], $0x4000  }
0x67: {  	[sflag:s22] =	ssyncset.done $0x0  }
0x68: {  	[sflag:s22] =	ssyncadd.s32 $0xFFFFC000  }
0x69: {  	_ =	swait.ge [sflag:s23], $0x80  }
0x6a: {  	[sflag:s23] =	ssyncset.done $0x0  }
0x6b: {  	[sflag:s23] =	ssyncadd.s32 $0xFFFFFF80  }
0x6c: {  	[spmem:s2] =	stream.indirect.scatter.add.f32 [tilespmem:s19], [sflag:$0x5], $0x80, s18, s15, $0xb8;
	[tilespmem:$0x1E500] =	vst v63  }
0x6d: {  	_ =	swait.ge [sflag:s14], $0x4000  }
0x6e: {  	[sflag:s14] =	ssyncset.done $0x0  }
0x6f: {  	[sflag:s14] =	ssyncadd.s32 $0xFFFFC000  }
0x70: {  	[tilespmem:s18], [sflag:$0x4] =	stream.linear.gather [hbm4b:s26+s3], $0x80, $0x38;
	[tilespmem:$0x1E500] =	vst v63  }
0x71: {  	_ = 	snop  }
0x72: {  	[tilespmem:s19], [sflag:$0x2] =	stream.indirect.gather [hbm4b:s4+s15], $0x80, s24, s15, $0xb8;
	[tilespmem:$0x1E500] =	vst v63  }
0x73: {  	_ =	swait.ge [sflag:s20], $0x4000  }
0x74: {  	[sflag:s20] =	ssyncset.done $0x0  }
0x75: {  	[sflag:s20] =	ssyncadd.s32 $0xFFFFC000  }
0x76: {  	_ =	swait.ge [sflag:s21], $0x80  }
0x77: {  	[sflag:s21] =	ssyncset.done $0x0  }
0x78: {  	[sflag:s21] =	ssyncadd.s32 $0xFFFFFF80  }
0x79: {  	[spmem:s2] =	stream.indirect.scatter.add.f32 [tilespmem:s16], [sflag:$0x5], $0x80, s17, s15, $0xb8;
	[tilespmem:$0x1E500] =	vst v63  }
0x7a: {  	_ =	swait.ge [sflag:s14], $0x4000  }
0x7b: {  	[sflag:s14] =	ssyncset.done $0x0  }
0x7c: {  	[sflag:s14] =	ssyncadd.s32 $0xFFFFC000  }
0x7d: {  	_ =	swait.ge [sflag:s22], $0x4000  }
0x7e: {  	[sflag:s22] =	ssyncset.done $0x0  }
0x7f: {  	[sflag:s22] =	ssyncadd.s32 $0xFFFFC000  }
0x80: {  	_ =	swait.ge [sflag:s23], $0x80  }
0x81: {  	[sflag:s23] =	ssyncset.done $0x0  }
0x82: {  	[sflag:s23] =	ssyncadd.s32 $0xFFFFFF80  }
0x83: {  	[spmem:s2] =	stream.indirect.scatter.add.f32 [tilespmem:s19], [sflag:$0x5], $0x80, s18, s15, $0xb8;
	[tilespmem:$0x1E500] =	vst v63  }
0x84: {  	_ =	swait.ge [sflag:s14], $0x4000  }
0x85: {  	s25 =	sadd.s32 $0x1, s25;
	[sflag:s14] =	ssyncset.done $0x0  }
0x86: {  	p0 =	sne.s32 s25, s11;
	[sflag:s14] =	ssyncadd.s32 $0xFFFFC000  }
.Ltmp1:
0x87: {  	[bflag:$0x0] =	sbarrier.arrive $0xFFFF;
	(pc) =	sbr.rel @p0 .LBB2_1-.Ltmp1, $4  }
0x88: {  	[hbm:s10], [sflag:s6] =	dma.local [spmem:s13], $0x2780  }
0x89: {  	_ =	swait.ge [sflag:s14], $0x2780  }
0x8a: {  	[sflag:s14] =	ssyncset.done $0x0  }
0x8b: {  	[sflag:s14] =	ssyncadd.s32 $0xFFFFD880  }
0x8c: {  	_ =	sfence.sel $0x180000  }
0x8d: {  	[bflag:$0x0] =	sbarrier.arrive $0xFFFF  }
0x8e: {  	_ =	strace $0x9000004D  }
0x8f: {  	s0 =	stileid.u32;
	[bflag:$0x2] =	sbarrier.arrive $0xFFFF  }
0x90: {  	p0 =	sne.s32 s0, $0x0;
	s0 =	rddreg [dreg:$0x2]  }
0x91: {  	s0 =	sadd.s32 @!p0 $0x100000, s0  }
0x92: {  	[sflag:s0] =	ssyncadd.tile.s32 @!p0 $0x1;
	_ =	shalt  }
.Lfunc_end2:
_tile_overlayer_lowered:
.L_overlay_start_2:
0x93: {  	(tag) =	ssettag $0x2  }
0x94: {  	s0 =	rddreg [dreg:$0x0];
	s2 =	stileid.u32  }
0x95: {  	s1 =	rddreg [dreg:$0x1];
	p0 =	sne.s32 s2, $0x0  }
0x96: {  	s3 =	rddreg [dreg:$0x2];
	[bflag:$0x3] =	sbarrier.arrive $0xFFFF;
	s2 =	simm.s32 @!p0 $0x1C05  }
0x97: {  	[timem:s3], [sflag:s2] =	dma.local @!p0 [hbm:s0], s1  }
0x98: {  	s0 =	simm.s32 @!p0 $0x5  }
0x99: {  	_ =	swait.ge @!p0 [sflag:s0], s1  }
0x9a: {  	s1 =	ssub.s32 @!p0 $0x0, s1;
	[sflag:s0] =	ssyncset.done @!p0 $0x0  }
0x9b: {  	[sflag:s0] =	ssyncadd.s32 @!p0 s1  }
0x9c: {  	[bflag:$0x3] =	sbarrier.arrive $0xFFFF  }
0x9d: {  	_ =	shalt  }

// kernel: kernel.20.cloned.1.call-start
scs
__scs_entry_jumppad:
0x0: {  	(pc) =	sbr.rel $0x88, $3  }
0x1: {  	(tag) =	ssettag $0x0;
	lr =	simm.s32 $0x1  }
0x2: {  	[smem:$0x3F92] =	sst lr;
	_ =	strace $0xD0000000  }
0x3: {  	_ = 	snop  }
0x4: {  	_ = 	snop  }
0x5: {  	_ = 	snop  }
0x6: {  	_ = 	snop  }
0x7: {  	_ = 	snop  }
__scs_overlays_trampoline_lowered:
0x8: {  	[smem:$0x3FA1] =	sst s0  }
0x9: {  	[smem:$0x3FA2] =	sst s1  }
0xa: {  	[smem:$0x3FA3] =	sst s2  }
0xb: {  	[smem:$0x3FA4] =	sst s3  }
0xc: {  	[smem:$0x3FA5] =	sst s4  }
0xd: {  	[smem:$0x3FA6] =	sst s5  }
0xe: {  	[smem:$0x3FA7] =	sst s6  }
0xf: {  	[smem:$0x3FA8] =	sst s7  }
0x10: {  	[smem:$0x3FA9] =	sst s8  }
0x11: {  	[smem:$0x3FAA] =	sst s9;
	s0 =	simm.s32 @!p0 $0x0  }
0x12: {  	s1 =	sld [smem:$0x3F90];
	s0 =	simm.s32 @p0 $0x1  }
0x13: {  	[smem:$0x3FAB] =	sst s0;
	s0 =	simm.s32 @!p1 $0x0  }
0x14: {  	s2 =	sld [smem:$0x3F8F];
	s0 =	simm.s32 @p1 $0x1  }
0x15: {  	[smem:$0x3FAC] =	sst s0;
	s0 =	simm.s32 @!p2 $0x0  }
0x16: {  	s3 =	sld [smem:$0x3FDB];
	s0 =	simm.s32 @p2 $0x1  }
0x17: {  	s4 =	simm.s32 $0x1BF5;
	[smem:$0x3FAE] =	sst s0  }
0x18: {  	s0 =	sld [smem:$0x3F91];
	_ =	swait.ge [sflag:s4], $0x0  }
0x19: {  	s7 =	sld [smem:$0x3F92]  }
0x1a: {  	s8 =	sadd.s32 $0xFFFFE003, lr  }
0x1b: {  	s9 =	sadd.s32 $0xFFFFFEF7, lr;
	s5 =	simm.s32 $0xFFFFFFFF;
	p2 =	slt.u32 s8, $0xFFFFF086  }
0x1c: {  	p1 =	slt.u32 s9, $0xF7A;
	s5 =	simm.s32 @!p2 $0x0  }
0x1d: {  	s5 =	simm.s32 @p1 $0x1;
	p0 =	seq.s32 s7, s2  }
0x1e: {  	s7 =	smul.u32 @!p0 $0xF7A, s2;
	p2 =	seq.s32 @!p0 s5, $0x0  }
0x1f: {  	s9 =	smul.u32 $0xF7A, s1;
	s8 =	simm.s32 @!p0 $0x1BF5;
	p2 =	por !p2, p0  }
0x20: {  	[sflag:s8] =	ssyncset.s32 @!p0 $0xFFFFF086;
	s6 =	sadd.s32 @!p0 s3, s7;
	s7 =	simm.s32 @!p0 $0x108  }
0x21: {  	s3 =	sadd.s32 s3, s9;
	s6 =	sadd.s32 @!p0 $0x88, s6;
	s7 =	simm.s32 @p2 $0x1082  }
0x22: {  	[simem:s7], [sflag:s8] =	dma.local @!p0 [hbm:s6], $0xF7A  }
0x23: {  	s9 =	sor.u32 $0xD0000000, s2;
	s6 =	simm.s32 $0x108;
	_ =	swait.ge @!p0 [sflag:s8], $0x0  }
0x24: {  	s3 =	sadd.s32 $0x88, s3;
	s6 =	simm.s32 @!p1 $0x1082;
	[sflag:s4] =	ssyncset.s32 $0xFFFFF086  }
0x25: {  	[simem:s6], [sflag:s4] =	dma.local [hbm:s3], $0xF7A  }
0x26: {  	[smem:$0x3F92] =	sst s1;
	(tag) =	ssettag s2;
	_ =	strace s9  }
0x27: {  	s1 =	sld [smem:$0x3FA2]  }
0x28: {  	s2 =	sld [smem:$0x3FA3]  }
0x29: {  	s4 =	sld [smem:$0x3FA5]  }
0x2a: {  	p0 =	seq.s32 s5, $0x0;
	s5 =	sld [smem:$0x3FA6]  }
0x2b: {  	s6 =	sld [smem:$0x3FA7]  }
0x2c: {  	s7 =	sld [smem:$0x3FA8]  }
0x2d: {  	s3 =	simm.s32 $0x108;
	s8 =	sld [smem:$0x3FA9]  }
0x2e: {  	s3 =	simm.s32 @!p0 $0x1082;
	s9 =	sld [smem:$0x3FAA]  }
0x2f: {  	lr =	sadd.s32 s0, s3;
	s0 =	sld [smem:$0x3FA1]  }
0x30: {  	s3 =	sld [smem:$0x3FA4]  }
0x31: {  	[smem:$0x3FAD] =	sst s10  }
0x32: {  	s10 =	sld [smem:$0x3FAB];
	_ =	sdelay $0x3  }
0x33: {  	p0 =	seq.s32 s10, $0x1;
	s10 =	sld [smem:$0x3FAD];
	_ =	sdelay $0x3  }
0x34: {  	[smem:$0x3FAD] =	sst s10  }
0x35: {  	s10 =	sld [smem:$0x3FAC];
	_ =	sdelay $0x3  }
0x36: {  	p1 =	seq.s32 s10, $0x1;
	s10 =	sld [smem:$0x3FAD];
	_ =	sdelay $0x3  }
0x37: {  	[smem:$0x3FAD] =	sst s10  }
0x38: {  	s10 =	sld [smem:$0x3FAE]  }
0x39: {  	_ = 	snop;
	(pc) =	sbr.ind lr, $3  }
0x3a: {  	_ = 	snop  }
0x3b: {  	_ = 	snop  }
0x3c: {  	p2 =	seq.s32 s10, $0x1;
	s10 =	sld [smem:$0x3FAD]  }
0x3d: {  	_ =	shalt  }
0x3e: {  	_ =	shalt  }
0x3f: {  	_ =	shalt  }
0x40: {  	_ =	shalt  }
0x41: {  	_ =	shalt  }
0x42: {  	_ =	shalt  }
0x43: {  	_ =	shalt  }
0x44: {  	_ =	shalt  }
0x45: {  	_ =	shalt  }
0x46: {  	_ =	shalt  }
0x47: {  	_ =	shalt  }
0x48: {  	_ =	shalt  }
0x49: {  	_ =	shalt  }
0x4a: {  	_ =	shalt  }
0x4b: {  	_ =	shalt  }
0x4c: {  	_ =	shalt  }
0x4d: {  	_ =	shalt  }
0x4e: {  	_ =	shalt  }
0x4f: {  	_ =	shalt  }
0x50: {  	_ =	shalt  }
0x51: {  	_ =	shalt  }
0x52: {  	_ =	shalt  }
0x53: {  	_ =	shalt  }
0x54: {  	_ =	shalt  }
0x55: {  	_ =	shalt  }
0x56: {  	_ =	shalt  }
0x57: {  	_ =	shalt  }
0x58: {  	_ =	shalt  }
0x59: {  	_ =	shalt  }
0x5a: {  	_ =	shalt  }
0x5b: {  	_ =	shalt  }
0x5c: {  	_ =	shalt  }
0x5d: {  	_ =	shalt  }
0x5e: {  	_ =	shalt  }
0x5f: {  	_ =	shalt  }
0x60: {  	_ =	shalt  }
0x61: {  	_ =	shalt  }
0x62: {  	_ =	shalt  }
0x63: {  	_ =	shalt  }
0x64: {  	_ =	shalt  }
0x65: {  	_ =	shalt  }
0x66: {  	_ =	shalt  }
0x67: {  	_ =	shalt  }
0x68: {  	_ =	shalt  }
0x69: {  	_ =	shalt  }
0x6a: {  	_ =	shalt  }
0x6b: {  	_ =	shalt  }
0x6c: {  	_ =	shalt  }
0x6d: {  	_ =	shalt  }
0x6e: {  	_ =	shalt  }
0x6f: {  	_ =	shalt  }
0x70: {  	_ =	shalt  }
0x71: {  	_ =	shalt  }
0x72: {  	_ =	shalt  }
0x73: {  	_ =	shalt  }
0x74: {  	_ =	shalt  }
0x75: {  	_ =	shalt  }
0x76: {  	_ =	shalt  }
0x77: {  	_ =	shalt  }
0x78: {  	_ =	shalt  }
0x79: {  	_ =	shalt  }
0x7a: {  	_ =	shalt  }
0x7b: {  	_ =	shalt  }
0x7c: {  	_ =	shalt  }
0x7d: {  	_ =	shalt  }
0x7e: {  	_ =	shalt  }
0x7f: {  	_ =	shalt  }
0x80: {  	_ =	shalt  }
0x81: {  	_ =	shalt  }
0x82: {  	_ =	shalt  }
0x83: {  	_ =	shalt  }
0x84: {  	_ =	shalt  }
0x85: {  	_ =	shalt  }
0x86: {  	_ =	shalt  }
0x87: {  	_ =	shalt  }
.Lfunc_end0:
.L_simem_size_0:
called_computation.3_lowered:
.L_overlay_start_0:
0x88: {  	s2 =	sld [smem:$0x3FD9]  }
0x89: {  	s3 =	sld [smem:$0x3FFE];
	_ =	sdelay $0x1  }
0x8a: {  	s1 =	srdreg.scid  }
0x8b: {  	s0 =	sand.u32 $0x1, s1  }
0x8c: {  	s16 =	sshll.u32 s0, $0xA;
	s2 =	sadd.s32 s3, s2  }
0x8d: {  	s2 =	sadd.s32 s2, s16  }
0x8e: {  	[smem:$0x3FB9] =	sst s2  }
0x8f: {  	_ = 	snop  }
0x90: {  	(tm) =	ssettm $0x1  }
0x91: {  	s17 =	sld [smem:$0x3FFB];
	_ =	sdelay $0x3  }
0x92: {  	_ =	strace s17  }
0x93: {  	s2 =	sld [smem:$0x3FFC];
	_ =	sdelay $0x3  }
0x94: {  	_ =	strace s2  }
0x95: {  	s2 =	sld [smem:$0x3FFD];
	_ =	sdelay $0x3  }
0x96: {  	_ =	strace s2  }
0x97: {  	_ =	strace $0x8FFFFFFF  }
0x98: {  	s18 =	sld [smem:$0x3FDB];
	_ =	sdelay $0x1  }
0x99: {  	s19 =	simm.s32 $_scs_section_size  }
0x9a: {  	s4 =	simm.s32 $_size__tile_overlayer_lowered;
	s5 =	simm.s32 $_tile_overlayer_lowered  }
0x9b: {  	s22 =	simm.s32 $0x1BFF;
	s21 =	sshll.u32 s5, $0x1;
	s2 =	sadd.s32 s19, s18  }
0x9c: {  	s6 =	simm.s32 $0x0;
	s20 =	sshll.u32 s4, $0x1;
	s4 =	sadd.s32 s21, s2  }
0x9d: {  	[timem:s6], [sflag:s22] =	dma.local [hbm:s4], s20  }
0x9e: {  	_ =	swait.ge [sflag:s22], s20  }
0x9f: {  	s3 =	ssub.s32 $0x0, s20;
	[sflag:s22] =	ssyncset.done $0x0  }
0xa0: {  	[sflag:s22] =	ssyncadd.s32 s3;
	_ =	sdelay $0x1  }
0xa1: {  	s23 =	simm.s32 $0x1B8B  }
0xa2: {  	_ =	swait.ge [sflag:s23], $0x1  }
0xa3: {  	[sflag:s23] =	ssyncset.done $0x0  }
0xa4: {  	s25 =	simm.s32 $0x1B8E;
	s24 =	sld [smem:$0x3FFE];
	[sflag:s23] =	ssyncadd.s32 $0xFFFFFFFF  }
0xa5: {  	s26 =	simm.s32 $execute0_lowered;
	[smem:$0x3FD2] =	sst s25  }
0xa6: {  	s4 =	sshll.u32 s26, $0x1;
	_ =	strace $0x8000004F;
	[dreg:$0x1] =	wrdreg $0xFFFFFFFF  }
0xa7: {  	s28 =	simm.s32 $_size_execute0_lowered;
	s2 =	sadd.s32 s2, s4;
	[dreg:$0x0] =	wrdreg $0x0  }
0xa8: {  	s4 =	sshll.u32 s28, $0x1;
	[dreg:$0x2] =	wrdreg s2  }
0xa9: {  	[dreg:$0x3] =	wrdreg s4  }
0xaa: {  	[dreg:$0x4] =	wrdreg $0xC0  }
0xab: {  	_ =	task [dreg:s6], $0x5FFFF  }
0xac: {  	[dreg:$0x1] =	wrdreg $0xFFFFFFFF  }
0xad: {  	[dreg:$0x0] =	wrdreg $0x60  }
0xae: {  	[dreg:$0x2] =	wrdreg s24  }
0xaf: {  	[dreg:$0x3] =	wrdreg $0xA9000  }
0xb0: {  	[dreg:$0x4] =	wrdreg $0x9  }
0xb1: {  	_ =	task.clear_ibuf [dreg:s6], $0x5FFFF;
	_ =	strace $0x9000004F  }
0xb2: {  	s29 =	simm.s32 $0x9;
	_ =	strace $0x80000051  }
0xb3: {  	_ =	swait.ge [sflag:s29], $0x1  }
0xb4: {  	[sflag:s29] =	ssyncadd.s32 $0xFFFFFFFF  }
0xb5: {  	_ =	strace $0x90000051  }
0xb6: {  	_ =	sfence  }
0xb7: {  	s30 =	sld [smem:$0x0];
	_ =	sdelay $0x2  }
0xb8: {  	s31 =	sshll.u32 s1, $0xD;
	s1 =	sshrl.u32 s1, $0x2  }
0xb9: {  	s3 =	sand.u32 $0x4000, s31;
	s1 =	sadd.s32 s1, s30  }
0xba: {  	s0 =	sor.u32 s3, s0;
	s1 =	sshll.u32 s1, $0x11  }
0xbb: {  	s0 =	sor.u32 s1, s0  }
0xbc: {  	s0 =	sadd.s32 $0x8F2B, s0  }
0xbd: {  	[sflag:s0] =	ssyncadd.remote.s32 $0x1  }
0xbe: {  	_ =	sfence.sel $0xFFFF  }
0xbf: {  	[dreg:$0x0] =	wrdreg $0xFFFFFFFF;
	(pc) =	sbr.abs _section_cstart, $3  }
0xc0: {  	[dreg:$0x1] =	wrdreg $0xFFFFFFFF  }
0xc1: {  	_ =	task.clear_ibuf [dreg:s6], $0x2FFFF;
	_ =	strace $0x9FFFFFFF  }
0xc2: {  	(tm) =	ssettm $0x7FFFFFFF  }
0xc3: {  	_ =	shalt  }
tec
execute0_lowered:
.L_overlay_start_1:
0x0: {  	(tag) =	ssettag $0x1  }
0x1: {  	s0 =	srdreg.scid  }
0x2: {  	s24 =	stileid.u32;
	s6 =	rddreg [dreg:$0x0]  }
0x3: {  	s2 =	rddreg [dreg:$0x1];
	s3 =	simm.s32 $0x0;
	s16 =	simm.s32 $0x2900  }
0x4: {  	s17 =	simm.s32 $0x2800;
	s18 =	simm.s32 $0x2880;
	s7 =	smul.u32 $0x50, s24  }
0x5: {  	s19 =	simm.s32 $0x6900;
	s20 =	simm.s32 $0x1;
	s25 =	smul.u32 $0x13C00, s24  }
0x6: {  	s21 =	simm.s32 $0x3;
	s22 =	simm.s32 $0x2;
	s13 =	smul.u32 $0x4F000, s24  }
0x7: {  	s23 =	simm.s32 $0x4;
	s5 =	sand.u32 $0x1, s0;
	s31 =	smul.u32 $0x500, s24  }
0x8: {  	[smem:$0x7FF] =	sst s3;
	s11 =	sadd.s32 $0xEE00, s6;
	s4 =	smul.u32 $0x500, s5  }
0x9: {  	s29 =	sshll.u32 s24, $0x6;
	s24 =	simm.s32 $0x2780;
	s10 =	smul.u32 $0x13C000, s5  }
0xa: {  	_ =	strace $0x80000050;
	s26 =	ssub.s32 $0x2, s5;
	s30 =	smul.u32 $0x5000, s5  }
0xb: {  	s12 =	sshrl.u32 s25, $0x3;
	s14 =	sshrl.u32 s26, $0x1;
	s28 =	sshrl.u32 s13, $0x2  }
0xc: {  	s4 =	sadd.s32 s7, s4;
	s7 =	sadd.s32 s25, s10;
	s12 =	sadd.s32 s12, s6  }
0xd: {  	s14 =	ssub.s32 s26, s14;
	s13 =	sadd.s32 s28, s2;
	s25 =	simm.s32 $0x0  }
0xe: {  	s8 =	sshll.u32 s4, $0x4;
	s4 =	sadd.s32 $0x68600, s6;
	s7 =	sshrl.u32 s7, $0x3  }
0xf: {  	s5 =	sadd.s32 $0x19600, s12;
	s13 =	sshrl.u32 s13, $0x3;
	s9 =	sadd.s32 s8, s6  }
0x10: {  	s15 =	sadd.s32 s7, s6;
	s6 =	sor.u32 $0x1C05, s29;
	s8 =	sadd.s32 s11, s8  }
0x11: {  	s11 =	sadd.s32 s30, s11;
	s7 =	sadd.s32 $0x4E00, s9;
	s9 =	sadd.s32 $0x10, s8  }
0x12: {  	s10 =	sadd.s32 $0x8FE00, s15;
	s12 =	sadd.s32 s31, s11;
	s11 =	smax.u32 s14, $0x1  }
0x13: {  	s14 =	simm.s32 $0x5;
	s15 =	simm.s32 $0x80;
	s12 =	sadd.s32 $0x30, s12  }
.LBB2_1:
0x14: {  	[spmem:s13], [sflag:s6] =	dma.local [hbm:s5], $0x2780  }
0x15: {  	_ =	swait.ge [sflag:s14], $0x2780  }
0x16: {  	[sflag:s14] =	ssyncset.done $0x0  }
0x17: {  	[sflag:s14] =	ssyncadd.s32 $0xFFFFD880  }
0x18: {  	[tilespmem:s3], [sflag:$0x5] =	stream.linear.gather [hbm4b:s7+s3], $0x2800, $0x38;
	[tilespmem:$0x1E500] =	vst v63  }
0x19: {  	_ =	swait.ge [sflag:s14], $0x2800  }
0x1a: {  	[sflag:s14] =	ssyncset.done $0x0  }
0x1b: {  	[sflag:s14] =	ssyncadd.s32 $0xFFFFD800  }
0x1c: {  	[bflag:$0x0] =	sbarrier.arrive $0xFFFF  }
0x1d: {  	[tilespmem:s16], [sflag:$0x1] =	stream.indirect.gather [hbm4b:s4+s15], $0x80, s3, s15, $0xb8;
	[tilespmem:$0x1E500] =	vst v63  }
0x1e: {  	_ = 	snop  }
0x1f: {  	[tilespmem:s17], [sflag:$0x3] =	stream.linear.gather [hbm4b:s8+s3], $0x80, $0x38;
	[tilespmem:$0x1E500] =	vst v63  }
0x20: {  	_ = 	snop  }
0x21: {  	[tilespmem:s18], [sflag:$0x4] =	stream.linear.gather [hbm4b:s9+s3], $0x80, $0x38;
	[tilespmem:$0x1E500] =	vst v63  }
0x22: {  	s26 =	simm.s32 $0x80  }
0x23: {  	[tilespmem:s19], [sflag:$0x2] =	stream.indirect.gather [hbm4b:s4+s15], $0x80, s26, s15, $0xb8;
	[tilespmem:$0x1E500] =	vst v63  }
0x24: {  	_ =	swait.ge [sflag:s20], $0x4000  }
0x25: {  	[sflag:s20] =	ssyncset.done $0x0  }
0x26: {  	[sflag:s20] =	ssyncadd.s32 $0xFFFFC000  }
0x27: {  	_ =	swait.ge [sflag:s21], $0x80  }
0x28: {  	[sflag:s21] =	ssyncset.done $0x0  }
0x29: {  	[sflag:s21] =	ssyncadd.s32 $0xFFFFFF80  }
0x2a: {  	[spmem:s2] =	stream.indirect.scatter.add.f32 [tilespmem:s16], [sflag:$0x5], $0x80, s17, s15, $0xb8;
	[tilespmem:$0x1E500] =	vst v63  }
0x2b: {  	_ =	swait.ge [sflag:s14], $0x4000  }
0x2c: {  	[sflag:s14] =	ssyncset.done $0x0  }
0x2d: {  	s1 =	simm.s32 $0x100;
	[sflag:s14] =	ssyncadd.s32 $0xFFFFC000  }
0x2e: {  	[tilespmem:s16], [sflag:$0x1] =	stream.indirect.gather [hbm4b:s4+s15], $0x80, s1, s15, $0xb8;
	[tilespmem:$0x1E500] =	vst v63  }
0x2f: {  	s31 =	sadd.s32 $0xFFFFFFF0, s12  }
0x30: {  	[tilespmem:s17], [sflag:$0x3] =	stream.linear.gather [hbm4b:s31+s3], $0x80, $0x38;
	[tilespmem:$0x1E500] =	vst v63  }
0x31: {  	_ =	swait.ge [sflag:s22], $0x4000  }
0x32: {  	[sflag:s22] =	ssyncset.done $0x0  }
0x33: {  	[sflag:s22] =	ssyncadd.s32 $0xFFFFC000  }
0x34: {  	_ =	swait.ge [sflag:s23], $0x80  }
0x35: {  	[sflag:s23] =	ssyncset.done $0x0  }
0x36: {  	[sflag:s23] =	ssyncadd.s32 $0xFFFFFF80  }
0x37: {  	[spmem:s2] =	stream.indirect.scatter.add.f32 [tilespmem:s19], [sflag:$0x5], $0x80, s18, s15, $0xb8;
	[tilespmem:$0x1E500] =	vst v63  }
0x38: {  	_ =	swait.ge [sflag:s14], $0x4000  }
0x39: {  	s28 =	simm.s32 $0x100;
	s30 =	simm.s32 $0x800;
	[sflag:s14] =	ssyncset.done $0x0  }
0x3a: {  	s29 =	smov.u32 s12;
	s26 =	sadd.s32 $0x20, s12;
	[sflag:s14] =	ssyncadd.s32 $0xFFFFC000  }
.LBB2_2:
0x3b: {  	[tilespmem:s18], [sflag:$0x4] =	stream.linear.gather [hbm4b:s29+s3], $0x80, $0x38;
	[tilespmem:$0x1E500] =	vst v63  }
0x3c: {  	s31 =	smov.u32 s30;
	s29 =	smov.u32 s26  }
0x3d: {  	s1 =	sadd.s32 $0x400, s30;
	s0 =	sadd.s32 $0x80, s28;
	s31 =	sshra.s32 s31, $0x2  }
0x3e: {  	[tilespmem:s19], [sflag:$0x2] =	stream.indirect.gather [hbm4b:s4+s15], $0x80, s0, s15, $0xb8;
	[tilespmem:$0x1E500] =	vst v63  }
0x3f: {  	p0 =	sne.s32 s30, $0x9800;
	_ =	swait.ge [sflag:s20], $0x4000  }
0x40: {  	[sflag:s20] =	ssyncset.done $0x0  }
0x41: {  	[sflag:s20] =	ssyncadd.s32 $0xFFFFC000  }
0x42: {  	_ =	swait.ge [sflag:s21], $0x80  }
0x43: {  	[sflag:s21] =	ssyncset.done $0x0  }
0x44: {  	[sflag:s21] =	ssyncadd.s32 $0xFFFFFF80  }
0x45: {  	[spmem:s2] =	stream.indirect.scatter.add.f32 [tilespmem:s16], [sflag:$0x5], $0x80, s17, s15, $0xb8;
	[tilespmem:$0x1E500] =	vst v63  }
0x46: {  	_ =	swait.ge [sflag:s14], $0x4000  }
0x47: {  	[sflag:s14] =	ssyncset.done $0x0  }
0x48: {  	s0 =	sadd.s32 $0x100, s28;
	s28 =	smov.u32 s31;
	[sflag:s14] =	ssyncadd.s32 $0xFFFFC000  }
0x49: {  	[tilespmem:s16], [sflag:$0x1] =	stream.indirect.gather [hbm4b:s4+s15], $0x80, s0, s15, $0xb8;
	[tilespmem:$0x1E500] =	vst v63  }
0x4a: {  	s0 =	sadd.s32 $0xFFFFFFF0, s26  }
0x4b: {  	[tilespmem:s17], [sflag:$0x3] =	stream.linear.gather [hbm4b:s0+s3], $0x80, $0x38;
	[tilespmem:$0x1E500] =	vst v63  }
0x4c: {  	_ =	swait.ge [sflag:s22], $0x4000  }
0x4d: {  	[sflag:s22] =	ssyncset.done $0x0  }
0x4e: {  	[sflag:s22] =	ssyncadd.s32 $0xFFFFC000  }
0x4f: {  	_ =	swait.ge [sflag:s23], $0x80  }
0x50: {  	[sflag:s23] =	ssyncset.done $0x0  }
.Ltmp0:
0x51: {  	[sflag:s23] =	ssyncadd.s32 $0xFFFFFF80;
	(pc) =	sbr.rel @p0 .LBB2_2-.Ltmp0, $4  }
0x52: {  	[spmem:s2] =	stream.indirect.scatter.add.f32 [tilespmem:s19], [sflag:$0x5], $0x80, s18, s15, $0xb8;
	[tilespmem:$0x1E500] =	vst v63  }
0x53: {  	_ =	swait.ge [sflag:s14], $0x4000  }
0x54: {  	[sflag:s14] =	ssyncset.done $0x0  }
0x55: {  	s30 =	smov.u32 s1;
	s26 =	sadd.s32 $0x20, s26;
	[sflag:s14] =	ssyncadd.s32 $0xFFFFC000  }
0x56: {  	[tilespmem:s18], [sflag:$0x4] =	stream.linear.gather [hbm4b:s29+s3], $0x80, $0x38;
	[tilespmem:$0x1E500] =	vst v63  }
0x57: {  	s0 =	sadd.s32 $0x80, s28  }
0x58: {  	[tilespmem:s19], [sflag:$0x2] =	stream.indirect.gather [hbm4b:s4+s15], $0x80, s0, s15, $0xb8;
	[tilespmem:$0x1E500] =	vst v63  }
0x59: {  	_ =	swait.ge [sflag:s20], $0x4000  }
0x5a: {  	[sflag:s20] =	ssyncset.done $0x0  }
0x5b: {  	[sflag:s20] =	ssyncadd.s32 $0xFFFFC000  }
0x5c: {  	_ =	swait.ge [sflag:s21], $0x80  }
0x5d: {  	[sflag:s21] =	ssyncset.done $0x0  }
0x5e: {  	[sflag:s21] =	ssyncadd.s32 $0xFFFFFF80  }
0x5f: {  	[spmem:s2] =	stream.indirect.scatter.add.f32 [tilespmem:s16], [sflag:$0x5], $0x80, s17, s15, $0xb8;
	[tilespmem:$0x1E500] =	vst v63  }
0x60: {  	_ =	swait.ge [sflag:s14], $0x4000  }
0x61: {  	[sflag:s14] =	ssyncset.done $0x0  }
0x62: {  	s30 =	sadd.s32 $0x100, s28;
	[sflag:s14] =	ssyncadd.s32 $0xFFFFC000  }
0x63: {  	[tilespmem:s16], [sflag:$0x1] =	stream.indirect.gather [hbm4b:s4+s15], $0x80, s30, s15, $0xb8;
	[tilespmem:$0x1E500] =	vst v63  }
0x64: {  	s31 =	sadd.s32 $0xFFFFFFF0, s26  }
0x65: {  	[tilespmem:s17], [sflag:$0x3] =	stream.linear.gather [hbm4b:s31+s3], $0x80, $0x38;
	[tilespmem:$0x1E500] =	vst v63  }
0x66: {  	_ =	swait.ge [sflag:s22], $0x4000  }
0x67: {  	[sflag:s22] =	ssyncset.done $0x0  }
0x68: {  	[sflag:s22] =	ssyncadd.s32 $0xFFFFC000  }
0x69: {  	_ =	swait.ge [sflag:s23], $0x80  }
0x6a: {  	[sflag:s23] =	ssyncset.done $0x0  }
0x6b: {  	[sflag:s23] =	ssyncadd.s32 $0xFFFFFF80  }
0x6c: {  	[spmem:s2] =	stream.indirect.scatter.add.f32 [tilespmem:s19], [sflag:$0x5], $0x80, s18, s15, $0xb8;
	[tilespmem:$0x1E500] =	vst v63  }
0x6d: {  	_ =	swait.ge [sflag:s14], $0x4000  }
0x6e: {  	[sflag:s14] =	ssyncset.done $0x0  }
0x6f: {  	[sflag:s14] =	ssyncadd.s32 $0xFFFFC000  }
0x70: {  	[tilespmem:s18], [sflag:$0x4] =	stream.linear.gather [hbm4b:s26+s3], $0x80, $0x38;
	[tilespmem:$0x1E500] =	vst v63  }
0x71: {  	_ = 	snop  }
0x72: {  	[tilespmem:s19], [sflag:$0x2] =	stream.indirect.gather [hbm4b:s4+s15], $0x80, s24, s15, $0xb8;
	[tilespmem:$0x1E500] =	vst v63  }
0x73: {  	_ =	swait.ge [sflag:s20], $0x4000  }
0x74: {  	[sflag:s20] =	ssyncset.done $0x0  }
0x75: {  	[sflag:s20] =	ssyncadd.s32 $0xFFFFC000  }
0x76: {  	_ =	swait.ge [sflag:s21], $0x80  }
0x77: {  	[sflag:s21] =	ssyncset.done $0x0  }
0x78: {  	[sflag:s21] =	ssyncadd.s32 $0xFFFFFF80  }
0x79: {  	[spmem:s2] =	stream.indirect.scatter.add.f32 [tilespmem:s16], [sflag:$0x5], $0x80, s17, s15, $0xb8;
	[tilespmem:$0x1E500] =	vst v63  }
0x7a: {  	_ =	swait.ge [sflag:s14], $0x4000  }
0x7b: {  	[sflag:s14] =	ssyncset.done $0x0  }
0x7c: {  	[sflag:s14] =	ssyncadd.s32 $0xFFFFC000  }
0x7d: {  	_ =	swait.ge [sflag:s22], $0x4000  }
0x7e: {  	[sflag:s22] =	ssyncset.done $0x0  }
0x7f: {  	[sflag:s22] =	ssyncadd.s32 $0xFFFFC000  }
0x80: {  	_ =	swait.ge [sflag:s23], $0x80  }
0x81: {  	[sflag:s23] =	ssyncset.done $0x0  }
0x82: {  	[sflag:s23] =	ssyncadd.s32 $0xFFFFFF80  }
0x83: {  	[spmem:s2] =	stream.indirect.scatter.add.f32 [tilespmem:s19], [sflag:$0x5], $0x80, s18, s15, $0xb8;
	[tilespmem:$0x1E500] =	vst v63  }
0x84: {  	_ =	swait.ge [sflag:s14], $0x4000  }
0x85: {  	s25 =	sadd.s32 $0x1, s25;
	[sflag:s14] =	ssyncset.done $0x0  }
0x86: {  	p0 =	sne.s32 s25, s11;
	[sflag:s14] =	ssyncadd.s32 $0xFFFFC000  }
.Ltmp1:
0x87: {  	[bflag:$0x0] =	sbarrier.arrive $0xFFFF;
	(pc) =	sbr.rel @p0 .LBB2_1-.Ltmp1, $4  }
0x88: {  	[hbm:s10], [sflag:s6] =	dma.local [spmem:s13], $0x2780  }
0x89: {  	_ =	swait.ge [sflag:s14], $0x2780  }
0x8a: {  	[sflag:s14] =	ssyncset.done $0x0  }
0x8b: {  	[sflag:s14] =	ssyncadd.s32 $0xFFFFD880  }
0x8c: {  	_ =	sfence.sel $0x180000  }
0x8d: {  	[bflag:$0x0] =	sbarrier.arrive $0xFFFF  }
0x8e: {  	_ =	strace $0x90000050  }
0x8f: {  	s0 =	stileid.u32;
	[bflag:$0x2] =	sbarrier.arrive $0xFFFF  }
0x90: {  	p0 =	sne.s32 s0, $0x0;
	s0 =	rddreg [dreg:$0x2]  }
0x91: {  	s0 =	sadd.s32 @!p0 $0x100000, s0  }
0x92: {  	[sflag:s0] =	ssyncadd.tile.s32 @!p0 $0x1;
	_ =	shalt  }
.Lfunc_end2:
_tile_overlayer_lowered:
.L_overlay_start_2:
0x93: {  	(tag) =	ssettag $0x2  }
0x94: {  	s0 =	rddreg [dreg:$0x0];
	s2 =	stileid.u32  }
0x95: {  	s1 =	rddreg [dreg:$0x1];
	p0 =	sne.s32 s2, $0x0  }
0x96: {  	s3 =	rddreg [dreg:$0x2];
	[bflag:$0x3] =	sbarrier.arrive $0xFFFF;
	s2 =	simm.s32 @!p0 $0x1C05  }
0x97: {  	[timem:s3], [sflag:s2] =	dma.local @!p0 [hbm:s0], s1  }
0x98: {  	s0 =	simm.s32 @!p0 $0x5  }
0x99: {  	_ =	swait.ge @!p0 [sflag:s0], s1  }
0x9a: {  	s1 =	ssub.s32 @!p0 $0x0, s1;
	[sflag:s0] =	ssyncset.done @!p0 $0x0  }
0x9b: {  	[sflag:s0] =	ssyncadd.s32 @!p0 s1  }
0x9c: {  	[bflag:$0x3] =	sbarrier.arrive $0xFFFF  }
0x9d: {  	_ =	shalt  }

</sc_bundles>
